<compile_context>
chip_gen: v7x
topology: tpu7x:2x2x1
jax: 0.10.2.dev20260603
libtpu: 0.0.44.dev20260713+nightly
codegen_flags: <defaults>
</compile_context>

<pallas_src>
import functools
import math

import jax
import jax.numpy as jnp
import numpy as np
from jax import lax
from jax.experimental import pallas as pl
from jax.experimental.pallas import tpu as pltpu
from jax.experimental.pallas import tpu_sc as plsc

_D = 1024
_HALF = _D // 2
_LANES = 16
_NC = 2
_NS = 16
_NW = _NC * _NS


def _sin_cos_table(seq_len: int) -> jnp.ndarray:
    scale = math.log(10000.0) / (_HALF - 1)
    inv_freq = np.exp(np.arange(_HALF, dtype=np.float32) * -scale)
    angles = np.arange(1, seq_len + 1, dtype=np.float32)[:, None] * inv_freq[None, :]
    table = np.concatenate([np.sin(angles), np.cos(angles)], axis=1)
    return jnp.asarray(table, dtype=jnp.float32)


def _make_sc_kernel(bsz, seq_len):
    n_rows = bsz * seq_len
    rows_per_w = n_rows // _NW
    w_per_batch = seq_len // rows_per_w
    chunk_rows = 32
    n_chunks = rows_per_w // chunk_rows
    chunk_elems = chunk_rows * _D
    vecs_per_row = _D // _LANES

    mesh = plsc.VectorSubcoreMesh(core_axis_name="c", subcore_axis_name="s")

    @functools.partial(
        pl.kernel,
        mesh=mesh,
        out_type=jax.ShapeDtypeStruct((n_rows * _D,), jnp.float32),
        scratch_types=[
            pltpu.VMEM((chunk_elems,), jnp.float32),
            pltpu.VMEM((chunk_elems,), jnp.float32),
            pltpu.VMEM((_LANES,), jnp.int32),
        ],
    )
    def sc_kernel(x_hbm, tab_hbm, len_hbm, out_hbm, xv, tv, lv):
        wid = lax.axis_index("s") * _NC + lax.axis_index("c")
        b = wid // w_per_batch
        t_base = (wid % w_per_batch) * rows_per_w
        pltpu.sync_copy(len_hbm, lv)
        lvec = lv[...]
        bvec = jnp.full((_LANES,), b, dtype=jnp.int32)
        len_vec = lax.gather(
            lvec,
            bvec[:, None],
            lax.GatherDimensionNumbers(
                offset_dims=(), collapsed_slice_dims=(0,), start_index_map=(0,)
            ),
            slice_sizes=(1,),
            mode=lax.GatherScatterMode.PROMISE_IN_BOUNDS,
        )
        for c in range(n_chunks):
            row0 = wid * rows_per_w + c * chunk_rows
            t0 = t_base + c * chunk_rows
            pltpu.sync_copy(x_hbm.at[pl.ds(row0 * _D, chunk_elems)], xv)
            pltpu.sync_copy(tab_hbm.at[pl.ds(t0 * _D, chunk_elems)], tv)

            def jbody(j, carry):
                maskv = jnp.full((_LANES,), t0 + j, dtype=jnp.int32) < len_vec
                mf = jnp.where(maskv, 1.0, 0.0).astype(jnp.float32)

                def kbody(k, carry2):
                    i = j * _D + k * _LANES
                    xvk = xv[pl.ds(i, _LANES)]
                    tvk = tv[pl.ds(i, _LANES)]
                    xv[pl.ds(i, _LANES)] = xvk + tvk * mf
                    return carry2

                lax.fori_loop(0, vecs_per_row, kbody, 0, unroll=8)
                return carry

            lax.fori_loop(0, chunk_rows, jbody, 0)
            pltpu.sync_copy(xv, out_hbm.at[pl.ds(row0 * _D, chunk_elems)])

    return sc_kernel


def kernel(x, lengths):
    bsz, seq_len, d = x.shape
    tab = _sin_cos_table(seq_len).reshape(-1)
    lengths32 = jnp.zeros((_LANES,), jnp.int32).at[:bsz].set(
        lengths.astype(jnp.int32)
    )
    sc = _make_sc_kernel(bsz, seq_len)
    out = sc(x.reshape(-1), tab, lengths32)
    return out.reshape(bsz, seq_len, d)

# --- scband reference (transcript-rebuilt; emitter-appended) ---
"""Pipeline reference for scband-sinusoidal-positional-embedding-12747462934716 (READ-ONLY COPY).

The authoritative reference and input builder live on the scoring server;
editing this copy changes nothing except your own understanding.
"""

import math
import jax, jax.numpy as jnp
import numpy as np

D_MODEL = 1024
PADDING_IDX = 0


def get_embedding(num_embeddings, d_model, padding_idx=None):
    half_dim = d_model // 2
    emb = math.log(10000) / (half_dim - 1)
    emb = np.exp(np.arange(half_dim, dtype=np.float32) * -emb)
    emb = np.arange(num_embeddings, dtype=np.float32)[:, None] * emb[None, :]
    emb = np.concatenate([np.sin(emb), np.cos(emb)], axis=1).reshape(num_embeddings, -1)
    if d_model % 2 == 1:
        emb = np.concatenate([emb, np.zeros((num_embeddings, 1), dtype=np.float32)], axis=1)
    if padding_idx is not None:
        emb[padding_idx, :] = 0
    return jnp.asarray(emb, dtype=jnp.float32)


def setup_inputs(seed: int = 0) -> dict:
    key = jax.random.key(seed)
    k1, k2 = jax.random.split(key)
    x = jax.random.normal(k1, (4, 2048, 1024), dtype=jnp.float32)
    lengths = jax.random.randint(k2, (4,), 0, 2048, dtype=jnp.int64)
    return {"x": x, "lengths": lengths}


def reference(x, lengths):
    bsz, seq_len = x.shape[:2]
    max_pos = PADDING_IDX + 1 + seq_len
    weights = get_embedding(max_pos, D_MODEL, PADDING_IDX)
    # create_mask_from_length: True where position index < length
    mask = (jnp.arange(seq_len)[None, :] < lengths[:, None]).astype(jnp.int64)
    positions = mask * (jnp.arange(seq_len) + 1)[None, :]
    pos_emb = jnp.take(weights, positions.reshape(-1), axis=0).reshape(bsz, seq_len, -1)
    pos_emb = jax.lax.stop_gradient(pos_emb)
    return x + pos_emb

if __name__ == "__main__":
    import jax
    _d = setup_inputs()
    print(jax.jit(kernel)(*tuple(_d.values())))

</pallas_src>

<mosaic_0001>
#map = affine_map<(d0, d1) -> (0)>
module attributes {stable_mosaic.version = 14 : i64} {
  func.func @sc_kernel(%arg0: i32, %arg1: i32, %arg2: memref<8388608xf32, #tpu.memory_space<hbm>>, %arg3: memref<2097152xf32, #tpu.memory_space<hbm>>, %arg4: memref<16xi32, #tpu.memory_space<hbm>>, %arg5: memref<8388608xf32, #tpu.memory_space<hbm>>, %arg6: memref<32768xf32, #tpu.memory_space<vmem>>, %arg7: memref<32768xf32, #tpu.memory_space<vmem>>, %arg8: memref<16xi32, #tpu.memory_space<vmem>>) attributes {dimension_semantics = [#tpu.dimension_semantics<core_parallel>, #tpu.dimension_semantics<subcore_parallel>], iteration_bounds = array<i64: 2, 16>, scalar_prefetch = 0 : i64, scratch_operands = 3 : i64, tpu.core_type = #tpu.core_type<sc_vector_subcore>, window_params = [{transform_indices = #map}, {transform_indices = #map}, {transform_indices = #map}, {transform_indices = #map}]} {
    %mul3A = arith.constant 2 : i32
    %mul3A_0 = arith.muli %arg1, %mul3A : i32
    %add3A = arith.addi %mul3A_0, %arg0 : i32
    %jit3A = arith.constant 8 : i32
    %div3A = arith.divsi %add3A, %jit3A : i32
    %sign3A = arith.constant 0 : i32
    %sign3A_1 = arith.cmpi sgt, %add3A, %sign3A : i32
    %sign3A_2 = arith.extui %sign3A_1 : i1 to i32
    %sign3A_3 = arith.constant 0 : i32
    %sign3A_4 = arith.cmpi slt, %add3A, %sign3A_3 : i32
    %sign3A_5 = arith.extui %sign3A_4 : i1 to i32
    %sign3A_6 = arith.subi %sign3A_2, %sign3A_5 : i32
    %sign3A_7 = arith.constant 0 : i32
    %sign3A_8 = arith.cmpi sgt, %jit3A, %sign3A_7 : i32
    %sign3A_9 = arith.extui %sign3A_8 : i1 to i32
    %sign3A_10 = arith.constant 0 : i32
    %sign3A_11 = arith.cmpi slt, %jit3A, %sign3A_10 : i32
    %sign3A_12 = arith.extui %sign3A_11 : i1 to i32
    %sign3A_13 = arith.subi %sign3A_9, %sign3A_12 : i32
    %ne3A = arith.cmpi ne, %sign3A_6, %sign3A_13 : i32
    %rem3A = arith.remsi %add3A, %jit3A : i32
    %ne3A_14 = arith.constant 0 : i32
    %ne3A_15 = arith.cmpi ne, %rem3A, %ne3A_14 : i32
    %and3A = arith.andi %ne3A, %ne3A_15 : i1
    %sub3A = arith.constant 1 : i32
    %sub3A_16 = arith.subi %div3A, %sub3A : i32
    %select_n3A = arith.select %and3A, %sub3A_16, %div3A : i32
    %jit3A_17 = arith.constant 8 : i32
    %eq3A = arith.constant 0 : i32
    %eq3A_18 = arith.cmpi eq, %jit3A_17, %eq3A : i32
    %jit3A_19 = arith.constant 1 : i32
    %select_n3A_20 = arith.select %eq3A_18, %jit3A_19, %jit3A_17 : i32
    %rem3A_21 = arith.remsi %add3A, %select_n3A_20 : i32
    %ne3A_22 = arith.constant 0 : i32
    %ne3A_23 = arith.cmpi ne, %rem3A_21, %ne3A_22 : i32
    %lt3A = arith.constant 0 : i32
    %lt3A_24 = arith.cmpi slt, %rem3A_21, %lt3A : i32
    %lt3A_25 = arith.constant 0 : i32
    %lt3A_26 = arith.cmpi slt, %select_n3A_20, %lt3A_25 : i32
    %ne3A_27 = arith.xori %lt3A_24, %lt3A_26 : i1
    %and3A_28 = arith.andi %ne3A_27, %ne3A_23 : i1
    %add3A_29 = arith.addi %rem3A_21, %select_n3A_20 : i32
    %select_n3A_30 = arith.select %and3A_28, %add3A_29, %rem3A_21 : i32
    %mul3A_31 = arith.constant 256 : i32
    %mul3A_32 = arith.muli %select_n3A_30, %mul3A_31 : i32
    "tpu.region"() ({
      %run_scoped3A = tpu.sem_alloc : memref<!tpu.dma_semaphore, #tpu.memory_space<semaphore_mem>>
      tpu.enqueue_dma source(%arg4 : memref<16xi32, #tpu.memory_space<hbm>>) target(%arg8 : memref<16xi32, #tpu.memory_space<vmem>>) target_semaphore(%run_scoped3A : memref<!tpu.dma_semaphore, #tpu.memory_space<semaphore_mem>>)
      tpu.wait_dma2 semaphore(%run_scoped3A : memref<!tpu.dma_semaphore, #tpu.memory_space<semaphore_mem>>) src(%arg4 : memref<16xi32, #tpu.memory_space<hbm>>) dst(%arg8 : memref<16xi32, #tpu.memory_space<vmem>>)
      tpu.yield
    }) : () -> ()
    %get3A = arith.constant 0 : index
    %get3A_33 = tpu.vector_load %arg8[%get3A] {strides = array<i32>} : memref<16xi32, #tpu.memory_space<vmem>>, vector<16xi32>,
    %get3A_34 = vector.shape_cast %get3A_33 : vector<16xi32> to vector<16xi32>
    %broadcast_in_dim3A = vector.broadcast %select_n3A : i32 to vector<16xi32>
    %broadcast_in_dim3A_35 = vector.shape_cast %broadcast_in_dim3A : vector<16xi32> to vector<16x1xi32>
    %gather3A = vector.shape_cast %broadcast_in_dim3A_35 : vector<16x1xi32> to vector<16xi32>
    %gather3A_36 = tpu.dynamic_gather %get3A_34[%gather3A] in [0] : vector<16xi32>, vector<16xi32> -> vector<16xi32>
    %mul3A_37 = arith.constant 256 : i32
    %mul3A_38 = arith.muli %add3A, %mul3A_37 : i32
    %add3A_39 = arith.constant 0 : i32
    %add3A_40 = arith.addi %mul3A_38, %add3A_39 : i32
    %add3A_41 = arith.constant 0 : i32
    %add3A_42 = arith.addi %mul3A_32, %add3A_41 : i32
    %mul3A_43 = arith.constant 1024 : i32
    %mul3A_44 = arith.muli %add3A_40, %mul3A_43 : i32
    "tpu.region"() ({
      %run_scoped3A = tpu.sem_alloc : memref<!tpu.dma_semaphore, #tpu.memory_space<semaphore_mem>>
      %dma_start3A = tpu.memref_slice %arg2[%mul3A_44] : memref<8388608xf32, #tpu.memory_space<hbm>> -> memref<32768xf32, #tpu.memory_space<hbm>>
      %dma_start3A_180 = tpu.memref_slice %arg2[%mul3A_44] : memref<8388608xf32, #tpu.memory_space<hbm>> -> memref<32768xf32, #tpu.memory_space<hbm>>
      tpu.enqueue_dma source(%dma_start3A_180 : memref<32768xf32, #tpu.memory_space<hbm>>) target(%arg6 : memref<32768xf32, #tpu.memory_space<vmem>>) target_semaphore(%run_scoped3A : memref<!tpu.dma_semaphore, #tpu.memory_space<semaphore_mem>>)
      %dma_wait3A = tpu.memref_slice %arg2[%mul3A_44] : memref<8388608xf32, #tpu.memory_space<hbm>> -> memref<32768xf32, #tpu.memory_space<hbm>>
      %dma_wait3A_181 = tpu.memref_slice %arg2[%mul3A_44] : memref<8388608xf32, #tpu.memory_space<hbm>> -> memref<32768xf32, #tpu.memory_space<hbm>>
      tpu.wait_dma2 semaphore(%run_scoped3A : memref<!tpu.dma_semaphore, #tpu.memory_space<semaphore_mem>>) src(%dma_wait3A_181 : memref<32768xf32, #tpu.memory_space<hbm>>) dst(%arg6 : memref<32768xf32, #tpu.memory_space<vmem>>)
      tpu.yield
    }) : () -> ()
    %mul3A_45 = arith.constant 1024 : i32
    %mul3A_46 = arith.muli %add3A_42, %mul3A_45 : i32
    "tpu.region"() ({
      %run_scoped3A = tpu.sem_alloc : memref<!tpu.dma_semaphore, #tpu.memory_space<semaphore_mem>>
      %dma_start3A = tpu.memref_slice %arg3[%mul3A_46] : memref<2097152xf32, #tpu.memory_space<hbm>> -> memref<32768xf32, #tpu.memory_space<hbm>>
      %dma_start3A_180 = tpu.memref_slice %arg3[%mul3A_46] : memref<2097152xf32, #tpu.memory_space<hbm>> -> memref<32768xf32, #tpu.memory_space<hbm>>
      tpu.enqueue_dma source(%dma_start3A_180 : memref<32768xf32, #tpu.memory_space<hbm>>) target(%arg7 : memref<32768xf32, #tpu.memory_space<vmem>>) target_semaphore(%run_scoped3A : memref<!tpu.dma_semaphore, #tpu.memory_space<semaphore_mem>>)
      %dma_wait3A = tpu.memref_slice %arg3[%mul3A_46] : memref<2097152xf32, #tpu.memory_space<hbm>> -> memref<32768xf32, #tpu.memory_space<hbm>>
      %dma_wait3A_181 = tpu.memref_slice %arg3[%mul3A_46] : memref<2097152xf32, #tpu.memory_space<hbm>> -> memref<32768xf32, #tpu.memory_space<hbm>>
      tpu.wait_dma2 semaphore(%run_scoped3A : memref<!tpu.dma_semaphore, #tpu.memory_space<semaphore_mem>>) src(%dma_wait3A_181 : memref<32768xf32, #tpu.memory_space<hbm>>) dst(%arg7 : memref<32768xf32, #tpu.memory_space<vmem>>)
      tpu.yield
    }) : () -> ()
    %scan3A = arith.constant 0 : i32
    %scan3A_47 = arith.constant 0 : i32
    %scan3A_48 = arith.constant 32 : i32
    %scan3A_49 = arith.addi %scan3A_47, %scan3A_48 : i32
    %scan3A_50 = arith.constant 1 : i32
    scf.for %scan3A_180 = %scan3A_47 to %scan3A_49 step %scan3A_50  : i32 {
      %add3A_181 = arith.addi %add3A_42, %scan3A_180 : i32
      %broadcast_in_dim3A_182 = vector.broadcast %add3A_181 : i32 to vector<16xi32>
      %lt3A_183 = arith.cmpi slt, %broadcast_in_dim3A_182, %gather3A_36 : vector<16xi32>
      %jit3A_184 = arith.constant 1.000000e+00 : f32
      %jit3A_185 = arith.constant 0.000000e+00 : f32
      %broadcast_in_dim3A_186 = vector.broadcast %jit3A_184 : f32 to vector<16xf32>
      %broadcast_in_dim3A_187 = vector.broadcast %jit3A_185 : f32 to vector<16xf32>
      %select_n3A_188 = arith.select %lt3A_183, %broadcast_in_dim3A_186, %broadcast_in_dim3A_187 : vector<16xi1>, vector<16xf32>
      %scan3A_189 = arith.constant 0 : i32
      %scan3A_190 = arith.constant 0 : i32
      %scan3A_191 = arith.constant 64 : i32
      %scan3A_192 = arith.addi %scan3A_190, %scan3A_191 : i32
      %scan3A_193 = arith.constant 8 : i32
      scf.for %scan3A_195 = %scan3A_190 to %scan3A_192 step %scan3A_193  : i32 {
        %mul3A_196 = arith.constant 1024 : i32
        %mul3A_197 = arith.muli %scan3A_180, %mul3A_196 : i32
        %mul3A_198 = arith.constant 16 : i32
        %mul3A_199 = arith.muli %scan3A_195, %mul3A_198 : i32
        %add3A_200 = arith.addi %mul3A_197, %mul3A_199 : i32
        %get3A_201 = arith.index_cast %add3A_200 : i32 to index
        %get3A_202 = tpu.vector_load %arg6[%get3A_201] {strides = array<i32>} : memref<32768xf32, #tpu.memory_space<vmem>>, vector<16xf32>,
        %get3A_203 = vector.shape_cast %get3A_202 : vector<16xf32> to vector<16xf32>
        %get3A_204 = arith.index_cast %add3A_200 : i32 to index
        %get3A_205 = tpu.vector_load %arg7[%get3A_204] {strides = array<i32>} : memref<32768xf32, #tpu.memory_space<vmem>>, vector<16xf32>,
        %get3A_206 = vector.shape_cast %get3A_205 : vector<16xf32> to vector<16xf32>
        %mul3A_207 = arith.mulf %get3A_206, %select_n3A_188 : vector<16xf32>
        %add3A_208 = arith.addf %get3A_203, %mul3A_207 : vector<16xf32>
        %swap3A = arith.index_cast %add3A_200 : i32 to index
        %swap3A_209 = tpu.vector_load %arg6[%swap3A] {strides = array<i32>} : memref<32768xf32, #tpu.memory_space<vmem>>, vector<16xf32>,
        %swap3A_210 = vector.shape_cast %swap3A_209 : vector<16xf32> to vector<16xf32>
        %swap3A_211 = vector.shape_cast %add3A_208 : vector<16xf32> to vector<16xf32>
        tpu.vector_store %arg6[%swap3A], %swap3A_211 {strides = array<i32>} : memref<32768xf32, #tpu.memory_space<vmem>>, vector<16xf32>,
        %scan3A_212 = arith.constant 1 : i32
        %scan3A_213 = arith.addi %scan3A_195, %scan3A_212 : i32
        %mul3A_214 = arith.constant 1024 : i32
        %mul3A_215 = arith.muli %scan3A_180, %mul3A_214 : i32
        %mul3A_216 = arith.constant 16 : i32
        %mul3A_217 = arith.muli %scan3A_213, %mul3A_216 : i32
        %add3A_218 = arith.addi %mul3A_215, %mul3A_217 : i32
        %get3A_219 = arith.index_cast %add3A_218 : i32 to index
        %get3A_220 = tpu.vector_load %arg6[%get3A_219] {strides = array<i32>} : memref<32768xf32, #tpu.memory_space<vmem>>, vector<16xf32>,
        %get3A_221 = vector.shape_cast %get3A_220 : vector<16xf32> to vector<16xf32>
        %get3A_222 = arith.index_cast %add3A_218 : i32 to index
        %get3A_223 = tpu.vector_load %arg7[%get3A_222] {strides = array<i32>} : memref<32768xf32, #tpu.memory_space<vmem>>, vector<16xf32>,
        %get3A_224 = vector.shape_cast %get3A_223 : vector<16xf32> to vector<16xf32>
        %mul3A_225 = arith.mulf %get3A_224, %select_n3A_188 : vector<16xf32>
        %add3A_226 = arith.addf %get3A_221, %mul3A_225 : vector<16xf32>
        %swap3A_227 = arith.index_cast %add3A_218 : i32 to index
        %swap3A_228 = tpu.vector_load %arg6[%swap3A_227] {strides = array<i32>} : memref<32768xf32, #tpu.memory_space<vmem>>, vector<16xf32>,
        %swap3A_229 = vector.shape_cast %swap3A_228 : vector<16xf32> to vector<16xf32>
        %swap3A_230 = vector.shape_cast %add3A_226 : vector<16xf32> to vector<16xf32>
        tpu.vector_store %arg6[%swap3A_227], %swap3A_230 {strides = array<i32>} : memref<32768xf32, #tpu.memory_space<vmem>>, vector<16xf32>,
        %scan3A_231 = arith.constant 2 : i32
        %scan3A_232 = arith.addi %scan3A_195, %scan3A_231 : i32
        %mul3A_233 = arith.constant 1024 : i32
        %mul3A_234 = arith.muli %scan3A_180, %mul3A_233 : i32
        %mul3A_235 = arith.constant 16 : i32
        %mul3A_236 = arith.muli %scan3A_232, %mul3A_235 : i32
        %add3A_237 = arith.addi %mul3A_234, %mul3A_236 : i32
        %get3A_238 = arith.index_cast %add3A_237 : i32 to index
        %get3A_239 = tpu.vector_load %arg6[%get3A_238] {strides = array<i32>} : memref<32768xf32, #tpu.memory_space<vmem>>, vector<16xf32>,
        %get3A_240 = vector.shape_cast %get3A_239 : vector<16xf32> to vector<16xf32>
        %get3A_241 = arith.index_cast %add3A_237 : i32 to index
        %get3A_242 = tpu.vector_load %arg7[%get3A_241] {strides = array<i32>} : memref<32768xf32, #tpu.memory_space<vmem>>, vector<16xf32>,
        %get3A_243 = vector.shape_cast %get3A_242 : vector<16xf32> to vector<16xf32>
        %mul3A_244 = arith.mulf %get3A_243, %select_n3A_188 : vector<16xf32>
        %add3A_245 = arith.addf %get3A_240, %mul3A_244 : vector<16xf32>
        %swap3A_246 = arith.index_cast %add3A_237 : i32 to index
        %swap3A_247 = tpu.vector_load %arg6[%swap3A_246] {strides = array<i32>} : memref<32768xf32, #tpu.memory_space<vmem>>, vector<16xf32>,
        %swap3A_248 = vector.shape_cast %swap3A_247 : vector<16xf32> to vector<16xf32>
        %swap3A_249 = vector.shape_cast %add3A_245 : vector<16xf32> to vector<16xf32>
        tpu.vector_store %arg6[%swap3A_246], %swap3A_249 {strides = array<i32>} : memref<32768xf32, #tpu.memory_space<vmem>>, vector<16xf32>,
        %scan3A_250 = arith.constant 3 : i32
        %scan3A_251 = arith.addi %scan3A_195, %scan3A_250 : i32
        %mul3A_252 = arith.constant 1024 : i32
        %mul3A_253 = arith.muli %scan3A_180, %mul3A_252 : i32
        %mul3A_254 = arith.constant 16 : i32
        %mul3A_255 = arith.muli %scan3A_251, %mul3A_254 : i32
        %add3A_256 = arith.addi %mul3A_253, %mul3A_255 : i32
        %get3A_257 = arith.index_cast %add3A_256 : i32 to index
        %get3A_258 = tpu.vector_load %arg6[%get3A_257] {strides = array<i32>} : memref<32768xf32, #tpu.memory_space<vmem>>, vector<16xf32>,
        %get3A_259 = vector.shape_cast %get3A_258 : vector<16xf32> to vector<16xf32>
        %get3A_260 = arith.index_cast %add3A_256 : i32 to index
        %get3A_261 = tpu.vector_load %arg7[%get3A_260] {strides = array<i32>} : memref<32768xf32, #tpu.memory_space<vmem>>, vector<16xf32>,
        %get3A_262 = vector.shape_cast %get3A_261 : vector<16xf32> to vector<16xf32>
        %mul3A_263 = arith.mulf %get3A_262, %select_n3A_188 : vector<16xf32>
        %add3A_264 = arith.addf %get3A_259, %mul3A_263 : vector<16xf32>
        %swap3A_265 = arith.index_cast %add3A_256 : i32 to index
        %swap3A_266 = tpu.vector_load %arg6[%swap3A_265] {strides = array<i32>} : memref<32768xf32, #tpu.memory_space<vmem>>, vector<16xf32>,
        %swap3A_267 = vector.shape_cast %swap3A_266 : vector<16xf32> to vector<16xf32>
        %swap3A_268 = vector.shape_cast %add3A_264 : vector<16xf32> to vector<16xf32>
        tpu.vector_store %arg6[%swap3A_265], %swap3A_268 {strides = array<i32>} : memref<32768xf32, #tpu.memory_space<vmem>>, vector<16xf32>,
        %scan3A_269 = arith.constant 4 : i32
        %scan3A_270 = arith.addi %scan3A_195, %scan3A_269 : i32
        %mul3A_271 = arith.constant 1024 : i32
        %mul3A_272 = arith.muli %scan3A_180, %mul3A_271 : i32
        %mul3A_273 = arith.constant 16 : i32
        %mul3A_274 = arith.muli %scan3A_270, %mul3A_273 : i32
        %add3A_275 = arith.addi %mul3A_272, %mul3A_274 : i32
        %get3A_276 = arith.index_cast %add3A_275 : i32 to index
        %get3A_277 = tpu.vector_load %arg6[%get3A_276] {strides = array<i32>} : memref<32768xf32, #tpu.memory_space<vmem>>, vector<16xf32>,
        %get3A_278 = vector.shape_cast %get3A_277 : vector<16xf32> to vector<16xf32>
        %get3A_279 = arith.index_cast %add3A_275 : i32 to index
        %get3A_280 = tpu.vector_load %arg7[%get3A_279] {strides = array<i32>} : memref<32768xf32, #tpu.memory_space<vmem>>, vector<16xf32>,
        %get3A_281 = vector.shape_cast %get3A_280 : vector<16xf32> to vector<16xf32>
        %mul3A_282 = arith.mulf %get3A_281, %select_n3A_188 : vector<16xf32>
        %add3A_283 = arith.addf %get3A_278, %mul3A_282 : vector<16xf32>
        %swap3A_284 = arith.index_cast %add3A_275 : i32 to index
        %swap3A_285 = tpu.vector_load %arg6[%swap3A_284] {strides = array<i32>} : memref<32768xf32, #tpu.memory_space<vmem>>, vector<16xf32>,
        %swap3A_286 = vector.shape_cast %swap3A_285 : vector<16xf32> to vector<16xf32>
        %swap3A_287 = vector.shape_cast %add3A_283 : vector<16xf32> to vector<16xf32>
        tpu.vector_store %arg6[%swap3A_284], %swap3A_287 {strides = array<i32>} : memref<32768xf32, #tpu.memory_space<vmem>>, vector<16xf32>,
        %scan3A_288 = arith.constant 5 : i32
        %scan3A_289 = arith.addi %scan3A_195, %scan3A_288 : i32
        %mul3A_290 = arith.constant 1024 : i32
        %mul3A_291 = arith.muli %scan3A_180, %mul3A_290 : i32
        %mul3A_292 = arith.constant 16 : i32
        %mul3A_293 = arith.muli %scan3A_289, %mul3A_292 : i32
        %add3A_294 = arith.addi %mul3A_291, %mul3A_293 : i32
        %get3A_295 = arith.index_cast %add3A_294 : i32 to index
        %get3A_296 = tpu.vector_load %arg6[%get3A_295] {strides = array<i32>} : memref<32768xf32, #tpu.memory_space<vmem>>, vector<16xf32>,
        %get3A_297 = vector.shape_cast %get3A_296 : vector<16xf32> to vector<16xf32>
        %get3A_298 = arith.index_cast %add3A_294 : i32 to index
        %get3A_299 = tpu.vector_load %arg7[%get3A_298] {strides = array<i32>} : memref<32768xf32, #tpu.memory_space<vmem>>, vector<16xf32>,
        %get3A_300 = vector.shape_cast %get3A_299 : vector<16xf32> to vector<16xf32>
        %mul3A_301 = arith.mulf %get3A_300, %select_n3A_188 : vector<16xf32>
        %add3A_302 = arith.addf %get3A_297, %mul3A_301 : vector<16xf32>
        %swap3A_303 = arith.index_cast %add3A_294 : i32 to index
        %swap3A_304 = tpu.vector_load %arg6[%swap3A_303] {strides = array<i32>} : memref<32768xf32, #tpu.memory_space<vmem>>, vector<16xf32>,
        %swap3A_305 = vector.shape_cast %swap3A_304 : vector<16xf32> to vector<16xf32>
        %swap3A_306 = vector.shape_cast %add3A_302 : vector<16xf32> to vector<16xf32>
        tpu.vector_store %arg6[%swap3A_303], %swap3A_306 {strides = array<i32>} : memref<32768xf32, #tpu.memory_space<vmem>>, vector<16xf32>,
        %scan3A_307 = arith.constant 6 : i32
        %scan3A_308 = arith.addi %scan3A_195, %scan3A_307 : i32
        %mul3A_309 = arith.constant 1024 : i32
        %mul3A_310 = arith.muli %scan3A_180, %mul3A_309 : i32
        %mul3A_311 = arith.constant 16 : i32
        %mul3A_312 = arith.muli %scan3A_308, %mul3A_311 : i32
        %add3A_313 = arith.addi %mul3A_310, %mul3A_312 : i32
        %get3A_314 = arith.index_cast %add3A_313 : i32 to index
        %get3A_315 = tpu.vector_load %arg6[%get3A_314] {strides = array<i32>} : memref<32768xf32, #tpu.memory_space<vmem>>, vector<16xf32>,
        %get3A_316 = vector.shape_cast %get3A_315 : vector<16xf32> to vector<16xf32>
        %get3A_317 = arith.index_cast %add3A_313 : i32 to index
        %get3A_318 = tpu.vector_load %arg7[%get3A_317] {strides = array<i32>} : memref<32768xf32, #tpu.memory_space<vmem>>, vector<16xf32>,
        %get3A_319 = vector.shape_cast %get3A_318 : vector<16xf32> to vector<16xf32>
        %mul3A_320 = arith.mulf %get3A_319, %select_n3A_188 : vector<16xf32>
        %add3A_321 = arith.addf %get3A_316, %mul3A_320 : vector<16xf32>
        %swap3A_322 = arith.index_cast %add3A_313 : i32 to index
        %swap3A_323 = tpu.vector_load %arg6[%swap3A_322] {strides = array<i32>} : memref<32768xf32, #tpu.memory_space<vmem>>, vector<16xf32>,
        %swap3A_324 = vector.shape_cast %swap3A_323 : vector<16xf32> to vector<16xf32>
        %swap3A_325 = vector.shape_cast %add3A_321 : vector<16xf32> to vector<16xf32>
        tpu.vector_store %arg6[%swap3A_322], %swap3A_325 {strides = array<i32>} : memref<32768xf32, #tpu.memory_space<vmem>>, vector<16xf32>,
        %scan3A_326 = arith.constant 7 : i32
        %scan3A_327 = arith.addi %scan3A_195, %scan3A_326 : i32
        %mul3A_328 = arith.constant 1024 : i32
        %mul3A_329 = arith.muli %scan3A_180, %mul3A_328 : i32
        %mul3A_330 = arith.constant 16 : i32
        %mul3A_331 = arith.muli %scan3A_327, %mul3A_330 : i32
        %add3A_332 = arith.addi %mul3A_329, %mul3A_331 : i32
        %get3A_333 = arith.index_cast %add3A_332 : i32 to index
        %get3A_334 = tpu.vector_load %arg6[%get3A_333] {strides = array<i32>} : memref<32768xf32, #tpu.memory_space<vmem>>, vector<16xf32>,
        %get3A_335 = vector.shape_cast %get3A_334 : vector<16xf32> to vector<16xf32>
        %get3A_336 = arith.index_cast %add3A_332 : i32 to index
        %get3A_337 = tpu.vector_load %arg7[%get3A_336] {strides = array<i32>} : memref<32768xf32, #tpu.memory_space<vmem>>, vector<16xf32>,
        %get3A_338 = vector.shape_cast %get3A_337 : vector<16xf32> to vector<16xf32>
        %mul3A_339 = arith.mulf %get3A_338, %select_n3A_188 : vector<16xf32>
        %add3A_340 = arith.addf %get3A_335, %mul3A_339 : vector<16xf32>
        %swap3A_341 = arith.index_cast %add3A_332 : i32 to index
        %swap3A_342 = tpu.vector_load %arg6[%swap3A_341] {strides = array<i32>} : memref<32768xf32, #tpu.memory_space<vmem>>, vector<16xf32>,
        %swap3A_343 = vector.shape_cast %swap3A_342 : vector<16xf32> to vector<16xf32>
        %swap3A_344 = vector.shape_cast %add3A_340 : vector<16xf32> to vector<16xf32>
        tpu.vector_store %arg6[%swap3A_341], %swap3A_344 {strides = array<i32>} : memref<32768xf32, #tpu.memory_space<vmem>>, vector<16xf32>,
      }
      %scan3A_194 = arith.constant 64 : i32
    }
    %scan3A_51 = arith.constant 32 : i32
    %mul3A_52 = arith.constant 1024 : i32
    %mul3A_53 = arith.muli %add3A_40, %mul3A_52 : i32
    "tpu.region"() ({
      %run_scoped3A = tpu.sem_alloc : memref<!tpu.dma_semaphore, #tpu.memory_space<semaphore_mem>>
      %dma_start3A = tpu.memref_slice %arg5[%mul3A_53] : memref<8388608xf32, #tpu.memory_space<hbm>> -> memref<32768xf32, #tpu.memory_space<hbm>>
      %dma_start3A_180 = tpu.memref_slice %arg5[%mul3A_53] : memref<8388608xf32, #tpu.memory_space<hbm>> -> memref<32768xf32, #tpu.memory_space<hbm>>
      tpu.enqueue_dma source(%arg6 : memref<32768xf32, #tpu.memory_space<vmem>>) target(%dma_start3A_180 : memref<32768xf32, #tpu.memory_space<hbm>>) target_semaphore(%run_scoped3A : memref<!tpu.dma_semaphore, #tpu.memory_space<semaphore_mem>>)
      %dma_wait3A = tpu.memref_slice %arg5[%mul3A_53] : memref<8388608xf32, #tpu.memory_space<hbm>> -> memref<32768xf32, #tpu.memory_space<hbm>>
      %dma_wait3A_181 = tpu.memref_slice %arg5[%mul3A_53] : memref<8388608xf32, #tpu.memory_space<hbm>> -> memref<32768xf32, #tpu.memory_space<hbm>>
      tpu.wait_dma2 semaphore(%run_scoped3A : memref<!tpu.dma_semaphore, #tpu.memory_space<semaphore_mem>>) src(%arg6 : memref<32768xf32, #tpu.memory_space<vmem>>) dst(%dma_wait3A_181 : memref<32768xf32, #tpu.memory_space<hbm>>)
      tpu.yield
    }) : () -> ()
    %mul3A_54 = arith.constant 256 : i32
    %mul3A_55 = arith.muli %add3A, %mul3A_54 : i32
    %add3A_56 = arith.constant 32 : i32
    %add3A_57 = arith.addi %mul3A_55, %add3A_56 : i32
    %add3A_58 = arith.constant 32 : i32
    %add3A_59 = arith.addi %mul3A_32, %add3A_58 : i32
    %mul3A_60 = arith.constant 1024 : i32
    %mul3A_61 = arith.muli %add3A_57, %mul3A_60 : i32
    "tpu.region"() ({
      %run_scoped3A = tpu.sem_alloc : memref<!tpu.dma_semaphore, #tpu.memory_space<semaphore_mem>>
      %dma_start3A = tpu.memref_slice %arg2[%mul3A_61] : memref<8388608xf32, #tpu.memory_space<hbm>> -> memref<32768xf32, #tpu.memory_space<hbm>>
      %dma_start3A_180 = tpu.memref_slice %arg2[%mul3A_61] : memref<8388608xf32, #tpu.memory_space<hbm>> -> memref<32768xf32, #tpu.memory_space<hbm>>
      tpu.enqueue_dma source(%dma_start3A_180 : memref<32768xf32, #tpu.memory_space<hbm>>) target(%arg6 : memref<32768xf32, #tpu.memory_space<vmem>>) target_semaphore(%run_scoped3A : memref<!tpu.dma_semaphore, #tpu.memory_space<semaphore_mem>>)
      %dma_wait3A = tpu.memref_slice %arg2[%mul3A_61] : memref<8388608xf32, #tpu.memory_space<hbm>> -> memref<32768xf32, #tpu.memory_space<hbm>>
      %dma_wait3A_181 = tpu.memref_slice %arg2[%mul3A_61] : memref<8388608xf32, #tpu.memory_space<hbm>> -> memref<32768xf32, #tpu.memory_space<hbm>>
      tpu.wait_dma2 semaphore(%run_scoped3A : memref<!tpu.dma_semaphore, #tpu.memory_space<semaphore_mem>>) src(%dma_wait3A_181 : memref<32768xf32, #tpu.memory_space<hbm>>) dst(%arg6 : memref<32768xf32, #tpu.memory_space<vmem>>)
      tpu.yield
    }) : () -> ()
    %mul3A_62 = arith.constant 1024 : i32
    %mul3A_63 = arith.muli %add3A_59, %mul3A_62 : i32
    "tpu.region"() ({
      %run_scoped3A = tpu.sem_alloc : memref<!tpu.dma_semaphore, #tpu.memory_space<semaphore_mem>>
      %dma_start3A = tpu.memref_slice %arg3[%mul3A_63] : memref<2097152xf32, #tpu.memory_space<hbm>> -> memref<32768xf32, #tpu.memory_space<hbm>>
      %dma_start3A_180 = tpu.memref_slice %arg3[%mul3A_63] : memref<2097152xf32, #tpu.memory_space<hbm>> -> memref<32768xf32, #tpu.memory_space<hbm>>
      tpu.enqueue_dma source(%dma_start3A_180 : memref<32768xf32, #tpu.memory_space<hbm>>) target(%arg7 : memref<32768xf32, #tpu.memory_space<vmem>>) target_semaphore(%run_scoped3A : memref<!tpu.dma_semaphore, #tpu.memory_space<semaphore_mem>>)
      %dma_wait3A = tpu.memref_slice %arg3[%mul3A_63] : memref<2097152xf32, #tpu.memory_space<hbm>> -> memref<32768xf32, #tpu.memory_space<hbm>>
      %dma_wait3A_181 = tpu.memref_slice %arg3[%mul3A_63] : memref<2097152xf32, #tpu.memory_space<hbm>> -> memref<32768xf32, #tpu.memory_space<hbm>>
      tpu.wait_dma2 semaphore(%run_scoped3A : memref<!tpu.dma_semaphore, #tpu.memory_space<semaphore_mem>>) src(%dma_wait3A_181 : memref<32768xf32, #tpu.memory_space<hbm>>) dst(%arg7 : memref<32768xf32, #tpu.memory_space<vmem>>)
      tpu.yield
    }) : () -> ()
    %scan3A_64 = arith.constant 0 : i32
    %scan3A_65 = arith.constant 0 : i32
    %scan3A_66 = arith.constant 32 : i32
    %scan3A_67 = arith.addi %scan3A_65, %scan3A_66 : i32
    %scan3A_68 = arith.constant 1 : i32
    scf.for %scan3A_180 = %scan3A_65 to %scan3A_67 step %scan3A_68  : i32 {
      %add3A_181 = arith.addi %add3A_59, %scan3A_180 : i32
      %broadcast_in_dim3A_182 = vector.broadcast %add3A_181 : i32 to vector<16xi32>
      %lt3A_183 = arith.cmpi slt, %broadcast_in_dim3A_182, %gather3A_36 : vector<16xi32>
      %jit3A_184 = arith.constant 1.000000e+00 : f32
      %jit3A_185 = arith.constant 0.000000e+00 : f32
      %broadcast_in_dim3A_186 = vector.broadcast %jit3A_184 : f32 to vector<16xf32>
      %broadcast_in_dim3A_187 = vector.broadcast %jit3A_185 : f32 to vector<16xf32>
      %select_n3A_188 = arith.select %lt3A_183, %broadcast_in_dim3A_186, %broadcast_in_dim3A_187 : vector<16xi1>, vector<16xf32>
      %scan3A_189 = arith.constant 0 : i32
      %scan3A_190 = arith.constant 0 : i32
      %scan3A_191 = arith.constant 64 : i32
      %scan3A_192 = arith.addi %scan3A_190, %scan3A_191 : i32
      %scan3A_193 = arith.constant 8 : i32
      scf.for %scan3A_195 = %scan3A_190 to %scan3A_192 step %scan3A_193  : i32 {
        %mul3A_196 = arith.constant 1024 : i32
        %mul3A_197 = arith.muli %scan3A_180, %mul3A_196 : i32
        %mul3A_198 = arith.constant 16 : i32
        %mul3A_199 = arith.muli %scan3A_195, %mul3A_198 : i32
        %add3A_200 = arith.addi %mul3A_197, %mul3A_199 : i32
        %get3A_201 = arith.index_cast %add3A_200 : i32 to index
        %get3A_202 = tpu.vector_load %arg6[%get3A_201] {strides = array<i32>} : memref<32768xf32, #tpu.memory_space<vmem>>, vector<16xf32>,
        %get3A_203 = vector.shape_cast %get3A_202 : vector<16xf32> to vector<16xf32>
        %get3A_204 = arith.index_cast %add3A_200 : i32 to index
        %get3A_205 = tpu.vector_load %arg7[%get3A_204] {strides = array<i32>} : memref<32768xf32, #tpu.memory_space<vmem>>, vector<16xf32>,
        %get3A_206 = vector.shape_cast %get3A_205 : vector<16xf32> to vector<16xf32>
        %mul3A_207 = arith.mulf %get3A_206, %select_n3A_188 : vector<16xf32>
        %add3A_208 = arith.addf %get3A_203, %mul3A_207 : vector<16xf32>
        %swap3A = arith.index_cast %add3A_200 : i32 to index
        %swap3A_209 = tpu.vector_load %arg6[%swap3A] {strides = array<i32>} : memref<32768xf32, #tpu.memory_space<vmem>>, vector<16xf32>,
        %swap3A_210 = vector.shape_cast %swap3A_209 : vector<16xf32> to vector<16xf32>
        %swap3A_211 = vector.shape_cast %add3A_208 : vector<16xf32> to vector<16xf32>
        tpu.vector_store %arg6[%swap3A], %swap3A_211 {strides = array<i32>} : memref<32768xf32, #tpu.memory_space<vmem>>, vector<16xf32>,
        %scan3A_212 = arith.constant 1 : i32
        %scan3A_213 = arith.addi %scan3A_195, %scan3A_212 : i32
        %mul3A_214 = arith.constant 1024 : i32
        %mul3A_215 = arith.muli %scan3A_180, %mul3A_214 : i32
        %mul3A_216 = arith.constant 16 : i32
        %mul3A_217 = arith.muli %scan3A_213, %mul3A_216 : i32
        %add3A_218 = arith.addi %mul3A_215, %mul3A_217 : i32
        %get3A_219 = arith.index_cast %add3A_218 : i32 to index
        %get3A_220 = tpu.vector_load %arg6[%get3A_219] {strides = array<i32>} : memref<32768xf32, #tpu.memory_space<vmem>>, vector<16xf32>,
        %get3A_221 = vector.shape_cast %get3A_220 : vector<16xf32> to vector<16xf32>
        %get3A_222 = arith.index_cast %add3A_218 : i32 to index
        %get3A_223 = tpu.vector_load %arg7[%get3A_222] {strides = array<i32>} : memref<32768xf32, #tpu.memory_space<vmem>>, vector<16xf32>,
        %get3A_224 = vector.shape_cast %get3A_223 : vector<16xf32> to vector<16xf32>
        %mul3A_225 = arith.mulf %get3A_224, %select_n3A_188 : vector<16xf32>
        %add3A_226 = arith.addf %get3A_221, %mul3A_225 : vector<16xf32>
        %swap3A_227 = arith.index_cast %add3A_218 : i32 to index
        %swap3A_228 = tpu.vector_load %arg6[%swap3A_227] {strides = array<i32>} : memref<32768xf32, #tpu.memory_space<vmem>>, vector<16xf32>,
        %swap3A_229 = vector.shape_cast %swap3A_228 : vector<16xf32> to vector<16xf32>
        %swap3A_230 = vector.shape_cast %add3A_226 : vector<16xf32> to vector<16xf32>
        tpu.vector_store %arg6[%swap3A_227], %swap3A_230 {strides = array<i32>} : memref<32768xf32, #tpu.memory_space<vmem>>, vector<16xf32>,
        %scan3A_231 = arith.constant 2 : i32
        %scan3A_232 = arith.addi %scan3A_195, %scan3A_231 : i32
        %mul3A_233 = arith.constant 1024 : i32
        %mul3A_234 = arith.muli %scan3A_180, %mul3A_233 : i32
        %mul3A_235 = arith.constant 16 : i32
        %mul3A_236 = arith.muli %scan3A_232, %mul3A_235 : i32
        %add3A_237 = arith.addi %mul3A_234, %mul3A_236 : i32
        %get3A_238 = arith.index_cast %add3A_237 : i32 to index
        %get3A_239 = tpu.vector_load %arg6[%get3A_238] {strides = array<i32>} : memref<32768xf32, #tpu.memory_space<vmem>>, vector<16xf32>,
        %get3A_240 = vector.shape_cast %get3A_239 : vector<16xf32> to vector<16xf32>
        %get3A_241 = arith.index_cast %add3A_237 : i32 to index
        %get3A_242 = tpu.vector_load %arg7[%get3A_241] {strides = array<i32>} : memref<32768xf32, #tpu.memory_space<vmem>>, vector<16xf32>,
        %get3A_243 = vector.shape_cast %get3A_242 : vector<16xf32> to vector<16xf32>
        %mul3A_244 = arith.mulf %get3A_243, %select_n3A_188 : vector<16xf32>
        %add3A_245 = arith.addf %get3A_240, %mul3A_244 : vector<16xf32>
        %swap3A_246 = arith.index_cast %add3A_237 : i32 to index
        %swap3A_247 = tpu.vector_load %arg6[%swap3A_246] {strides = array<i32>} : memref<32768xf32, #tpu.memory_space<vmem>>, vector<16xf32>,
        %swap3A_248 = vector.shape_cast %swap3A_247 : vector<16xf32> to vector<16xf32>
        %swap3A_249 = vector.shape_cast %add3A_245 : vector<16xf32> to vector<16xf32>
        tpu.vector_store %arg6[%swap3A_246], %swap3A_249 {strides = array<i32>} : memref<32768xf32, #tpu.memory_space<vmem>>, vector<16xf32>,
        %scan3A_250 = arith.constant 3 : i32
        %scan3A_251 = arith.addi %scan3A_195, %scan3A_250 : i32
        %mul3A_252 = arith.constant 1024 : i32
        %mul3A_253 = arith.muli %scan3A_180, %mul3A_252 : i32
        %mul3A_254 = arith.constant 16 : i32
        %mul3A_255 = arith.muli %scan3A_251, %mul3A_254 : i32
        %add3A_256 = arith.addi %mul3A_253, %mul3A_255 : i32
        %get3A_257 = arith.index_cast %add3A_256 : i32 to index
        %get3A_258 = tpu.vector_load %arg6[%get3A_257] {strides = array<i32>} : memref<32768xf32, #tpu.memory_space<vmem>>, vector<16xf32>,
        %get3A_259 = vector.shape_cast %get3A_258 : vector<16xf32> to vector<16xf32>
        %get3A_260 = arith.index_cast %add3A_256 : i32 to index
        %get3A_261 = tpu.vector_load %arg7[%get3A_260] {strides = array<i32>} : memref<32768xf32, #tpu.memory_space<vmem>>, vector<16xf32>,
        %get3A_262 = vector.shape_cast %get3A_261 : vector<16xf32> to vector<16xf32>
        %mul3A_263 = arith.mulf %get3A_262, %select_n3A_188 : vector<16xf32>
        %add3A_264 = arith.addf %get3A_259, %mul3A_263 : vector<16xf32>
        %swap3A_265 = arith.index_cast %add3A_256 : i32 to index
        %swap3A_266 = tpu.vector_load %arg6[%swap3A_265] {strides = array<i32>} : memref<32768xf32, #tpu.memory_space<vmem>>, vector<16xf32>,
        %swap3A_267 = vector.shape_cast %swap3A_266 : vector<16xf32> to vector<16xf32>
        %swap3A_268 = vector.shape_cast %add3A_264 : vector<16xf32> to vector<16xf32>
        tpu.vector_store %arg6[%swap3A_265], %swap3A_268 {strides = array<i32>} : memref<32768xf32, #tpu.memory_space<vmem>>, vector<16xf32>,
        %scan3A_269 = arith.constant 4 : i32
        %scan3A_270 = arith.addi %scan3A_195, %scan3A_269 : i32
        %mul3A_271 = arith.constant 1024 : i32
        %mul3A_272 = arith.muli %scan3A_180, %mul3A_271 : i32
        %mul3A_273 = arith.constant 16 : i32
        %mul3A_274 = arith.muli %scan3A_270, %mul3A_273 : i32
        %add3A_275 = arith.addi %mul3A_272, %mul3A_274 : i32
        %get3A_276 = arith.index_cast %add3A_275 : i32 to index
        %get3A_277 = tpu.vector_load %arg6[%get3A_276] {strides = array<i32>} : memref<32768xf32, #tpu.memory_space<vmem>>, vector<16xf32>,
        %get3A_278 = vector.shape_cast %get3A_277 : vector<16xf32> to vector<16xf32>
        %get3A_279 = arith.index_cast %add3A_275 : i32 to index
        %get3A_280 = tpu.vector_load %arg7[%get3A_279] {strides = array<i32>} : memref<32768xf32, #tpu.memory_space<vmem>>, vector<16xf32>,
        %get3A_281 = vector.shape_cast %get3A_280 : vector<16xf32> to vector<16xf32>
        %mul3A_282 = arith.mulf %get3A_281, %select_n3A_188 : vector<16xf32>
        %add3A_283 = arith.addf %get3A_278, %mul3A_282 : vector<16xf32>
        %swap3A_284 = arith.index_cast %add3A_275 : i32 to index
        %swap3A_285 = tpu.vector_load %arg6[%swap3A_284] {strides = array<i32>} : memref<32768xf32, #tpu.memory_space<vmem>>, vector<16xf32>,
        %swap3A_286 = vector.shape_cast %swap3A_285 : vector<16xf32> to vector<16xf32>
        %swap3A_287 = vector.shape_cast %add3A_283 : vector<16xf32> to vector<16xf32>
        tpu.vector_store %arg6[%swap3A_284], %swap3A_287 {strides = array<i32>} : memref<32768xf32, #tpu.memory_space<vmem>>, vector<16xf32>,
        %scan3A_288 = arith.constant 5 : i32
        %scan3A_289 = arith.addi %scan3A_195, %scan3A_288 : i32
        %mul3A_290 = arith.constant 1024 : i32
        %mul3A_291 = arith.muli %scan3A_180, %mul3A_290 : i32
        %mul3A_292 = arith.constant 16 : i32
        %mul3A_293 = arith.muli %scan3A_289, %mul3A_292 : i32
        %add3A_294 = arith.addi %mul3A_291, %mul3A_293 : i32
        %get3A_295 = arith.index_cast %add3A_294 : i32 to index
        %get3A_296 = tpu.vector_load %arg6[%get3A_295] {strides = array<i32>} : memref<32768xf32, #tpu.memory_space<vmem>>, vector<16xf32>,
        %get3A_297 = vector.shape_cast %get3A_296 : vector<16xf32> to vector<16xf32>
        %get3A_298 = arith.index_cast %add3A_294 : i32 to index
        %get3A_299 = tpu.vector_load %arg7[%get3A_298] {strides = array<i32>} : memref<32768xf32, #tpu.memory_space<vmem>>, vector<16xf32>,
        %get3A_300 = vector.shape_cast %get3A_299 : vector<16xf32> to vector<16xf32>
        %mul3A_301 = arith.mulf %get3A_300, %select_n3A_188 : vector<16xf32>
        %add3A_302 = arith.addf %get3A_297, %mul3A_301 : vector<16xf32>
        %swap3A_303 = arith.index_cast %add3A_294 : i32 to index
        %swap3A_304 = tpu.vector_load %arg6[%swap3A_303] {strides = array<i32>} : memref<32768xf32, #tpu.memory_space<vmem>>, vector<16xf32>,
        %swap3A_305 = vector.shape_cast %swap3A_304 : vector<16xf32> to vector<16xf32>
        %swap3A_306 = vector.shape_cast %add3A_302 : vector<16xf32> to vector<16xf32>
        tpu.vector_store %arg6[%swap3A_303], %swap3A_306 {strides = array<i32>} : memref<32768xf32, #tpu.memory_space<vmem>>, vector<16xf32>,
        %scan3A_307 = arith.constant 6 : i32
        %scan3A_308 = arith.addi %scan3A_195, %scan3A_307 : i32
        %mul3A_309 = arith.constant 1024 : i32
        %mul3A_310 = arith.muli %scan3A_180, %mul3A_309 : i32
        %mul3A_311 = arith.constant 16 : i32
        %mul3A_312 = arith.muli %scan3A_308, %mul3A_311 : i32
        %add3A_313 = arith.addi %mul3A_310, %mul3A_312 : i32
        %get3A_314 = arith.index_cast %add3A_313 : i32 to index
        %get3A_315 = tpu.vector_load %arg6[%get3A_314] {strides = array<i32>} : memref<32768xf32, #tpu.memory_space<vmem>>, vector<16xf32>,
        %get3A_316 = vector.shape_cast %get3A_315 : vector<16xf32> to vector<16xf32>
        %get3A_317 = arith.index_cast %add3A_313 : i32 to index
        %get3A_318 = tpu.vector_load %arg7[%get3A_317] {strides = array<i32>} : memref<32768xf32, #tpu.memory_space<vmem>>, vector<16xf32>,
        %get3A_319 = vector.shape_cast %get3A_318 : vector<16xf32> to vector<16xf32>
        %mul3A_320 = arith.mulf %get3A_319, %select_n3A_188 : vector<16xf32>
        %add3A_321 = arith.addf %get3A_316, %mul3A_320 : vector<16xf32>
        %swap3A_322 = arith.index_cast %add3A_313 : i32 to index
        %swap3A_323 = tpu.vector_load %arg6[%swap3A_322] {strides = array<i32>} : memref<32768xf32, #tpu.memory_space<vmem>>, vector<16xf32>,
        %swap3A_324 = vector.shape_cast %swap3A_323 : vector<16xf32> to vector<16xf32>
        %swap3A_325 = vector.shape_cast %add3A_321 : vector<16xf32> to vector<16xf32>
        tpu.vector_store %arg6[%swap3A_322], %swap3A_325 {strides = array<i32>} : memref<32768xf32, #tpu.memory_space<vmem>>, vector<16xf32>,
        %scan3A_326 = arith.constant 7 : i32
        %scan3A_327 = arith.addi %scan3A_195, %scan3A_326 : i32
        %mul3A_328 = arith.constant 1024 : i32
        %mul3A_329 = arith.muli %scan3A_180, %mul3A_328 : i32
        %mul3A_330 = arith.constant 16 : i32
        %mul3A_331 = arith.muli %scan3A_327, %mul3A_330 : i32
        %add3A_332 = arith.addi %mul3A_329, %mul3A_331 : i32
        %get3A_333 = arith.index_cast %add3A_332 : i32 to index
        %get3A_334 = tpu.vector_load %arg6[%get3A_333] {strides = array<i32>} : memref<32768xf32, #tpu.memory_space<vmem>>, vector<16xf32>,
        %get3A_335 = vector.shape_cast %get3A_334 : vector<16xf32> to vector<16xf32>
        %get3A_336 = arith.index_cast %add3A_332 : i32 to index
        %get3A_337 = tpu.vector_load %arg7[%get3A_336] {strides = array<i32>} : memref<32768xf32, #tpu.memory_space<vmem>>, vector<16xf32>,
        %get3A_338 = vector.shape_cast %get3A_337 : vector<16xf32> to vector<16xf32>
        %mul3A_339 = arith.mulf %get3A_338, %select_n3A_188 : vector<16xf32>
        %add3A_340 = arith.addf %get3A_335, %mul3A_339 : vector<16xf32>
        %swap3A_341 = arith.index_cast %add3A_332 : i32 to index
        %swap3A_342 = tpu.vector_load %arg6[%swap3A_341] {strides = array<i32>} : memref<32768xf32, #tpu.memory_space<vmem>>, vector<16xf32>,
        %swap3A_343 = vector.shape_cast %swap3A_342 : vector<16xf32> to vector<16xf32>
        %swap3A_344 = vector.shape_cast %add3A_340 : vector<16xf32> to vector<16xf32>
        tpu.vector_store %arg6[%swap3A_341], %swap3A_344 {strides = array<i32>} : memref<32768xf32, #tpu.memory_space<vmem>>, vector<16xf32>,
      }
      %scan3A_194 = arith.constant 64 : i32
    }
    %scan3A_69 = arith.constant 32 : i32
    %mul3A_70 = arith.constant 1024 : i32
    %mul3A_71 = arith.muli %add3A_57, %mul3A_70 : i32
    "tpu.region"() ({
      %run_scoped3A = tpu.sem_alloc : memref<!tpu.dma_semaphore, #tpu.memory_space<semaphore_mem>>
      %dma_start3A = tpu.memref_slice %arg5[%mul3A_71] : memref<8388608xf32, #tpu.memory_space<hbm>> -> memref<32768xf32, #tpu.memory_space<hbm>>
      %dma_start3A_180 = tpu.memref_slice %arg5[%mul3A_71] : memref<8388608xf32, #tpu.memory_space<hbm>> -> memref<32768xf32, #tpu.memory_space<hbm>>
      tpu.enqueue_dma source(%arg6 : memref<32768xf32, #tpu.memory_space<vmem>>) target(%dma_start3A_180 : memref<32768xf32, #tpu.memory_space<hbm>>) target_semaphore(%run_scoped3A : memref<!tpu.dma_semaphore, #tpu.memory_space<semaphore_mem>>)
      %dma_wait3A = tpu.memref_slice %arg5[%mul3A_71] : memref<8388608xf32, #tpu.memory_space<hbm>> -> memref<32768xf32, #tpu.memory_space<hbm>>
      %dma_wait3A_181 = tpu.memref_slice %arg5[%mul3A_71] : memref<8388608xf32, #tpu.memory_space<hbm>> -> memref<32768xf32, #tpu.memory_space<hbm>>
      tpu.wait_dma2 semaphore(%run_scoped3A : memref<!tpu.dma_semaphore, #tpu.memory_space<semaphore_mem>>) src(%arg6 : memref<32768xf32, #tpu.memory_space<vmem>>) dst(%dma_wait3A_181 : memref<32768xf32, #tpu.memory_space<hbm>>)
      tpu.yield
    }) : () -> ()
    %mul3A_72 = arith.constant 256 : i32
    %mul3A_73 = arith.muli %add3A, %mul3A_72 : i32
    %add3A_74 = arith.constant 64 : i32
    %add3A_75 = arith.addi %mul3A_73, %add3A_74 : i32
    %add3A_76 = arith.constant 64 : i32
    %add3A_77 = arith.addi %mul3A_32, %add3A_76 : i32
    %mul3A_78 = arith.constant 1024 : i32
    %mul3A_79 = arith.muli %add3A_75, %mul3A_78 : i32
    "tpu.region"() ({
      %run_scoped3A = tpu.sem_alloc : memref<!tpu.dma_semaphore, #tpu.memory_space<semaphore_mem>>
      %dma_start3A = tpu.memref_slice %arg2[%mul3A_79] : memref<8388608xf32, #tpu.memory_space<hbm>> -> memref<32768xf32, #tpu.memory_space<hbm>>
      %dma_start3A_180 = tpu.memref_slice %arg2[%mul3A_79] : memref<8388608xf32, #tpu.memory_space<hbm>> -> memref<32768xf32, #tpu.memory_space<hbm>>
      tpu.enqueue_dma source(%dma_start3A_180 : memref<32768xf32, #tpu.memory_space<hbm>>) target(%arg6 : memref<32768xf32, #tpu.memory_space<vmem>>) target_semaphore(%run_scoped3A : memref<!tpu.dma_semaphore, #tpu.memory_space<semaphore_mem>>)
      %dma_wait3A = tpu.memref_slice %arg2[%mul3A_79] : memref<8388608xf32, #tpu.memory_space<hbm>> -> memref<32768xf32, #tpu.memory_space<hbm>>
      %dma_wait3A_181 = tpu.memref_slice %arg2[%mul3A_79] : memref<8388608xf32, #tpu.memory_space<hbm>> -> memref<32768xf32, #tpu.memory_space<hbm>>
      tpu.wait_dma2 semaphore(%run_scoped3A : memref<!tpu.dma_semaphore, #tpu.memory_space<semaphore_mem>>) src(%dma_wait3A_181 : memref<32768xf32, #tpu.memory_space<hbm>>) dst(%arg6 : memref<32768xf32, #tpu.memory_space<vmem>>)
      tpu.yield
    }) : () -> ()
    %mul3A_80 = arith.constant 1024 : i32
    %mul3A_81 = arith.muli %add3A_77, %mul3A_80 : i32
    "tpu.region"() ({
      %run_scoped3A = tpu.sem_alloc : memref<!tpu.dma_semaphore, #tpu.memory_space<semaphore_mem>>
      %dma_start3A = tpu.memref_slice %arg3[%mul3A_81] : memref<2097152xf32, #tpu.memory_space<hbm>> -> memref<32768xf32, #tpu.memory_space<hbm>>
      %dma_start3A_180 = tpu.memref_slice %arg3[%mul3A_81] : memref<2097152xf32, #tpu.memory_space<hbm>> -> memref<32768xf32, #tpu.memory_space<hbm>>
      tpu.enqueue_dma source(%dma_start3A_180 : memref<32768xf32, #tpu.memory_space<hbm>>) target(%arg7 : memref<32768xf32, #tpu.memory_space<vmem>>) target_semaphore(%run_scoped3A : memref<!tpu.dma_semaphore, #tpu.memory_space<semaphore_mem>>)
      %dma_wait3A = tpu.memref_slice %arg3[%mul3A_81] : memref<2097152xf32, #tpu.memory_space<hbm>> -> memref<32768xf32, #tpu.memory_space<hbm>>
      %dma_wait3A_181 = tpu.memref_slice %arg3[%mul3A_81] : memref<2097152xf32, #tpu.memory_space<hbm>> -> memref<32768xf32, #tpu.memory_space<hbm>>
      tpu.wait_dma2 semaphore(%run_scoped3A : memref<!tpu.dma_semaphore, #tpu.memory_space<semaphore_mem>>) src(%dma_wait3A_181 : memref<32768xf32, #tpu.memory_space<hbm>>) dst(%arg7 : memref<32768xf32, #tpu.memory_space<vmem>>)
      tpu.yield
    }) : () -> ()
    %scan3A_82 = arith.constant 0 : i32
    %scan3A_83 = arith.constant 0 : i32
    %scan3A_84 = arith.constant 32 : i32
    %scan3A_85 = arith.addi %scan3A_83, %scan3A_84 : i32
    %scan3A_86 = arith.constant 1 : i32
    scf.for %scan3A_180 = %scan3A_83 to %scan3A_85 step %scan3A_86  : i32 {
      %add3A_181 = arith.addi %add3A_77, %scan3A_180 : i32
      %broadcast_in_dim3A_182 = vector.broadcast %add3A_181 : i32 to vector<16xi32>
      %lt3A_183 = arith.cmpi slt, %broadcast_in_dim3A_182, %gather3A_36 : vector<16xi32>
      %jit3A_184 = arith.constant 1.000000e+00 : f32
      %jit3A_185 = arith.constant 0.000000e+00 : f32
      %broadcast_in_dim3A_186 = vector.broadcast %jit3A_184 : f32 to vector<16xf32>
      %broadcast_in_dim3A_187 = vector.broadcast %jit3A_185 : f32 to vector<16xf32>
      %select_n3A_188 = arith.select %lt3A_183, %broadcast_in_dim3A_186, %broadcast_in_dim3A_187 : vector<16xi1>, vector<16xf32>
      %scan3A_189 = arith.constant 0 : i32
      %scan3A_190 = arith.constant 0 : i32
      %scan3A_191 = arith.constant 64 : i32
      %scan3A_192 = arith.addi %scan3A_190, %scan3A_191 : i32
      %scan3A_193 = arith.constant 8 : i32
      scf.for %scan3A_195 = %scan3A_190 to %scan3A_192 step %scan3A_193  : i32 {
        %mul3A_196 = arith.constant 1024 : i32
        %mul3A_197 = arith.muli %scan3A_180, %mul3A_196 : i32
        %mul3A_198 = arith.constant 16 : i32
        %mul3A_199 = arith.muli %scan3A_195, %mul3A_198 : i32
        %add3A_200 = arith.addi %mul3A_197, %mul3A_199 : i32
        %get3A_201 = arith.index_cast %add3A_200 : i32 to index
        %get3A_202 = tpu.vector_load %arg6[%get3A_201] {strides = array<i32>} : memref<32768xf32, #tpu.memory_space<vmem>>, vector<16xf32>,
        %get3A_203 = vector.shape_cast %get3A_202 : vector<16xf32> to vector<16xf32>
        %get3A_204 = arith.index_cast %add3A_200 : i32 to index
        %get3A_205 = tpu.vector_load %arg7[%get3A_204] {strides = array<i32>} : memref<32768xf32, #tpu.memory_space<vmem>>, vector<16xf32>,
        %get3A_206 = vector.shape_cast %get3A_205 : vector<16xf32> to vector<16xf32>
        %mul3A_207 = arith.mulf %get3A_206, %select_n3A_188 : vector<16xf32>
        %add3A_208 = arith.addf %get3A_203, %mul3A_207 : vector<16xf32>
        %swap3A = arith.index_cast %add3A_200 : i32 to index
        %swap3A_209 = tpu.vector_load %arg6[%swap3A] {strides = array<i32>} : memref<32768xf32, #tpu.memory_space<vmem>>, vector<16xf32>,
        %swap3A_210 = vector.shape_cast %swap3A_209 : vector<16xf32> to vector<16xf32>
        %swap3A_211 = vector.shape_cast %add3A_208 : vector<16xf32> to vector<16xf32>
        tpu.vector_store %arg6[%swap3A], %swap3A_211 {strides = array<i32>} : memref<32768xf32, #tpu.memory_space<vmem>>, vector<16xf32>,
        %scan3A_212 = arith.constant 1 : i32
        %scan3A_213 = arith.addi %scan3A_195, %scan3A_212 : i32
        %mul3A_214 = arith.constant 1024 : i32
        %mul3A_215 = arith.muli %scan3A_180, %mul3A_214 : i32
        %mul3A_216 = arith.constant 16 : i32
        %mul3A_217 = arith.muli %scan3A_213, %mul3A_216 : i32
        %add3A_218 = arith.addi %mul3A_215, %mul3A_217 : i32
        %get3A_219 = arith.index_cast %add3A_218 : i32 to index
        %get3A_220 = tpu.vector_load %arg6[%get3A_219] {strides = array<i32>} : memref<32768xf32, #tpu.memory_space<vmem>>, vector<16xf32>,
        %get3A_221 = vector.shape_cast %get3A_220 : vector<16xf32> to vector<16xf32>
        %get3A_222 = arith.index_cast %add3A_218 : i32 to index
        %get3A_223 = tpu.vector_load %arg7[%get3A_222] {strides = array<i32>} : memref<32768xf32, #tpu.memory_space<vmem>>, vector<16xf32>,
        %get3A_224 = vector.shape_cast %get3A_223 : vector<16xf32> to vector<16xf32>
        %mul3A_225 = arith.mulf %get3A_224, %select_n3A_188 : vector<16xf32>
        %add3A_226 = arith.addf %get3A_221, %mul3A_225 : vector<16xf32>
        %swap3A_227 = arith.index_cast %add3A_218 : i32 to index
        %swap3A_228 = tpu.vector_load %arg6[%swap3A_227] {strides = array<i32>} : memref<32768xf32, #tpu.memory_space<vmem>>, vector<16xf32>,
        %swap3A_229 = vector.shape_cast %swap3A_228 : vector<16xf32> to vector<16xf32>
        %swap3A_230 = vector.shape_cast %add3A_226 : vector<16xf32> to vector<16xf32>
        tpu.vector_store %arg6[%swap3A_227], %swap3A_230 {strides = array<i32>} : memref<32768xf32, #tpu.memory_space<vmem>>, vector<16xf32>,
        %scan3A_231 = arith.constant 2 : i32
        %scan3A_232 = arith.addi %scan3A_195, %scan3A_231 : i32
        %mul3A_233 = arith.constant 1024 : i32
        %mul3A_234 = arith.muli %scan3A_180, %mul3A_233 : i32
        %mul3A_235 = arith.constant 16 : i32
        %mul3A_236 = arith.muli %scan3A_232, %mul3A_235 : i32
        %add3A_237 = arith.addi %mul3A_234, %mul3A_236 : i32
        %get3A_238 = arith.index_cast %add3A_237 : i32 to index
        %get3A_239 = tpu.vector_load %arg6[%get3A_238] {strides = array<i32>} : memref<32768xf32, #tpu.memory_space<vmem>>, vector<16xf32>,
        %get3A_240 = vector.shape_cast %get3A_239 : vector<16xf32> to vector<16xf32>
        %get3A_241 = arith.index_cast %add3A_237 : i32 to index
        %get3A_242 = tpu.vector_load %arg7[%get3A_241] {strides = array<i32>} : memref<32768xf32, #tpu.memory_space<vmem>>, vector<16xf32>,
        %get3A_243 = vector.shape_cast %get3A_242 : vector<16xf32> to vector<16xf32>
        %mul3A_244 = arith.mulf %get3A_243, %select_n3A_188 : vector<16xf32>
        %add3A_245 = arith.addf %get3A_240, %mul3A_244 : vector<16xf32>
        %swap3A_246 = arith.index_cast %add3A_237 : i32 to index
        %swap3A_247 = tpu.vector_load %arg6[%swap3A_246] {strides = array<i32>} : memref<32768xf32, #tpu.memory_space<vmem>>, vector<16xf32>,
        %swap3A_248 = vector.shape_cast %swap3A_247 : vector<16xf32> to vector<16xf32>
        %swap3A_249 = vector.shape_cast %add3A_245 : vector<16xf32> to vector<16xf32>
        tpu.vector_store %arg6[%swap3A_246], %swap3A_249 {strides = array<i32>} : memref<32768xf32, #tpu.memory_space<vmem>>, vector<16xf32>,
        %scan3A_250 = arith.constant 3 : i32
        %scan3A_251 = arith.addi %scan3A_195, %scan3A_250 : i32
        %mul3A_252 = arith.constant 1024 : i32
        %mul3A_253 = arith.muli %scan3A_180, %mul3A_252 : i32
        %mul3A_254 = arith.constant 16 : i32
        %mul3A_255 = arith.muli %scan3A_251, %mul3A_254 : i32
        %add3A_256 = arith.addi %mul3A_253, %mul3A_255 : i32
        %get3A_257 = arith.index_cast %add3A_256 : i32 to index
        %get3A_258 = tpu.vector_load %arg6[%get3A_257] {strides = array<i32>} : memref<32768xf32, #tpu.memory_space<vmem>>, vector<16xf32>,
        %get3A_259 = vector.shape_cast %get3A_258 : vector<16xf32> to vector<16xf32>
        %get3A_260 = arith.index_cast %add3A_256 : i32 to index
        %get3A_261 = tpu.vector_load %arg7[%get3A_260] {strides = array<i32>} : memref<32768xf32, #tpu.memory_space<vmem>>, vector<16xf32>,
        %get3A_262 = vector.shape_cast %get3A_261 : vector<16xf32> to vector<16xf32>
        %mul3A_263 = arith.mulf %get3A_262, %select_n3A_188 : vector<16xf32>
        %add3A_264 = arith.addf %get3A_259, %mul3A_263 : vector<16xf32>
        %swap3A_265 = arith.index_cast %add3A_256 : i32 to index
        %swap3A_266 = tpu.vector_load %arg6[%swap3A_265] {strides = array<i32>} : memref<32768xf32, #tpu.memory_space<vmem>>, vector<16xf32>,
        %swap3A_267 = vector.shape_cast %swap3A_266 : vector<16xf32> to vector<16xf32>
        %swap3A_268 = vector.shape_cast %add3A_264 : vector<16xf32> to vector<16xf32>
        tpu.vector_store %arg6[%swap3A_265], %swap3A_268 {strides = array<i32>} : memref<32768xf32, #tpu.memory_space<vmem>>, vector<16xf32>,
        %scan3A_269 = arith.constant 4 : i32
        %scan3A_270 = arith.addi %scan3A_195, %scan3A_269 : i32
        %mul3A_271 = arith.constant 1024 : i32
        %mul3A_272 = arith.muli %scan3A_180, %mul3A_271 : i32
        %mul3A_273 = arith.constant 16 : i32
        %mul3A_274 = arith.muli %scan3A_270, %mul3A_273 : i32
        %add3A_275 = arith.addi %mul3A_272, %mul3A_274 : i32
        %get3A_276 = arith.index_cast %add3A_275 : i32 to index
        %get3A_277 = tpu.vector_load %arg6[%get3A_276] {strides = array<i32>} : memref<32768xf32, #tpu.memory_space<vmem>>, vector<16xf32>,
        %get3A_278 = vector.shape_cast %get3A_277 : vector<16xf32> to vector<16xf32>
        %get3A_279 = arith.index_cast %add3A_275 : i32 to index
        %get3A_280 = tpu.vector_load %arg7[%get3A_279] {strides = array<i32>} : memref<32768xf32, #tpu.memory_space<vmem>>, vector<16xf32>,
        %get3A_281 = vector.shape_cast %get3A_280 : vector<16xf32> to vector<16xf32>
        %mul3A_282 = arith.mulf %get3A_281, %select_n3A_188 : vector<16xf32>
        %add3A_283 = arith.addf %get3A_278, %mul3A_282 : vector<16xf32>
        %swap3A_284 = arith.index_cast %add3A_275 : i32 to index
        %swap3A_285 = tpu.vector_load %arg6[%swap3A_284] {strides = array<i32>} : memref<32768xf32, #tpu.memory_space<vmem>>, vector<16xf32>,
        %swap3A_286 = vector.shape_cast %swap3A_285 : vector<16xf32> to vector<16xf32>
        %swap3A_287 = vector.shape_cast %add3A_283 : vector<16xf32> to vector<16xf32>
        tpu.vector_store %arg6[%swap3A_284], %swap3A_287 {strides = array<i32>} : memref<32768xf32, #tpu.memory_space<vmem>>, vector<16xf32>,
        %scan3A_288 = arith.constant 5 : i32
        %scan3A_289 = arith.addi %scan3A_195, %scan3A_288 : i32
        %mul3A_290 = arith.constant 1024 : i32
        %mul3A_291 = arith.muli %scan3A_180, %mul3A_290 : i32
        %mul3A_292 = arith.constant 16 : i32
        %mul3A_293 = arith.muli %scan3A_289, %mul3A_292 : i32
        %add3A_294 = arith.addi %mul3A_291, %mul3A_293 : i32
        %get3A_295 = arith.index_cast %add3A_294 : i32 to index
        %get3A_296 = tpu.vector_load %arg6[%get3A_295] {strides = array<i32>} : memref<32768xf32, #tpu.memory_space<vmem>>, vector<16xf32>,
        %get3A_297 = vector.shape_cast %get3A_296 : vector<16xf32> to vector<16xf32>
        %get3A_298 = arith.index_cast %add3A_294 : i32 to index
        %get3A_299 = tpu.vector_load %arg7[%get3A_298] {strides = array<i32>} : memref<32768xf32, #tpu.memory_space<vmem>>, vector<16xf32>,
        %get3A_300 = vector.shape_cast %get3A_299 : vector<16xf32> to vector<16xf32>
        %mul3A_301 = arith.mulf %get3A_300, %select_n3A_188 : vector<16xf32>
        %add3A_302 = arith.addf %get3A_297, %mul3A_301 : vector<16xf32>
        %swap3A_303 = arith.index_cast %add3A_294 : i32 to index
        %swap3A_304 = tpu.vector_load %arg6[%swap3A_303] {strides = array<i32>} : memref<32768xf32, #tpu.memory_space<vmem>>, vector<16xf32>,
        %swap3A_305 = vector.shape_cast %swap3A_304 : vector<16xf32> to vector<16xf32>
        %swap3A_306 = vector.shape_cast %add3A_302 : vector<16xf32> to vector<16xf32>
        tpu.vector_store %arg6[%swap3A_303], %swap3A_306 {strides = array<i32>} : memref<32768xf32, #tpu.memory_space<vmem>>, vector<16xf32>,
        %scan3A_307 = arith.constant 6 : i32
        %scan3A_308 = arith.addi %scan3A_195, %scan3A_307 : i32
        %mul3A_309 = arith.constant 1024 : i32
        %mul3A_310 = arith.muli %scan3A_180, %mul3A_309 : i32
        %mul3A_311 = arith.constant 16 : i32
        %mul3A_312 = arith.muli %scan3A_308, %mul3A_311 : i32
        %add3A_313 = arith.addi %mul3A_310, %mul3A_312 : i32
        %get3A_314 = arith.index_cast %add3A_313 : i32 to index
        %get3A_315 = tpu.vector_load %arg6[%get3A_314] {strides = array<i32>} : memref<32768xf32, #tpu.memory_space<vmem>>, vector<16xf32>,
        %get3A_316 = vector.shape_cast %get3A_315 : vector<16xf32> to vector<16xf32>
        %get3A_317 = arith.index_cast %add3A_313 : i32 to index
        %get3A_318 = tpu.vector_load %arg7[%get3A_317] {strides = array<i32>} : memref<32768xf32, #tpu.memory_space<vmem>>, vector<16xf32>,
        %get3A_319 = vector.shape_cast %get3A_318 : vector<16xf32> to vector<16xf32>
        %mul3A_320 = arith.mulf %get3A_319, %select_n3A_188 : vector<16xf32>
        %add3A_321 = arith.addf %get3A_316, %mul3A_320 : vector<16xf32>
        %swap3A_322 = arith.index_cast %add3A_313 : i32 to index
        %swap3A_323 = tpu.vector_load %arg6[%swap3A_322] {strides = array<i32>} : memref<32768xf32, #tpu.memory_space<vmem>>, vector<16xf32>,
        %swap3A_324 = vector.shape_cast %swap3A_323 : vector<16xf32> to vector<16xf32>
        %swap3A_325 = vector.shape_cast %add3A_321 : vector<16xf32> to vector<16xf32>
        tpu.vector_store %arg6[%swap3A_322], %swap3A_325 {strides = array<i32>} : memref<32768xf32, #tpu.memory_space<vmem>>, vector<16xf32>,
        %scan3A_326 = arith.constant 7 : i32
        %scan3A_327 = arith.addi %scan3A_195, %scan3A_326 : i32
        %mul3A_328 = arith.constant 1024 : i32
        %mul3A_329 = arith.muli %scan3A_180, %mul3A_328 : i32
        %mul3A_330 = arith.constant 16 : i32
        %mul3A_331 = arith.muli %scan3A_327, %mul3A_330 : i32
        %add3A_332 = arith.addi %mul3A_329, %mul3A_331 : i32
        %get3A_333 = arith.index_cast %add3A_332 : i32 to index
        %get3A_334 = tpu.vector_load %arg6[%get3A_333] {strides = array<i32>} : memref<32768xf32, #tpu.memory_space<vmem>>, vector<16xf32>,
        %get3A_335 = vector.shape_cast %get3A_334 : vector<16xf32> to vector<16xf32>
        %get3A_336 = arith.index_cast %add3A_332 : i32 to index
        %get3A_337 = tpu.vector_load %arg7[%get3A_336] {strides = array<i32>} : memref<32768xf32, #tpu.memory_space<vmem>>, vector<16xf32>,
        %get3A_338 = vector.shape_cast %get3A_337 : vector<16xf32> to vector<16xf32>
        %mul3A_339 = arith.mulf %get3A_338, %select_n3A_188 : vector<16xf32>
        %add3A_340 = arith.addf %get3A_335, %mul3A_339 : vector<16xf32>
        %swap3A_341 = arith.index_cast %add3A_332 : i32 to index
        %swap3A_342 = tpu.vector_load %arg6[%swap3A_341] {strides = array<i32>} : memref<32768xf32, #tpu.memory_space<vmem>>, vector<16xf32>,
        %swap3A_343 = vector.shape_cast %swap3A_342 : vector<16xf32> to vector<16xf32>
        %swap3A_344 = vector.shape_cast %add3A_340 : vector<16xf32> to vector<16xf32>
        tpu.vector_store %arg6[%swap3A_341], %swap3A_344 {strides = array<i32>} : memref<32768xf32, #tpu.memory_space<vmem>>, vector<16xf32>,
      }
      %scan3A_194 = arith.constant 64 : i32
    }
    %scan3A_87 = arith.constant 32 : i32
    %mul3A_88 = arith.constant 1024 : i32
    %mul3A_89 = arith.muli %add3A_75, %mul3A_88 : i32
    "tpu.region"() ({
      %run_scoped3A = tpu.sem_alloc : memref<!tpu.dma_semaphore, #tpu.memory_space<semaphore_mem>>
      %dma_start3A = tpu.memref_slice %arg5[%mul3A_89] : memref<8388608xf32, #tpu.memory_space<hbm>> -> memref<32768xf32, #tpu.memory_space<hbm>>
      %dma_start3A_180 = tpu.memref_slice %arg5[%mul3A_89] : memref<8388608xf32, #tpu.memory_space<hbm>> -> memref<32768xf32, #tpu.memory_space<hbm>>
      tpu.enqueue_dma source(%arg6 : memref<32768xf32, #tpu.memory_space<vmem>>) target(%dma_start3A_180 : memref<32768xf32, #tpu.memory_space<hbm>>) target_semaphore(%run_scoped3A : memref<!tpu.dma_semaphore, #tpu.memory_space<semaphore_mem>>)
      %dma_wait3A = tpu.memref_slice %arg5[%mul3A_89] : memref<8388608xf32, #tpu.memory_space<hbm>> -> memref<32768xf32, #tpu.memory_space<hbm>>
      %dma_wait3A_181 = tpu.memref_slice %arg5[%mul3A_89] : memref<8388608xf32, #tpu.memory_space<hbm>> -> memref<32768xf32, #tpu.memory_space<hbm>>
      tpu.wait_dma2 semaphore(%run_scoped3A : memref<!tpu.dma_semaphore, #tpu.memory_space<semaphore_mem>>) src(%arg6 : memref<32768xf32, #tpu.memory_space<vmem>>) dst(%dma_wait3A_181 : memref<32768xf32, #tpu.memory_space<hbm>>)
      tpu.yield
    }) : () -> ()
    %mul3A_90 = arith.constant 256 : i32
    %mul3A_91 = arith.muli %add3A, %mul3A_90 : i32
    %add3A_92 = arith.constant 96 : i32
    %add3A_93 = arith.addi %mul3A_91, %add3A_92 : i32
    %add3A_94 = arith.constant 96 : i32
    %add3A_95 = arith.addi %mul3A_32, %add3A_94 : i32
    %mul3A_96 = arith.constant 1024 : i32
    %mul3A_97 = arith.muli %add3A_93, %mul3A_96 : i32
    "tpu.region"() ({
      %run_scoped3A = tpu.sem_alloc : memref<!tpu.dma_semaphore, #tpu.memory_space<semaphore_mem>>
      %dma_start3A = tpu.memref_slice %arg2[%mul3A_97] : memref<8388608xf32, #tpu.memory_space<hbm>> -> memref<32768xf32, #tpu.memory_space<hbm>>
      %dma_start3A_180 = tpu.memref_slice %arg2[%mul3A_97] : memref<8388608xf32, #tpu.memory_space<hbm>> -> memref<32768xf32, #tpu.memory_space<hbm>>
      tpu.enqueue_dma source(%dma_start3A_180 : memref<32768xf32, #tpu.memory_space<hbm>>) target(%arg6 : memref<32768xf32, #tpu.memory_space<vmem>>) target_semaphore(%run_scoped3A : memref<!tpu.dma_semaphore, #tpu.memory_space<semaphore_mem>>)
      %dma_wait3A = tpu.memref_slice %arg2[%mul3A_97] : memref<8388608xf32, #tpu.memory_space<hbm>> -> memref<32768xf32, #tpu.memory_space<hbm>>
      %dma_wait3A_181 = tpu.memref_slice %arg2[%mul3A_97] : memref<8388608xf32, #tpu.memory_space<hbm>> -> memref<32768xf32, #tpu.memory_space<hbm>>
      tpu.wait_dma2 semaphore(%run_scoped3A : memref<!tpu.dma_semaphore, #tpu.memory_space<semaphore_mem>>) src(%dma_wait3A_181 : memref<32768xf32, #tpu.memory_space<hbm>>) dst(%arg6 : memref<32768xf32, #tpu.memory_space<vmem>>)
      tpu.yield
    }) : () -> ()
    %mul3A_98 = arith.constant 1024 : i32
    %mul3A_99 = arith.muli %add3A_95, %mul3A_98 : i32
    "tpu.region"() ({
      %run_scoped3A = tpu.sem_alloc : memref<!tpu.dma_semaphore, #tpu.memory_space<semaphore_mem>>
      %dma_start3A = tpu.memref_slice %arg3[%mul3A_99] : memref<2097152xf32, #tpu.memory_space<hbm>> -> memref<32768xf32, #tpu.memory_space<hbm>>
      %dma_start3A_180 = tpu.memref_slice %arg3[%mul3A_99] : memref<2097152xf32, #tpu.memory_space<hbm>> -> memref<32768xf32, #tpu.memory_space<hbm>>
      tpu.enqueue_dma source(%dma_start3A_180 : memref<32768xf32, #tpu.memory_space<hbm>>) target(%arg7 : memref<32768xf32, #tpu.memory_space<vmem>>) target_semaphore(%run_scoped3A : memref<!tpu.dma_semaphore, #tpu.memory_space<semaphore_mem>>)
      %dma_wait3A = tpu.memref_slice %arg3[%mul3A_99] : memref<2097152xf32, #tpu.memory_space<hbm>> -> memref<32768xf32, #tpu.memory_space<hbm>>
      %dma_wait3A_181 = tpu.memref_slice %arg3[%mul3A_99] : memref<2097152xf32, #tpu.memory_space<hbm>> -> memref<32768xf32, #tpu.memory_space<hbm>>
      tpu.wait_dma2 semaphore(%run_scoped3A : memref<!tpu.dma_semaphore, #tpu.memory_space<semaphore_mem>>) src(%dma_wait3A_181 : memref<32768xf32, #tpu.memory_space<hbm>>) dst(%arg7 : memref<32768xf32, #tpu.memory_space<vmem>>)
      tpu.yield
    }) : () -> ()
    %scan3A_100 = arith.constant 0 : i32
    %scan3A_101 = arith.constant 0 : i32
    %scan3A_102 = arith.constant 32 : i32
    %scan3A_103 = arith.addi %scan3A_101, %scan3A_102 : i32
    %scan3A_104 = arith.constant 1 : i32
    scf.for %scan3A_180 = %scan3A_101 to %scan3A_103 step %scan3A_104  : i32 {
      %add3A_181 = arith.addi %add3A_95, %scan3A_180 : i32
      %broadcast_in_dim3A_182 = vector.broadcast %add3A_181 : i32 to vector<16xi32>
      %lt3A_183 = arith.cmpi slt, %broadcast_in_dim3A_182, %gather3A_36 : vector<16xi32>
      %jit3A_184 = arith.constant 1.000000e+00 : f32
      %jit3A_185 = arith.constant 0.000000e+00 : f32
      %broadcast_in_dim3A_186 = vector.broadcast %jit3A_184 : f32 to vector<16xf32>
      %broadcast_in_dim3A_187 = vector.broadcast %jit3A_185 : f32 to vector<16xf32>
      %select_n3A_188 = arith.select %lt3A_183, %broadcast_in_dim3A_186, %broadcast_in_dim3A_187 : vector<16xi1>, vector<16xf32>
      %scan3A_189 = arith.constant 0 : i32
      %scan3A_190 = arith.constant 0 : i32
      %scan3A_191 = arith.constant 64 : i32
      %scan3A_192 = arith.addi %scan3A_190, %scan3A_191 : i32
      %scan3A_193 = arith.constant 8 : i32
      scf.for %scan3A_195 = %scan3A_190 to %scan3A_192 step %scan3A_193  : i32 {
        %mul3A_196 = arith.constant 1024 : i32
        %mul3A_197 = arith.muli %scan3A_180, %mul3A_196 : i32
        %mul3A_198 = arith.constant 16 : i32
        %mul3A_199 = arith.muli %scan3A_195, %mul3A_198 : i32
        %add3A_200 = arith.addi %mul3A_197, %mul3A_199 : i32
        %get3A_201 = arith.index_cast %add3A_200 : i32 to index
        %get3A_202 = tpu.vector_load %arg6[%get3A_201] {strides = array<i32>} : memref<32768xf32, #tpu.memory_space<vmem>>, vector<16xf32>,
        %get3A_203 = vector.shape_cast %get3A_202 : vector<16xf32> to vector<16xf32>
        %get3A_204 = arith.index_cast %add3A_200 : i32 to index
        %get3A_205 = tpu.vector_load %arg7[%get3A_204] {strides = array<i32>} : memref<32768xf32, #tpu.memory_space<vmem>>, vector<16xf32>,
        %get3A_206 = vector.shape_cast %get3A_205 : vector<16xf32> to vector<16xf32>
        %mul3A_207 = arith.mulf %get3A_206, %select_n3A_188 : vector<16xf32>
        %add3A_208 = arith.addf %get3A_203, %mul3A_207 : vector<16xf32>
        %swap3A = arith.index_cast %add3A_200 : i32 to index
        %swap3A_209 = tpu.vector_load %arg6[%swap3A] {strides = array<i32>} : memref<32768xf32, #tpu.memory_space<vmem>>, vector<16xf32>,
        %swap3A_210 = vector.shape_cast %swap3A_209 : vector<16xf32> to vector<16xf32>
        %swap3A_211 = vector.shape_cast %add3A_208 : vector<16xf32> to vector<16xf32>
        tpu.vector_store %arg6[%swap3A], %swap3A_211 {strides = array<i32>} : memref<32768xf32, #tpu.memory_space<vmem>>, vector<16xf32>,
        %scan3A_212 = arith.constant 1 : i32
        %scan3A_213 = arith.addi %scan3A_195, %scan3A_212 : i32
        %mul3A_214 = arith.constant 1024 : i32
        %mul3A_215 = arith.muli %scan3A_180, %mul3A_214 : i32
        %mul3A_216 = arith.constant 16 : i32
        %mul3A_217 = arith.muli %scan3A_213, %mul3A_216 : i32
        %add3A_218 = arith.addi %mul3A_215, %mul3A_217 : i32
        %get3A_219 = arith.index_cast %add3A_218 : i32 to index
        %get3A_220 = tpu.vector_load %arg6[%get3A_219] {strides = array<i32>} : memref<32768xf32, #tpu.memory_space<vmem>>, vector<16xf32>,
        %get3A_221 = vector.shape_cast %get3A_220 : vector<16xf32> to vector<16xf32>
        %get3A_222 = arith.index_cast %add3A_218 : i32 to index
        %get3A_223 = tpu.vector_load %arg7[%get3A_222] {strides = array<i32>} : memref<32768xf32, #tpu.memory_space<vmem>>, vector<16xf32>,
        %get3A_224 = vector.shape_cast %get3A_223 : vector<16xf32> to vector<16xf32>
        %mul3A_225 = arith.mulf %get3A_224, %select_n3A_188 : vector<16xf32>
        %add3A_226 = arith.addf %get3A_221, %mul3A_225 : vector<16xf32>
        %swap3A_227 = arith.index_cast %add3A_218 : i32 to index
        %swap3A_228 = tpu.vector_load %arg6[%swap3A_227] {strides = array<i32>} : memref<32768xf32, #tpu.memory_space<vmem>>, vector<16xf32>,
        %swap3A_229 = vector.shape_cast %swap3A_228 : vector<16xf32> to vector<16xf32>
        %swap3A_230 = vector.shape_cast %add3A_226 : vector<16xf32> to vector<16xf32>
        tpu.vector_store %arg6[%swap3A_227], %swap3A_230 {strides = array<i32>} : memref<32768xf32, #tpu.memory_space<vmem>>, vector<16xf32>,
        %scan3A_231 = arith.constant 2 : i32
        %scan3A_232 = arith.addi %scan3A_195, %scan3A_231 : i32
        %mul3A_233 = arith.constant 1024 : i32
        %mul3A_234 = arith.muli %scan3A_180, %mul3A_233 : i32
        %mul3A_235 = arith.constant 16 : i32
        %mul3A_236 = arith.muli %scan3A_232, %mul3A_235 : i32
        %add3A_237 = arith.addi %mul3A_234, %mul3A_236 : i32
        %get3A_238 = arith.index_cast %add3A_237 : i32 to index
        %get3A_239 = tpu.vector_load %arg6[%get3A_238] {strides = array<i32>} : memref<32768xf32, #tpu.memory_space<vmem>>, vector<16xf32>,
        %get3A_240 = vector.shape_cast %get3A_239 : vector<16xf32> to vector<16xf32>
        %get3A_241 = arith.index_cast %add3A_237 : i32 to index
        %get3A_242 = tpu.vector_load %arg7[%get3A_241] {strides = array<i32>} : memref<32768xf32, #tpu.memory_space<vmem>>, vector<16xf32>,
        %get3A_243 = vector.shape_cast %get3A_242 : vector<16xf32> to vector<16xf32>
        %mul3A_244 = arith.mulf %get3A_243, %select_n3A_188 : vector<16xf32>
        %add3A_245 = arith.addf %get3A_240, %mul3A_244 : vector<16xf32>
        %swap3A_246 = arith.index_cast %add3A_237 : i32 to index
        %swap3A_247 = tpu.vector_load %arg6[%swap3A_246] {strides = array<i32>} : memref<32768xf32, #tpu.memory_space<vmem>>, vector<16xf32>,
        %swap3A_248 = vector.shape_cast %swap3A_247 : vector<16xf32> to vector<16xf32>
        %swap3A_249 = vector.shape_cast %add3A_245 : vector<16xf32> to vector<16xf32>
        tpu.vector_store %arg6[%swap3A_246], %swap3A_249 {strides = array<i32>} : memref<32768xf32, #tpu.memory_space<vmem>>, vector<16xf32>,
        %scan3A_250 = arith.constant 3 : i32
        %scan3A_251 = arith.addi %scan3A_195, %scan3A_250 : i32
        %mul3A_252 = arith.constant 1024 : i32
        %mul3A_253 = arith.muli %scan3A_180, %mul3A_252 : i32
        %mul3A_254 = arith.constant 16 : i32
        %mul3A_255 = arith.muli %scan3A_251, %mul3A_254 : i32
        %add3A_256 = arith.addi %mul3A_253, %mul3A_255 : i32
        %get3A_257 = arith.index_cast %add3A_256 : i32 to index
        %get3A_258 = tpu.vector_load %arg6[%get3A_257] {strides = array<i32>} : memref<32768xf32, #tpu.memory_space<vmem>>, vector<16xf32>,
        %get3A_259 = vector.shape_cast %get3A_258 : vector<16xf32> to vector<16xf32>
        %get3A_260 = arith.index_cast %add3A_256 : i32 to index
        %get3A_261 = tpu.vector_load %arg7[%get3A_260] {strides = array<i32>} : memref<32768xf32, #tpu.memory_space<vmem>>, vector<16xf32>,
        %get3A_262 = vector.shape_cast %get3A_261 : vector<16xf32> to vector<16xf32>
        %mul3A_263 = arith.mulf %get3A_262, %select_n3A_188 : vector<16xf32>
        %add3A_264 = arith.addf %get3A_259, %mul3A_263 : vector<16xf32>
        %swap3A_265 = arith.index_cast %add3A_256 : i32 to index
        %swap3A_266 = tpu.vector_load %arg6[%swap3A_265] {strides = array<i32>} : memref<32768xf32, #tpu.memory_space<vmem>>, vector<16xf32>,
        %swap3A_267 = vector.shape_cast %swap3A_266 : vector<16xf32> to vector<16xf32>
        %swap3A_268 = vector.shape_cast %add3A_264 : vector<16xf32> to vector<16xf32>
        tpu.vector_store %arg6[%swap3A_265], %swap3A_268 {strides = array<i32>} : memref<32768xf32, #tpu.memory_space<vmem>>, vector<16xf32>,
        %scan3A_269 = arith.constant 4 : i32
        %scan3A_270 = arith.addi %scan3A_195, %scan3A_269 : i32
        %mul3A_271 = arith.constant 1024 : i32
        %mul3A_272 = arith.muli %scan3A_180, %mul3A_271 : i32
        %mul3A_273 = arith.constant 16 : i32
        %mul3A_274 = arith.muli %scan3A_270, %mul3A_273 : i32
        %add3A_275 = arith.addi %mul3A_272, %mul3A_274 : i32
        %get3A_276 = arith.index_cast %add3A_275 : i32 to index
        %get3A_277 = tpu.vector_load %arg6[%get3A_276] {strides = array<i32>} : memref<32768xf32, #tpu.memory_space<vmem>>, vector<16xf32>,
        %get3A_278 = vector.shape_cast %get3A_277 : vector<16xf32> to vector<16xf32>
        %get3A_279 = arith.index_cast %add3A_275 : i32 to index
        %get3A_280 = tpu.vector_load %arg7[%get3A_279] {strides = array<i32>} : memref<32768xf32, #tpu.memory_space<vmem>>, vector<16xf32>,
        %get3A_281 = vector.shape_cast %get3A_280 : vector<16xf32> to vector<16xf32>
        %mul3A_282 = arith.mulf %get3A_281, %select_n3A_188 : vector<16xf32>
        %add3A_283 = arith.addf %get3A_278, %mul3A_282 : vector<16xf32>
        %swap3A_284 = arith.index_cast %add3A_275 : i32 to index
        %swap3A_285 = tpu.vector_load %arg6[%swap3A_284] {strides = array<i32>} : memref<32768xf32, #tpu.memory_space<vmem>>, vector<16xf32>,
        %swap3A_286 = vector.shape_cast %swap3A_285 : vector<16xf32> to vector<16xf32>
        %swap3A_287 = vector.shape_cast %add3A_283 : vector<16xf32> to vector<16xf32>
        tpu.vector_store %arg6[%swap3A_284], %swap3A_287 {strides = array<i32>} : memref<32768xf32, #tpu.memory_space<vmem>>, vector<16xf32>,
        %scan3A_288 = arith.constant 5 : i32
        %scan3A_289 = arith.addi %scan3A_195, %scan3A_288 : i32
        %mul3A_290 = arith.constant 1024 : i32
        %mul3A_291 = arith.muli %scan3A_180, %mul3A_290 : i32
        %mul3A_292 = arith.constant 16 : i32
        %mul3A_293 = arith.muli %scan3A_289, %mul3A_292 : i32
        %add3A_294 = arith.addi %mul3A_291, %mul3A_293 : i32
        %get3A_295 = arith.index_cast %add3A_294 : i32 to index
        %get3A_296 = tpu.vector_load %arg6[%get3A_295] {strides = array<i32>} : memref<32768xf32, #tpu.memory_space<vmem>>, vector<16xf32>,
        %get3A_297 = vector.shape_cast %get3A_296 : vector<16xf32> to vector<16xf32>
        %get3A_298 = arith.index_cast %add3A_294 : i32 to index
        %get3A_299 = tpu.vector_load %arg7[%get3A_298] {strides = array<i32>} : memref<32768xf32, #tpu.memory_space<vmem>>, vector<16xf32>,
        %get3A_300 = vector.shape_cast %get3A_299 : vector<16xf32> to vector<16xf32>
        %mul3A_301 = arith.mulf %get3A_300, %select_n3A_188 : vector<16xf32>
        %add3A_302 = arith.addf %get3A_297, %mul3A_301 : vector<16xf32>
        %swap3A_303 = arith.index_cast %add3A_294 : i32 to index
        %swap3A_304 = tpu.vector_load %arg6[%swap3A_303] {strides = array<i32>} : memref<32768xf32, #tpu.memory_space<vmem>>, vector<16xf32>,
        %swap3A_305 = vector.shape_cast %swap3A_304 : vector<16xf32> to vector<16xf32>
        %swap3A_306 = vector.shape_cast %add3A_302 : vector<16xf32> to vector<16xf32>
        tpu.vector_store %arg6[%swap3A_303], %swap3A_306 {strides = array<i32>} : memref<32768xf32, #tpu.memory_space<vmem>>, vector<16xf32>,
        %scan3A_307 = arith.constant 6 : i32
        %scan3A_308 = arith.addi %scan3A_195, %scan3A_307 : i32
        %mul3A_309 = arith.constant 1024 : i32
        %mul3A_310 = arith.muli %scan3A_180, %mul3A_309 : i32
        %mul3A_311 = arith.constant 16 : i32
        %mul3A_312 = arith.muli %scan3A_308, %mul3A_311 : i32
        %add3A_313 = arith.addi %mul3A_310, %mul3A_312 : i32
        %get3A_314 = arith.index_cast %add3A_313 : i32 to index
        %get3A_315 = tpu.vector_load %arg6[%get3A_314] {strides = array<i32>} : memref<32768xf32, #tpu.memory_space<vmem>>, vector<16xf32>,
        %get3A_316 = vector.shape_cast %get3A_315 : vector<16xf32> to vector<16xf32>
        %get3A_317 = arith.index_cast %add3A_313 : i32 to index
        %get3A_318 = tpu.vector_load %arg7[%get3A_317] {strides = array<i32>} : memref<32768xf32, #tpu.memory_space<vmem>>, vector<16xf32>,
        %get3A_319 = vector.shape_cast %get3A_318 : vector<16xf32> to vector<16xf32>
        %mul3A_320 = arith.mulf %get3A_319, %select_n3A_188 : vector<16xf32>
        %add3A_321 = arith.addf %get3A_316, %mul3A_320 : vector<16xf32>
        %swap3A_322 = arith.index_cast %add3A_313 : i32 to index
        %swap3A_323 = tpu.vector_load %arg6[%swap3A_322] {strides = array<i32>} : memref<32768xf32, #tpu.memory_space<vmem>>, vector<16xf32>,
        %swap3A_324 = vector.shape_cast %swap3A_323 : vector<16xf32> to vector<16xf32>
        %swap3A_325 = vector.shape_cast %add3A_321 : vector<16xf32> to vector<16xf32>
        tpu.vector_store %arg6[%swap3A_322], %swap3A_325 {strides = array<i32>} : memref<32768xf32, #tpu.memory_space<vmem>>, vector<16xf32>,
        %scan3A_326 = arith.constant 7 : i32
        %scan3A_327 = arith.addi %scan3A_195, %scan3A_326 : i32
        %mul3A_328 = arith.constant 1024 : i32
        %mul3A_329 = arith.muli %scan3A_180, %mul3A_328 : i32
        %mul3A_330 = arith.constant 16 : i32
        %mul3A_331 = arith.muli %scan3A_327, %mul3A_330 : i32
        %add3A_332 = arith.addi %mul3A_329, %mul3A_331 : i32
        %get3A_333 = arith.index_cast %add3A_332 : i32 to index
        %get3A_334 = tpu.vector_load %arg6[%get3A_333] {strides = array<i32>} : memref<32768xf32, #tpu.memory_space<vmem>>, vector<16xf32>,
        %get3A_335 = vector.shape_cast %get3A_334 : vector<16xf32> to vector<16xf32>
        %get3A_336 = arith.index_cast %add3A_332 : i32 to index
        %get3A_337 = tpu.vector_load %arg7[%get3A_336] {strides = array<i32>} : memref<32768xf32, #tpu.memory_space<vmem>>, vector<16xf32>,
        %get3A_338 = vector.shape_cast %get3A_337 : vector<16xf32> to vector<16xf32>
        %mul3A_339 = arith.mulf %get3A_338, %select_n3A_188 : vector<16xf32>
        %add3A_340 = arith.addf %get3A_335, %mul3A_339 : vector<16xf32>
        %swap3A_341 = arith.index_cast %add3A_332 : i32 to index
        %swap3A_342 = tpu.vector_load %arg6[%swap3A_341] {strides = array<i32>} : memref<32768xf32, #tpu.memory_space<vmem>>, vector<16xf32>,
        %swap3A_343 = vector.shape_cast %swap3A_342 : vector<16xf32> to vector<16xf32>
        %swap3A_344 = vector.shape_cast %add3A_340 : vector<16xf32> to vector<16xf32>
        tpu.vector_store %arg6[%swap3A_341], %swap3A_344 {strides = array<i32>} : memref<32768xf32, #tpu.memory_space<vmem>>, vector<16xf32>,
      }
      %scan3A_194 = arith.constant 64 : i32
    }
    %scan3A_105 = arith.constant 32 : i32
    %mul3A_106 = arith.constant 1024 : i32
    %mul3A_107 = arith.muli %add3A_93, %mul3A_106 : i32
    "tpu.region"() ({
      %run_scoped3A = tpu.sem_alloc : memref<!tpu.dma_semaphore, #tpu.memory_space<semaphore_mem>>
      %dma_start3A = tpu.memref_slice %arg5[%mul3A_107] : memref<8388608xf32, #tpu.memory_space<hbm>> -> memref<32768xf32, #tpu.memory_space<hbm>>
      %dma_start3A_180 = tpu.memref_slice %arg5[%mul3A_107] : memref<8388608xf32, #tpu.memory_space<hbm>> -> memref<32768xf32, #tpu.memory_space<hbm>>
      tpu.enqueue_dma source(%arg6 : memref<32768xf32, #tpu.memory_space<vmem>>) target(%dma_start3A_180 : memref<32768xf32, #tpu.memory_space<hbm>>) target_semaphore(%run_scoped3A : memref<!tpu.dma_semaphore, #tpu.memory_space<semaphore_mem>>)
      %dma_wait3A = tpu.memref_slice %arg5[%mul3A_107] : memref<8388608xf32, #tpu.memory_space<hbm>> -> memref<32768xf32, #tpu.memory_space<hbm>>
      %dma_wait3A_181 = tpu.memref_slice %arg5[%mul3A_107] : memref<8388608xf32, #tpu.memory_space<hbm>> -> memref<32768xf32, #tpu.memory_space<hbm>>
      tpu.wait_dma2 semaphore(%run_scoped3A : memref<!tpu.dma_semaphore, #tpu.memory_space<semaphore_mem>>) src(%arg6 : memref<32768xf32, #tpu.memory_space<vmem>>) dst(%dma_wait3A_181 : memref<32768xf32, #tpu.memory_space<hbm>>)
      tpu.yield
    }) : () -> ()
    %mul3A_108 = arith.constant 256 : i32
    %mul3A_109 = arith.muli %add3A, %mul3A_108 : i32
    %add3A_110 = arith.constant 128 : i32
    %add3A_111 = arith.addi %mul3A_109, %add3A_110 : i32
    %add3A_112 = arith.constant 128 : i32
    %add3A_113 = arith.addi %mul3A_32, %add3A_112 : i32
    %mul3A_114 = arith.constant 1024 : i32
    %mul3A_115 = arith.muli %add3A_111, %mul3A_114 : i32
    "tpu.region"() ({
      %run_scoped3A = tpu.sem_alloc : memref<!tpu.dma_semaphore, #tpu.memory_space<semaphore_mem>>
      %dma_start3A = tpu.memref_slice %arg2[%mul3A_115] : memref<8388608xf32, #tpu.memory_space<hbm>> -> memref<32768xf32, #tpu.memory_space<hbm>>
      %dma_start3A_180 = tpu.memref_slice %arg2[%mul3A_115] : memref<8388608xf32, #tpu.memory_space<hbm>> -> memref<32768xf32, #tpu.memory_space<hbm>>
      tpu.enqueue_dma source(%dma_start3A_180 : memref<32768xf32, #tpu.memory_space<hbm>>) target(%arg6 : memref<32768xf32, #tpu.memory_space<vmem>>) target_semaphore(%run_scoped3A : memref<!tpu.dma_semaphore, #tpu.memory_space<semaphore_mem>>)
      %dma_wait3A = tpu.memref_slice %arg2[%mul3A_115] : memref<8388608xf32, #tpu.memory_space<hbm>> -> memref<32768xf32, #tpu.memory_space<hbm>>
      %dma_wait3A_181 = tpu.memref_slice %arg2[%mul3A_115] : memref<8388608xf32, #tpu.memory_space<hbm>> -> memref<32768xf32, #tpu.memory_space<hbm>>
      tpu.wait_dma2 semaphore(%run_scoped3A : memref<!tpu.dma_semaphore, #tpu.memory_space<semaphore_mem>>) src(%dma_wait3A_181 : memref<32768xf32, #tpu.memory_space<hbm>>) dst(%arg6 : memref<32768xf32, #tpu.memory_space<vmem>>)
      tpu.yield
    }) : () -> ()
    %mul3A_116 = arith.constant 1024 : i32
    %mul3A_117 = arith.muli %add3A_113, %mul3A_116 : i32
    "tpu.region"() ({
      %run_scoped3A = tpu.sem_alloc : memref<!tpu.dma_semaphore, #tpu.memory_space<semaphore_mem>>
      %dma_start3A = tpu.memref_slice %arg3[%mul3A_117] : memref<2097152xf32, #tpu.memory_space<hbm>> -> memref<32768xf32, #tpu.memory_space<hbm>>
      %dma_start3A_180 = tpu.memref_slice %arg3[%mul3A_117] : memref<2097152xf32, #tpu.memory_space<hbm>> -> memref<32768xf32, #tpu.memory_space<hbm>>
      tpu.enqueue_dma source(%dma_start3A_180 : memref<32768xf32, #tpu.memory_space<hbm>>) target(%arg7 : memref<32768xf32, #tpu.memory_space<vmem>>) target_semaphore(%run_scoped3A : memref<!tpu.dma_semaphore, #tpu.memory_space<semaphore_mem>>)
      %dma_wait3A = tpu.memref_slice %arg3[%mul3A_117] : memref<2097152xf32, #tpu.memory_space<hbm>> -> memref<32768xf32, #tpu.memory_space<hbm>>
      %dma_wait3A_181 = tpu.memref_slice %arg3[%mul3A_117] : memref<2097152xf32, #tpu.memory_space<hbm>> -> memref<32768xf32, #tpu.memory_space<hbm>>
      tpu.wait_dma2 semaphore(%run_scoped3A : memref<!tpu.dma_semaphore, #tpu.memory_space<semaphore_mem>>) src(%dma_wait3A_181 : memref<32768xf32, #tpu.memory_space<hbm>>) dst(%arg7 : memref<32768xf32, #tpu.memory_space<vmem>>)
      tpu.yield
    }) : () -> ()
    %scan3A_118 = arith.constant 0 : i32
    %scan3A_119 = arith.constant 0 : i32
    %scan3A_120 = arith.constant 32 : i32
    %scan3A_121 = arith.addi %scan3A_119, %scan3A_120 : i32
    %scan3A_122 = arith.constant 1 : i32
    scf.for %scan3A_180 = %scan3A_119 to %scan3A_121 step %scan3A_122  : i32 {
      %add3A_181 = arith.addi %add3A_113, %scan3A_180 : i32
      %broadcast_in_dim3A_182 = vector.broadcast %add3A_181 : i32 to vector<16xi32>
      %lt3A_183 = arith.cmpi slt, %broadcast_in_dim3A_182, %gather3A_36 : vector<16xi32>
      %jit3A_184 = arith.constant 1.000000e+00 : f32
      %jit3A_185 = arith.constant 0.000000e+00 : f32
      %broadcast_in_dim3A_186 = vector.broadcast %jit3A_184 : f32 to vector<16xf32>
      %broadcast_in_dim3A_187 = vector.broadcast %jit3A_185 : f32 to vector<16xf32>
      %select_n3A_188 = arith.select %lt3A_183, %broadcast_in_dim3A_186, %broadcast_in_dim3A_187 : vector<16xi1>, vector<16xf32>
      %scan3A_189 = arith.constant 0 : i32
      %scan3A_190 = arith.constant 0 : i32
      %scan3A_191 = arith.constant 64 : i32
      %scan3A_192 = arith.addi %scan3A_190, %scan3A_191 : i32
      %scan3A_193 = arith.constant 8 : i32
      scf.for %scan3A_195 = %scan3A_190 to %scan3A_192 step %scan3A_193  : i32 {
        %mul3A_196 = arith.constant 1024 : i32
        %mul3A_197 = arith.muli %scan3A_180, %mul3A_196 : i32
        %mul3A_198 = arith.constant 16 : i32
        %mul3A_199 = arith.muli %scan3A_195, %mul3A_198 : i32
        %add3A_200 = arith.addi %mul3A_197, %mul3A_199 : i32
        %get3A_201 = arith.index_cast %add3A_200 : i32 to index
        %get3A_202 = tpu.vector_load %arg6[%get3A_201] {strides = array<i32>} : memref<32768xf32, #tpu.memory_space<vmem>>, vector<16xf32>,
        %get3A_203 = vector.shape_cast %get3A_202 : vector<16xf32> to vector<16xf32>
        %get3A_204 = arith.index_cast %add3A_200 : i32 to index
        %get3A_205 = tpu.vector_load %arg7[%get3A_204] {strides = array<i32>} : memref<32768xf32, #tpu.memory_space<vmem>>, vector<16xf32>,
        %get3A_206 = vector.shape_cast %get3A_205 : vector<16xf32> to vector<16xf32>
        %mul3A_207 = arith.mulf %get3A_206, %select_n3A_188 : vector<16xf32>
        %add3A_208 = arith.addf %get3A_203, %mul3A_207 : vector<16xf32>
        %swap3A = arith.index_cast %add3A_200 : i32 to index
        %swap3A_209 = tpu.vector_load %arg6[%swap3A] {strides = array<i32>} : memref<32768xf32, #tpu.memory_space<vmem>>, vector<16xf32>,
        %swap3A_210 = vector.shape_cast %swap3A_209 : vector<16xf32> to vector<16xf32>
        %swap3A_211 = vector.shape_cast %add3A_208 : vector<16xf32> to vector<16xf32>
        tpu.vector_store %arg6[%swap3A], %swap3A_211 {strides = array<i32>} : memref<32768xf32, #tpu.memory_space<vmem>>, vector<16xf32>,
        %scan3A_212 = arith.constant 1 : i32
        %scan3A_213 = arith.addi %scan3A_195, %scan3A_212 : i32
        %mul3A_214 = arith.constant 1024 : i32
        %mul3A_215 = arith.muli %scan3A_180, %mul3A_214 : i32
        %mul3A_216 = arith.constant 16 : i32
        %mul3A_217 = arith.muli %scan3A_213, %mul3A_216 : i32
        %add3A_218 = arith.addi %mul3A_215, %mul3A_217 : i32
        %get3A_219 = arith.index_cast %add3A_218 : i32 to index
        %get3A_220 = tpu.vector_load %arg6[%get3A_219] {strides = array<i32>} : memref<32768xf32, #tpu.memory_space<vmem>>, vector<16xf32>,
        %get3A_221 = vector.shape_cast %get3A_220 : vector<16xf32> to vector<16xf32>
        %get3A_222 = arith.index_cast %add3A_218 : i32 to index
        %get3A_223 = tpu.vector_load %arg7[%get3A_222] {strides = array<i32>} : memref<32768xf32, #tpu.memory_space<vmem>>, vector<16xf32>,
        %get3A_224 = vector.shape_cast %get3A_223 : vector<16xf32> to vector<16xf32>
        %mul3A_225 = arith.mulf %get3A_224, %select_n3A_188 : vector<16xf32>
        %add3A_226 = arith.addf %get3A_221, %mul3A_225 : vector<16xf32>
        %swap3A_227 = arith.index_cast %add3A_218 : i32 to index
        %swap3A_228 = tpu.vector_load %arg6[%swap3A_227] {strides = array<i32>} : memref<32768xf32, #tpu.memory_space<vmem>>, vector<16xf32>,
        %swap3A_229 = vector.shape_cast %swap3A_228 : vector<16xf32> to vector<16xf32>
        %swap3A_230 = vector.shape_cast %add3A_226 : vector<16xf32> to vector<16xf32>
        tpu.vector_store %arg6[%swap3A_227], %swap3A_230 {strides = array<i32>} : memref<32768xf32, #tpu.memory_space<vmem>>, vector<16xf32>,
        %scan3A_231 = arith.constant 2 : i32
        %scan3A_232 = arith.addi %scan3A_195, %scan3A_231 : i32
        %mul3A_233 = arith.constant 1024 : i32
        %mul3A_234 = arith.muli %scan3A_180, %mul3A_233 : i32
        %mul3A_235 = arith.constant 16 : i32
        %mul3A_236 = arith.muli %scan3A_232, %mul3A_235 : i32
        %add3A_237 = arith.addi %mul3A_234, %mul3A_236 : i32
        %get3A_238 = arith.index_cast %add3A_237 : i32 to index
        %get3A_239 = tpu.vector_load %arg6[%get3A_238] {strides = array<i32>} : memref<32768xf32, #tpu.memory_space<vmem>>, vector<16xf32>,
        %get3A_240 = vector.shape_cast %get3A_239 : vector<16xf32> to vector<16xf32>
        %get3A_241 = arith.index_cast %add3A_237 : i32 to index
        %get3A_242 = tpu.vector_load %arg7[%get3A_241] {strides = array<i32>} : memref<32768xf32, #tpu.memory_space<vmem>>, vector<16xf32>,
        %get3A_243 = vector.shape_cast %get3A_242 : vector<16xf32> to vector<16xf32>
        %mul3A_244 = arith.mulf %get3A_243, %select_n3A_188 : vector<16xf32>
        %add3A_245 = arith.addf %get3A_240, %mul3A_244 : vector<16xf32>
        %swap3A_246 = arith.index_cast %add3A_237 : i32 to index
        %swap3A_247 = tpu.vector_load %arg6[%swap3A_246] {strides = array<i32>} : memref<32768xf32, #tpu.memory_space<vmem>>, vector<16xf32>,
        %swap3A_248 = vector.shape_cast %swap3A_247 : vector<16xf32> to vector<16xf32>
        %swap3A_249 = vector.shape_cast %add3A_245 : vector<16xf32> to vector<16xf32>
        tpu.vector_store %arg6[%swap3A_246], %swap3A_249 {strides = array<i32>} : memref<32768xf32, #tpu.memory_space<vmem>>, vector<16xf32>,
        %scan3A_250 = arith.constant 3 : i32
        %scan3A_251 = arith.addi %scan3A_195, %scan3A_250 : i32
        %mul3A_252 = arith.constant 1024 : i32
        %mul3A_253 = arith.muli %scan3A_180, %mul3A_252 : i32
        %mul3A_254 = arith.constant 16 : i32
        %mul3A_255 = arith.muli %scan3A_251, %mul3A_254 : i32
        %add3A_256 = arith.addi %mul3A_253, %mul3A_255 : i32
        %get3A_257 = arith.index_cast %add3A_256 : i32 to index
        %get3A_258 = tpu.vector_load %arg6[%get3A_257] {strides = array<i32>} : memref<32768xf32, #tpu.memory_space<vmem>>, vector<16xf32>,
        %get3A_259 = vector.shape_cast %get3A_258 : vector<16xf32> to vector<16xf32>
        %get3A_260 = arith.index_cast %add3A_256 : i32 to index
        %get3A_261 = tpu.vector_load %arg7[%get3A_260] {strides = array<i32>} : memref<32768xf32, #tpu.memory_space<vmem>>, vector<16xf32>,
        %get3A_262 = vector.shape_cast %get3A_261 : vector<16xf32> to vector<16xf32>
        %mul3A_263 = arith.mulf %get3A_262, %select_n3A_188 : vector<16xf32>
        %add3A_264 = arith.addf %get3A_259, %mul3A_263 : vector<16xf32>
        %swap3A_265 = arith.index_cast %add3A_256 : i32 to index
        %swap3A_266 = tpu.vector_load %arg6[%swap3A_265] {strides = array<i32>} : memref<32768xf32, #tpu.memory_space<vmem>>, vector<16xf32>,
        %swap3A_267 = vector.shape_cast %swap3A_266 : vector<16xf32> to vector<16xf32>
        %swap3A_268 = vector.shape_cast %add3A_264 : vector<16xf32> to vector<16xf32>
        tpu.vector_store %arg6[%swap3A_265], %swap3A_268 {strides = array<i32>} : memref<32768xf32, #tpu.memory_space<vmem>>, vector<16xf32>,
        %scan3A_269 = arith.constant 4 : i32
        %scan3A_270 = arith.addi %scan3A_195, %scan3A_269 : i32
        %mul3A_271 = arith.constant 1024 : i32
        %mul3A_272 = arith.muli %scan3A_180, %mul3A_271 : i32
        %mul3A_273 = arith.constant 16 : i32
        %mul3A_274 = arith.muli %scan3A_270, %mul3A_273 : i32
        %add3A_275 = arith.addi %mul3A_272, %mul3A_274 : i32
        %get3A_276 = arith.index_cast %add3A_275 : i32 to index
        %get3A_277 = tpu.vector_load %arg6[%get3A_276] {strides = array<i32>} : memref<32768xf32, #tpu.memory_space<vmem>>, vector<16xf32>,
        %get3A_278 = vector.shape_cast %get3A_277 : vector<16xf32> to vector<16xf32>
        %get3A_279 = arith.index_cast %add3A_275 : i32 to index
        %get3A_280 = tpu.vector_load %arg7[%get3A_279] {strides = array<i32>} : memref<32768xf32, #tpu.memory_space<vmem>>, vector<16xf32>,
        %get3A_281 = vector.shape_cast %get3A_280 : vector<16xf32> to vector<16xf32>
        %mul3A_282 = arith.mulf %get3A_281, %select_n3A_188 : vector<16xf32>
        %add3A_283 = arith.addf %get3A_278, %mul3A_282 : vector<16xf32>
        %swap3A_284 = arith.index_cast %add3A_275 : i32 to index
        %swap3A_285 = tpu.vector_load %arg6[%swap3A_284] {strides = array<i32>} : memref<32768xf32, #tpu.memory_space<vmem>>, vector<16xf32>,
        %swap3A_286 = vector.shape_cast %swap3A_285 : vector<16xf32> to vector<16xf32>
        %swap3A_287 = vector.shape_cast %add3A_283 : vector<16xf32> to vector<16xf32>
        tpu.vector_store %arg6[%swap3A_284], %swap3A_287 {strides = array<i32>} : memref<32768xf32, #tpu.memory_space<vmem>>, vector<16xf32>,
        %scan3A_288 = arith.constant 5 : i32
        %scan3A_289 = arith.addi %scan3A_195, %scan3A_288 : i32
        %mul3A_290 = arith.constant 1024 : i32
        %mul3A_291 = arith.muli %scan3A_180, %mul3A_290 : i32
        %mul3A_292 = arith.constant 16 : i32
        %mul3A_293 = arith.muli %scan3A_289, %mul3A_292 : i32
        %add3A_294 = arith.addi %mul3A_291, %mul3A_293 : i32
        %get3A_295 = arith.index_cast %add3A_294 : i32 to index
        %get3A_296 = tpu.vector_load %arg6[%get3A_295] {strides = array<i32>} : memref<32768xf32, #tpu.memory_space<vmem>>, vector<16xf32>,
        %get3A_297 = vector.shape_cast %get3A_296 : vector<16xf32> to vector<16xf32>
        %get3A_298 = arith.index_cast %add3A_294 : i32 to index
        %get3A_299 = tpu.vector_load %arg7[%get3A_298] {strides = array<i32>} : memref<32768xf32, #tpu.memory_space<vmem>>, vector<16xf32>,
        %get3A_300 = vector.shape_cast %get3A_299 : vector<16xf32> to vector<16xf32>
        %mul3A_301 = arith.mulf %get3A_300, %select_n3A_188 : vector<16xf32>
        %add3A_302 = arith.addf %get3A_297, %mul3A_301 : vector<16xf32>
        %swap3A_303 = arith.index_cast %add3A_294 : i32 to index
        %swap3A_304 = tpu.vector_load %arg6[%swap3A_303] {strides = array<i32>} : memref<32768xf32, #tpu.memory_space<vmem>>, vector<16xf32>,
        %swap3A_305 = vector.shape_cast %swap3A_304 : vector<16xf32> to vector<16xf32>
        %swap3A_306 = vector.shape_cast %add3A_302 : vector<16xf32> to vector<16xf32>
        tpu.vector_store %arg6[%swap3A_303], %swap3A_306 {strides = array<i32>} : memref<32768xf32, #tpu.memory_space<vmem>>, vector<16xf32>,
        %scan3A_307 = arith.constant 6 : i32
        %scan3A_308 = arith.addi %scan3A_195, %scan3A_307 : i32
        %mul3A_309 = arith.constant 1024 : i32
        %mul3A_310 = arith.muli %scan3A_180, %mul3A_309 : i32
        %mul3A_311 = arith.constant 16 : i32
        %mul3A_312 = arith.muli %scan3A_308, %mul3A_311 : i32
        %add3A_313 = arith.addi %mul3A_310, %mul3A_312 : i32
        %get3A_314 = arith.index_cast %add3A_313 : i32 to index
        %get3A_315 = tpu.vector_load %arg6[%get3A_314] {strides = array<i32>} : memref<32768xf32, #tpu.memory_space<vmem>>, vector<16xf32>,
        %get3A_316 = vector.shape_cast %get3A_315 : vector<16xf32> to vector<16xf32>
        %get3A_317 = arith.index_cast %add3A_313 : i32 to index
        %get3A_318 = tpu.vector_load %arg7[%get3A_317] {strides = array<i32>} : memref<32768xf32, #tpu.memory_space<vmem>>, vector<16xf32>,
        %get3A_319 = vector.shape_cast %get3A_318 : vector<16xf32> to vector<16xf32>
        %mul3A_320 = arith.mulf %get3A_319, %select_n3A_188 : vector<16xf32>
        %add3A_321 = arith.addf %get3A_316, %mul3A_320 : vector<16xf32>
        %swap3A_322 = arith.index_cast %add3A_313 : i32 to index
        %swap3A_323 = tpu.vector_load %arg6[%swap3A_322] {strides = array<i32>} : memref<32768xf32, #tpu.memory_space<vmem>>, vector<16xf32>,
        %swap3A_324 = vector.shape_cast %swap3A_323 : vector<16xf32> to vector<16xf32>
        %swap3A_325 = vector.shape_cast %add3A_321 : vector<16xf32> to vector<16xf32>
        tpu.vector_store %arg6[%swap3A_322], %swap3A_325 {strides = array<i32>} : memref<32768xf32, #tpu.memory_space<vmem>>, vector<16xf32>,
        %scan3A_326 = arith.constant 7 : i32
        %scan3A_327 = arith.addi %scan3A_195, %scan3A_326 : i32
        %mul3A_328 = arith.constant 1024 : i32
        %mul3A_329 = arith.muli %scan3A_180, %mul3A_328 : i32
        %mul3A_330 = arith.constant 16 : i32
        %mul3A_331 = arith.muli %scan3A_327, %mul3A_330 : i32
        %add3A_332 = arith.addi %mul3A_329, %mul3A_331 : i32
        %get3A_333 = arith.index_cast %add3A_332 : i32 to index
        %get3A_334 = tpu.vector_load %arg6[%get3A_333] {strides = array<i32>} : memref<32768xf32, #tpu.memory_space<vmem>>, vector<16xf32>,
        %get3A_335 = vector.shape_cast %get3A_334 : vector<16xf32> to vector<16xf32>
        %get3A_336 = arith.index_cast %add3A_332 : i32 to index
        %get3A_337 = tpu.vector_load %arg7[%get3A_336] {strides = array<i32>} : memref<32768xf32, #tpu.memory_space<vmem>>, vector<16xf32>,
        %get3A_338 = vector.shape_cast %get3A_337 : vector<16xf32> to vector<16xf32>
        %mul3A_339 = arith.mulf %get3A_338, %select_n3A_188 : vector<16xf32>
        %add3A_340 = arith.addf %get3A_335, %mul3A_339 : vector<16xf32>
        %swap3A_341 = arith.index_cast %add3A_332 : i32 to index
        %swap3A_342 = tpu.vector_load %arg6[%swap3A_341] {strides = array<i32>} : memref<32768xf32, #tpu.memory_space<vmem>>, vector<16xf32>,
        %swap3A_343 = vector.shape_cast %swap3A_342 : vector<16xf32> to vector<16xf32>
        %swap3A_344 = vector.shape_cast %add3A_340 : vector<16xf32> to vector<16xf32>
        tpu.vector_store %arg6[%swap3A_341], %swap3A_344 {strides = array<i32>} : memref<32768xf32, #tpu.memory_space<vmem>>, vector<16xf32>,
      }
      %scan3A_194 = arith.constant 64 : i32
    }
    %scan3A_123 = arith.constant 32 : i32
    %mul3A_124 = arith.constant 1024 : i32
    %mul3A_125 = arith.muli %add3A_111, %mul3A_124 : i32
    "tpu.region"() ({
      %run_scoped3A = tpu.sem_alloc : memref<!tpu.dma_semaphore, #tpu.memory_space<semaphore_mem>>
      %dma_start3A = tpu.memref_slice %arg5[%mul3A_125] : memref<8388608xf32, #tpu.memory_space<hbm>> -> memref<32768xf32, #tpu.memory_space<hbm>>
      %dma_start3A_180 = tpu.memref_slice %arg5[%mul3A_125] : memref<8388608xf32, #tpu.memory_space<hbm>> -> memref<32768xf32, #tpu.memory_space<hbm>>
      tpu.enqueue_dma source(%arg6 : memref<32768xf32, #tpu.memory_space<vmem>>) target(%dma_start3A_180 : memref<32768xf32, #tpu.memory_space<hbm>>) target_semaphore(%run_scoped3A : memref<!tpu.dma_semaphore, #tpu.memory_space<semaphore_mem>>)
      %dma_wait3A = tpu.memref_slice %arg5[%mul3A_125] : memref<8388608xf32, #tpu.memory_space<hbm>> -> memref<32768xf32, #tpu.memory_space<hbm>>
      %dma_wait3A_181 = tpu.memref_slice %arg5[%mul3A_125] : memref<8388608xf32, #tpu.memory_space<hbm>> -> memref<32768xf32, #tpu.memory_space<hbm>>
      tpu.wait_dma2 semaphore(%run_scoped3A : memref<!tpu.dma_semaphore, #tpu.memory_space<semaphore_mem>>) src(%arg6 : memref<32768xf32, #tpu.memory_space<vmem>>) dst(%dma_wait3A_181 : memref<32768xf32, #tpu.memory_space<hbm>>)
      tpu.yield
    }) : () -> ()
    %mul3A_126 = arith.constant 256 : i32
    %mul3A_127 = arith.muli %add3A, %mul3A_126 : i32
    %add3A_128 = arith.constant 160 : i32
    %add3A_129 = arith.addi %mul3A_127, %add3A_128 : i32
    %add3A_130 = arith.constant 160 : i32
    %add3A_131 = arith.addi %mul3A_32, %add3A_130 : i32
    %mul3A_132 = arith.constant 1024 : i32
    %mul3A_133 = arith.muli %add3A_129, %mul3A_132 : i32
    "tpu.region"() ({
      %run_scoped3A = tpu.sem_alloc : memref<!tpu.dma_semaphore, #tpu.memory_space<semaphore_mem>>
      %dma_start3A = tpu.memref_slice %arg2[%mul3A_133] : memref<8388608xf32, #tpu.memory_space<hbm>> -> memref<32768xf32, #tpu.memory_space<hbm>>
      %dma_start3A_180 = tpu.memref_slice %arg2[%mul3A_133] : memref<8388608xf32, #tpu.memory_space<hbm>> -> memref<32768xf32, #tpu.memory_space<hbm>>
      tpu.enqueue_dma source(%dma_start3A_180 : memref<32768xf32, #tpu.memory_space<hbm>>) target(%arg6 : memref<32768xf32, #tpu.memory_space<vmem>>) target_semaphore(%run_scoped3A : memref<!tpu.dma_semaphore, #tpu.memory_space<semaphore_mem>>)
      %dma_wait3A = tpu.memref_slice %arg2[%mul3A_133] : memref<8388608xf32, #tpu.memory_space<hbm>> -> memref<32768xf32, #tpu.memory_space<hbm>>
      %dma_wait3A_181 = tpu.memref_slice %arg2[%mul3A_133] : memref<8388608xf32, #tpu.memory_space<hbm>> -> memref<32768xf32, #tpu.memory_space<hbm>>
      tpu.wait_dma2 semaphore(%run_scoped3A : memref<!tpu.dma_semaphore, #tpu.memory_space<semaphore_mem>>) src(%dma_wait3A_181 : memref<32768xf32, #tpu.memory_space<hbm>>) dst(%arg6 : memref<32768xf32, #tpu.memory_space<vmem>>)
      tpu.yield
    }) : () -> ()
    %mul3A_134 = arith.constant 1024 : i32
    %mul3A_135 = arith.muli %add3A_131, %mul3A_134 : i32
    "tpu.region"() ({
      %run_scoped3A = tpu.sem_alloc : memref<!tpu.dma_semaphore, #tpu.memory_space<semaphore_mem>>
      %dma_start3A = tpu.memref_slice %arg3[%mul3A_135] : memref<2097152xf32, #tpu.memory_space<hbm>> -> memref<32768xf32, #tpu.memory_space<hbm>>
      %dma_start3A_180 = tpu.memref_slice %arg3[%mul3A_135] : memref<2097152xf32, #tpu.memory_space<hbm>> -> memref<32768xf32, #tpu.memory_space<hbm>>
      tpu.enqueue_dma source(%dma_start3A_180 : memref<32768xf32, #tpu.memory_space<hbm>>) target(%arg7 : memref<32768xf32, #tpu.memory_space<vmem>>) target_semaphore(%run_scoped3A : memref<!tpu.dma_semaphore, #tpu.memory_space<semaphore_mem>>)
      %dma_wait3A = tpu.memref_slice %arg3[%mul3A_135] : memref<2097152xf32, #tpu.memory_space<hbm>> -> memref<32768xf32, #tpu.memory_space<hbm>>
      %dma_wait3A_181 = tpu.memref_slice %arg3[%mul3A_135] : memref<2097152xf32, #tpu.memory_space<hbm>> -> memref<32768xf32, #tpu.memory_space<hbm>>
      tpu.wait_dma2 semaphore(%run_scoped3A : memref<!tpu.dma_semaphore, #tpu.memory_space<semaphore_mem>>) src(%dma_wait3A_181 : memref<32768xf32, #tpu.memory_space<hbm>>) dst(%arg7 : memref<32768xf32, #tpu.memory_space<vmem>>)
      tpu.yield
    }) : () -> ()
    %scan3A_136 = arith.constant 0 : i32
    %scan3A_137 = arith.constant 0 : i32
    %scan3A_138 = arith.constant 32 : i32
    %scan3A_139 = arith.addi %scan3A_137, %scan3A_138 : i32
    %scan3A_140 = arith.constant 1 : i32
    scf.for %scan3A_180 = %scan3A_137 to %scan3A_139 step %scan3A_140  : i32 {
      %add3A_181 = arith.addi %add3A_131, %scan3A_180 : i32
      %broadcast_in_dim3A_182 = vector.broadcast %add3A_181 : i32 to vector<16xi32>
      %lt3A_183 = arith.cmpi slt, %broadcast_in_dim3A_182, %gather3A_36 : vector<16xi32>
      %jit3A_184 = arith.constant 1.000000e+00 : f32
      %jit3A_185 = arith.constant 0.000000e+00 : f32
      %broadcast_in_dim3A_186 = vector.broadcast %jit3A_184 : f32 to vector<16xf32>
      %broadcast_in_dim3A_187 = vector.broadcast %jit3A_185 : f32 to vector<16xf32>
      %select_n3A_188 = arith.select %lt3A_183, %broadcast_in_dim3A_186, %broadcast_in_dim3A_187 : vector<16xi1>, vector<16xf32>
      %scan3A_189 = arith.constant 0 : i32
      %scan3A_190 = arith.constant 0 : i32
      %scan3A_191 = arith.constant 64 : i32
      %scan3A_192 = arith.addi %scan3A_190, %scan3A_191 : i32
      %scan3A_193 = arith.constant 8 : i32
      scf.for %scan3A_195 = %scan3A_190 to %scan3A_192 step %scan3A_193  : i32 {
        %mul3A_196 = arith.constant 1024 : i32
        %mul3A_197 = arith.muli %scan3A_180, %mul3A_196 : i32
        %mul3A_198 = arith.constant 16 : i32
        %mul3A_199 = arith.muli %scan3A_195, %mul3A_198 : i32
        %add3A_200 = arith.addi %mul3A_197, %mul3A_199 : i32
        %get3A_201 = arith.index_cast %add3A_200 : i32 to index
        %get3A_202 = tpu.vector_load %arg6[%get3A_201] {strides = array<i32>} : memref<32768xf32, #tpu.memory_space<vmem>>, vector<16xf32>,
        %get3A_203 = vector.shape_cast %get3A_202 : vector<16xf32> to vector<16xf32>
        %get3A_204 = arith.index_cast %add3A_200 : i32 to index
        %get3A_205 = tpu.vector_load %arg7[%get3A_204] {strides = array<i32>} : memref<32768xf32, #tpu.memory_space<vmem>>, vector<16xf32>,
        %get3A_206 = vector.shape_cast %get3A_205 : vector<16xf32> to vector<16xf32>
        %mul3A_207 = arith.mulf %get3A_206, %select_n3A_188 : vector<16xf32>
        %add3A_208 = arith.addf %get3A_203, %mul3A_207 : vector<16xf32>
        %swap3A = arith.index_cast %add3A_200 : i32 to index
        %swap3A_209 = tpu.vector_load %arg6[%swap3A] {strides = array<i32>} : memref<32768xf32, #tpu.memory_space<vmem>>, vector<16xf32>,
        %swap3A_210 = vector.shape_cast %swap3A_209 : vector<16xf32> to vector<16xf32>
        %swap3A_211 = vector.shape_cast %add3A_208 : vector<16xf32> to vector<16xf32>
        tpu.vector_store %arg6[%swap3A], %swap3A_211 {strides = array<i32>} : memref<32768xf32, #tpu.memory_space<vmem>>, vector<16xf32>,
        %scan3A_212 = arith.constant 1 : i32
        %scan3A_213 = arith.addi %scan3A_195, %scan3A_212 : i32
        %mul3A_214 = arith.constant 1024 : i32
        %mul3A_215 = arith.muli %scan3A_180, %mul3A_214 : i32
        %mul3A_216 = arith.constant 16 : i32
        %mul3A_217 = arith.muli %scan3A_213, %mul3A_216 : i32
        %add3A_218 = arith.addi %mul3A_215, %mul3A_217 : i32
        %get3A_219 = arith.index_cast %add3A_218 : i32 to index
        %get3A_220 = tpu.vector_load %arg6[%get3A_219] {strides = array<i32>} : memref<32768xf32, #tpu.memory_space<vmem>>, vector<16xf32>,
        %get3A_221 = vector.shape_cast %get3A_220 : vector<16xf32> to vector<16xf32>
        %get3A_222 = arith.index_cast %add3A_218 : i32 to index
        %get3A_223 = tpu.vector_load %arg7[%get3A_222] {strides = array<i32>} : memref<32768xf32, #tpu.memory_space<vmem>>, vector<16xf32>,
        %get3A_224 = vector.shape_cast %get3A_223 : vector<16xf32> to vector<16xf32>
        %mul3A_225 = arith.mulf %get3A_224, %select_n3A_188 : vector<16xf32>
        %add3A_226 = arith.addf %get3A_221, %mul3A_225 : vector<16xf32>
        %swap3A_227 = arith.index_cast %add3A_218 : i32 to index
        %swap3A_228 = tpu.vector_load %arg6[%swap3A_227] {strides = array<i32>} : memref<32768xf32, #tpu.memory_space<vmem>>, vector<16xf32>,
        %swap3A_229 = vector.shape_cast %swap3A_228 : vector<16xf32> to vector<16xf32>
        %swap3A_230 = vector.shape_cast %add3A_226 : vector<16xf32> to vector<16xf32>
        tpu.vector_store %arg6[%swap3A_227], %swap3A_230 {strides = array<i32>} : memref<32768xf32, #tpu.memory_space<vmem>>, vector<16xf32>,
        %scan3A_231 = arith.constant 2 : i32
        %scan3A_232 = arith.addi %scan3A_195, %scan3A_231 : i32
        %mul3A_233 = arith.constant 1024 : i32
        %mul3A_234 = arith.muli %scan3A_180, %mul3A_233 : i32
        %mul3A_235 = arith.constant 16 : i32
        %mul3A_236 = arith.muli %scan3A_232, %mul3A_235 : i32
        %add3A_237 = arith.addi %mul3A_234, %mul3A_236 : i32
        %get3A_238 = arith.index_cast %add3A_237 : i32 to index
        %get3A_239 = tpu.vector_load %arg6[%get3A_238] {strides = array<i32>} : memref<32768xf32, #tpu.memory_space<vmem>>, vector<16xf32>,
        %get3A_240 = vector.shape_cast %get3A_239 : vector<16xf32> to vector<16xf32>
        %get3A_241 = arith.index_cast %add3A_237 : i32 to index
        %get3A_242 = tpu.vector_load %arg7[%get3A_241] {strides = array<i32>} : memref<32768xf32, #tpu.memory_space<vmem>>, vector<16xf32>,
        %get3A_243 = vector.shape_cast %get3A_242 : vector<16xf32> to vector<16xf32>
        %mul3A_244 = arith.mulf %get3A_243, %select_n3A_188 : vector<16xf32>
        %add3A_245 = arith.addf %get3A_240, %mul3A_244 : vector<16xf32>
        %swap3A_246 = arith.index_cast %add3A_237 : i32 to index
        %swap3A_247 = tpu.vector_load %arg6[%swap3A_246] {strides = array<i32>} : memref<32768xf32, #tpu.memory_space<vmem>>, vector<16xf32>,
        %swap3A_248 = vector.shape_cast %swap3A_247 : vector<16xf32> to vector<16xf32>
        %swap3A_249 = vector.shape_cast %add3A_245 : vector<16xf32> to vector<16xf32>
        tpu.vector_store %arg6[%swap3A_246], %swap3A_249 {strides = array<i32>} : memref<32768xf32, #tpu.memory_space<vmem>>, vector<16xf32>,
        %scan3A_250 = arith.constant 3 : i32
        %scan3A_251 = arith.addi %scan3A_195, %scan3A_250 : i32
        %mul3A_252 = arith.constant 1024 : i32
        %mul3A_253 = arith.muli %scan3A_180, %mul3A_252 : i32
        %mul3A_254 = arith.constant 16 : i32
        %mul3A_255 = arith.muli %scan3A_251, %mul3A_254 : i32
        %add3A_256 = arith.addi %mul3A_253, %mul3A_255 : i32
        %get3A_257 = arith.index_cast %add3A_256 : i32 to index
        %get3A_258 = tpu.vector_load %arg6[%get3A_257] {strides = array<i32>} : memref<32768xf32, #tpu.memory_space<vmem>>, vector<16xf32>,
        %get3A_259 = vector.shape_cast %get3A_258 : vector<16xf32> to vector<16xf32>
        %get3A_260 = arith.index_cast %add3A_256 : i32 to index
        %get3A_261 = tpu.vector_load %arg7[%get3A_260] {strides = array<i32>} : memref<32768xf32, #tpu.memory_space<vmem>>, vector<16xf32>,
        %get3A_262 = vector.shape_cast %get3A_261 : vector<16xf32> to vector<16xf32>
        %mul3A_263 = arith.mulf %get3A_262, %select_n3A_188 : vector<16xf32>
        %add3A_264 = arith.addf %get3A_259, %mul3A_263 : vector<16xf32>
        %swap3A_265 = arith.index_cast %add3A_256 : i32 to index
        %swap3A_266 = tpu.vector_load %arg6[%swap3A_265] {strides = array<i32>} : memref<32768xf32, #tpu.memory_space<vmem>>, vector<16xf32>,
        %swap3A_267 = vector.shape_cast %swap3A_266 : vector<16xf32> to vector<16xf32>
        %swap3A_268 = vector.shape_cast %add3A_264 : vector<16xf32> to vector<16xf32>
        tpu.vector_store %arg6[%swap3A_265], %swap3A_268 {strides = array<i32>} : memref<32768xf32, #tpu.memory_space<vmem>>, vector<16xf32>,
        %scan3A_269 = arith.constant 4 : i32
        %scan3A_270 = arith.addi %scan3A_195, %scan3A_269 : i32
        %mul3A_271 = arith.constant 1024 : i32
        %mul3A_272 = arith.muli %scan3A_180, %mul3A_271 : i32
        %mul3A_273 = arith.constant 16 : i32
        %mul3A_274 = arith.muli %scan3A_270, %mul3A_273 : i32
        %add3A_275 = arith.addi %mul3A_272, %mul3A_274 : i32
        %get3A_276 = arith.index_cast %add3A_275 : i32 to index
        %get3A_277 = tpu.vector_load %arg6[%get3A_276] {strides = array<i32>} : memref<32768xf32, #tpu.memory_space<vmem>>, vector<16xf32>,
        %get3A_278 = vector.shape_cast %get3A_277 : vector<16xf32> to vector<16xf32>
        %get3A_279 = arith.index_cast %add3A_275 : i32 to index
        %get3A_280 = tpu.vector_load %arg7[%get3A_279] {strides = array<i32>} : memref<32768xf32, #tpu.memory_space<vmem>>, vector<16xf32>,
        %get3A_281 = vector.shape_cast %get3A_280 : vector<16xf32> to vector<16xf32>
        %mul3A_282 = arith.mulf %get3A_281, %select_n3A_188 : vector<16xf32>
        %add3A_283 = arith.addf %get3A_278, %mul3A_282 : vector<16xf32>
        %swap3A_284 = arith.index_cast %add3A_275 : i32 to index
        %swap3A_285 = tpu.vector_load %arg6[%swap3A_284] {strides = array<i32>} : memref<32768xf32, #tpu.memory_space<vmem>>, vector<16xf32>,
        %swap3A_286 = vector.shape_cast %swap3A_285 : vector<16xf32> to vector<16xf32>
        %swap3A_287 = vector.shape_cast %add3A_283 : vector<16xf32> to vector<16xf32>
        tpu.vector_store %arg6[%swap3A_284], %swap3A_287 {strides = array<i32>} : memref<32768xf32, #tpu.memory_space<vmem>>, vector<16xf32>,
        %scan3A_288 = arith.constant 5 : i32
        %scan3A_289 = arith.addi %scan3A_195, %scan3A_288 : i32
        %mul3A_290 = arith.constant 1024 : i32
        %mul3A_291 = arith.muli %scan3A_180, %mul3A_290 : i32
        %mul3A_292 = arith.constant 16 : i32
        %mul3A_293 = arith.muli %scan3A_289, %mul3A_292 : i32
        %add3A_294 = arith.addi %mul3A_291, %mul3A_293 : i32
        %get3A_295 = arith.index_cast %add3A_294 : i32 to index
        %get3A_296 = tpu.vector_load %arg6[%get3A_295] {strides = array<i32>} : memref<32768xf32, #tpu.memory_space<vmem>>, vector<16xf32>,
        %get3A_297 = vector.shape_cast %get3A_296 : vector<16xf32> to vector<16xf32>
        %get3A_298 = arith.index_cast %add3A_294 : i32 to index
        %get3A_299 = tpu.vector_load %arg7[%get3A_298] {strides = array<i32>} : memref<32768xf32, #tpu.memory_space<vmem>>, vector<16xf32>,
        %get3A_300 = vector.shape_cast %get3A_299 : vector<16xf32> to vector<16xf32>
        %mul3A_301 = arith.mulf %get3A_300, %select_n3A_188 : vector<16xf32>
        %add3A_302 = arith.addf %get3A_297, %mul3A_301 : vector<16xf32>
        %swap3A_303 = arith.index_cast %add3A_294 : i32 to index
        %swap3A_304 = tpu.vector_load %arg6[%swap3A_303] {strides = array<i32>} : memref<32768xf32, #tpu.memory_space<vmem>>, vector<16xf32>,
        %swap3A_305 = vector.shape_cast %swap3A_304 : vector<16xf32> to vector<16xf32>
        %swap3A_306 = vector.shape_cast %add3A_302 : vector<16xf32> to vector<16xf32>
        tpu.vector_store %arg6[%swap3A_303], %swap3A_306 {strides = array<i32>} : memref<32768xf32, #tpu.memory_space<vmem>>, vector<16xf32>,
        %scan3A_307 = arith.constant 6 : i32
        %scan3A_308 = arith.addi %scan3A_195, %scan3A_307 : i32
        %mul3A_309 = arith.constant 1024 : i32
        %mul3A_310 = arith.muli %scan3A_180, %mul3A_309 : i32
        %mul3A_311 = arith.constant 16 : i32
        %mul3A_312 = arith.muli %scan3A_308, %mul3A_311 : i32
        %add3A_313 = arith.addi %mul3A_310, %mul3A_312 : i32
        %get3A_314 = arith.index_cast %add3A_313 : i32 to index
        %get3A_315 = tpu.vector_load %arg6[%get3A_314] {strides = array<i32>} : memref<32768xf32, #tpu.memory_space<vmem>>, vector<16xf32>,
        %get3A_316 = vector.shape_cast %get3A_315 : vector<16xf32> to vector<16xf32>
        %get3A_317 = arith.index_cast %add3A_313 : i32 to index
        %get3A_318 = tpu.vector_load %arg7[%get3A_317] {strides = array<i32>} : memref<32768xf32, #tpu.memory_space<vmem>>, vector<16xf32>,
        %get3A_319 = vector.shape_cast %get3A_318 : vector<16xf32> to vector<16xf32>
        %mul3A_320 = arith.mulf %get3A_319, %select_n3A_188 : vector<16xf32>
        %add3A_321 = arith.addf %get3A_316, %mul3A_320 : vector<16xf32>
        %swap3A_322 = arith.index_cast %add3A_313 : i32 to index
        %swap3A_323 = tpu.vector_load %arg6[%swap3A_322] {strides = array<i32>} : memref<32768xf32, #tpu.memory_space<vmem>>, vector<16xf32>,
        %swap3A_324 = vector.shape_cast %swap3A_323 : vector<16xf32> to vector<16xf32>
        %swap3A_325 = vector.shape_cast %add3A_321 : vector<16xf32> to vector<16xf32>
        tpu.vector_store %arg6[%swap3A_322], %swap3A_325 {strides = array<i32>} : memref<32768xf32, #tpu.memory_space<vmem>>, vector<16xf32>,
        %scan3A_326 = arith.constant 7 : i32
        %scan3A_327 = arith.addi %scan3A_195, %scan3A_326 : i32
        %mul3A_328 = arith.constant 1024 : i32
        %mul3A_329 = arith.muli %scan3A_180, %mul3A_328 : i32
        %mul3A_330 = arith.constant 16 : i32
        %mul3A_331 = arith.muli %scan3A_327, %mul3A_330 : i32
        %add3A_332 = arith.addi %mul3A_329, %mul3A_331 : i32
        %get3A_333 = arith.index_cast %add3A_332 : i32 to index
        %get3A_334 = tpu.vector_load %arg6[%get3A_333] {strides = array<i32>} : memref<32768xf32, #tpu.memory_space<vmem>>, vector<16xf32>,
        %get3A_335 = vector.shape_cast %get3A_334 : vector<16xf32> to vector<16xf32>
        %get3A_336 = arith.index_cast %add3A_332 : i32 to index
        %get3A_337 = tpu.vector_load %arg7[%get3A_336] {strides = array<i32>} : memref<32768xf32, #tpu.memory_space<vmem>>, vector<16xf32>,
        %get3A_338 = vector.shape_cast %get3A_337 : vector<16xf32> to vector<16xf32>
        %mul3A_339 = arith.mulf %get3A_338, %select_n3A_188 : vector<16xf32>
        %add3A_340 = arith.addf %get3A_335, %mul3A_339 : vector<16xf32>
        %swap3A_341 = arith.index_cast %add3A_332 : i32 to index
        %swap3A_342 = tpu.vector_load %arg6[%swap3A_341] {strides = array<i32>} : memref<32768xf32, #tpu.memory_space<vmem>>, vector<16xf32>,
        %swap3A_343 = vector.shape_cast %swap3A_342 : vector<16xf32> to vector<16xf32>
        %swap3A_344 = vector.shape_cast %add3A_340 : vector<16xf32> to vector<16xf32>
        tpu.vector_store %arg6[%swap3A_341], %swap3A_344 {strides = array<i32>} : memref<32768xf32, #tpu.memory_space<vmem>>, vector<16xf32>,
      }
      %scan3A_194 = arith.constant 64 : i32
    }
    %scan3A_141 = arith.constant 32 : i32
    %mul3A_142 = arith.constant 1024 : i32
    %mul3A_143 = arith.muli %add3A_129, %mul3A_142 : i32
    "tpu.region"() ({
      %run_scoped3A = tpu.sem_alloc : memref<!tpu.dma_semaphore, #tpu.memory_space<semaphore_mem>>
      %dma_start3A = tpu.memref_slice %arg5[%mul3A_143] : memref<8388608xf32, #tpu.memory_space<hbm>> -> memref<32768xf32, #tpu.memory_space<hbm>>
      %dma_start3A_180 = tpu.memref_slice %arg5[%mul3A_143] : memref<8388608xf32, #tpu.memory_space<hbm>> -> memref<32768xf32, #tpu.memory_space<hbm>>
      tpu.enqueue_dma source(%arg6 : memref<32768xf32, #tpu.memory_space<vmem>>) target(%dma_start3A_180 : memref<32768xf32, #tpu.memory_space<hbm>>) target_semaphore(%run_scoped3A : memref<!tpu.dma_semaphore, #tpu.memory_space<semaphore_mem>>)
      %dma_wait3A = tpu.memref_slice %arg5[%mul3A_143] : memref<8388608xf32, #tpu.memory_space<hbm>> -> memref<32768xf32, #tpu.memory_space<hbm>>
      %dma_wait3A_181 = tpu.memref_slice %arg5[%mul3A_143] : memref<8388608xf32, #tpu.memory_space<hbm>> -> memref<32768xf32, #tpu.memory_space<hbm>>
      tpu.wait_dma2 semaphore(%run_scoped3A : memref<!tpu.dma_semaphore, #tpu.memory_space<semaphore_mem>>) src(%arg6 : memref<32768xf32, #tpu.memory_space<vmem>>) dst(%dma_wait3A_181 : memref<32768xf32, #tpu.memory_space<hbm>>)
      tpu.yield
    }) : () -> ()
    %mul3A_144 = arith.constant 256 : i32
    %mul3A_145 = arith.muli %add3A, %mul3A_144 : i32
    %add3A_146 = arith.constant 192 : i32
    %add3A_147 = arith.addi %mul3A_145, %add3A_146 : i32
    %add3A_148 = arith.constant 192 : i32
    %add3A_149 = arith.addi %mul3A_32, %add3A_148 : i32
    %mul3A_150 = arith.constant 1024 : i32
    %mul3A_151 = arith.muli %add3A_147, %mul3A_150 : i32
    "tpu.region"() ({
      %run_scoped3A = tpu.sem_alloc : memref<!tpu.dma_semaphore, #tpu.memory_space<semaphore_mem>>
      %dma_start3A = tpu.memref_slice %arg2[%mul3A_151] : memref<8388608xf32, #tpu.memory_space<hbm>> -> memref<32768xf32, #tpu.memory_space<hbm>>
      %dma_start3A_180 = tpu.memref_slice %arg2[%mul3A_151] : memref<8388608xf32, #tpu.memory_space<hbm>> -> memref<32768xf32, #tpu.memory_space<hbm>>
      tpu.enqueue_dma source(%dma_start3A_180 : memref<32768xf32, #tpu.memory_space<hbm>>) target(%arg6 : memref<32768xf32, #tpu.memory_space<vmem>>) target_semaphore(%run_scoped3A : memref<!tpu.dma_semaphore, #tpu.memory_space<semaphore_mem>>)
      %dma_wait3A = tpu.memref_slice %arg2[%mul3A_151] : memref<8388608xf32, #tpu.memory_space<hbm>> -> memref<32768xf32, #tpu.memory_space<hbm>>
      %dma_wait3A_181 = tpu.memref_slice %arg2[%mul3A_151] : memref<8388608xf32, #tpu.memory_space<hbm>> -> memref<32768xf32, #tpu.memory_space<hbm>>
      tpu.wait_dma2 semaphore(%run_scoped3A : memref<!tpu.dma_semaphore, #tpu.memory_space<semaphore_mem>>) src(%dma_wait3A_181 : memref<32768xf32, #tpu.memory_space<hbm>>) dst(%arg6 : memref<32768xf32, #tpu.memory_space<vmem>>)
      tpu.yield
    }) : () -> ()
    %mul3A_152 = arith.constant 1024 : i32
    %mul3A_153 = arith.muli %add3A_149, %mul3A_152 : i32
    "tpu.region"() ({
      %run_scoped3A = tpu.sem_alloc : memref<!tpu.dma_semaphore, #tpu.memory_space<semaphore_mem>>
      %dma_start3A = tpu.memref_slice %arg3[%mul3A_153] : memref<2097152xf32, #tpu.memory_space<hbm>> -> memref<32768xf32, #tpu.memory_space<hbm>>
      %dma_start3A_180 = tpu.memref_slice %arg3[%mul3A_153] : memref<2097152xf32, #tpu.memory_space<hbm>> -> memref<32768xf32, #tpu.memory_space<hbm>>
      tpu.enqueue_dma source(%dma_start3A_180 : memref<32768xf32, #tpu.memory_space<hbm>>) target(%arg7 : memref<32768xf32, #tpu.memory_space<vmem>>) target_semaphore(%run_scoped3A : memref<!tpu.dma_semaphore, #tpu.memory_space<semaphore_mem>>)
      %dma_wait3A = tpu.memref_slice %arg3[%mul3A_153] : memref<2097152xf32, #tpu.memory_space<hbm>> -> memref<32768xf32, #tpu.memory_space<hbm>>
      %dma_wait3A_181 = tpu.memref_slice %arg3[%mul3A_153] : memref<2097152xf32, #tpu.memory_space<hbm>> -> memref<32768xf32, #tpu.memory_space<hbm>>
      tpu.wait_dma2 semaphore(%run_scoped3A : memref<!tpu.dma_semaphore, #tpu.memory_space<semaphore_mem>>) src(%dma_wait3A_181 : memref<32768xf32, #tpu.memory_space<hbm>>) dst(%arg7 : memref<32768xf32, #tpu.memory_space<vmem>>)
      tpu.yield
    }) : () -> ()
    %scan3A_154 = arith.constant 0 : i32
    %scan3A_155 = arith.constant 0 : i32
    %scan3A_156 = arith.constant 32 : i32
    %scan3A_157 = arith.addi %scan3A_155, %scan3A_156 : i32
    %scan3A_158 = arith.constant 1 : i32
    scf.for %scan3A_180 = %scan3A_155 to %scan3A_157 step %scan3A_158  : i32 {
      %add3A_181 = arith.addi %add3A_149, %scan3A_180 : i32
      %broadcast_in_dim3A_182 = vector.broadcast %add3A_181 : i32 to vector<16xi32>
      %lt3A_183 = arith.cmpi slt, %broadcast_in_dim3A_182, %gather3A_36 : vector<16xi32>
      %jit3A_184 = arith.constant 1.000000e+00 : f32
      %jit3A_185 = arith.constant 0.000000e+00 : f32
      %broadcast_in_dim3A_186 = vector.broadcast %jit3A_184 : f32 to vector<16xf32>
      %broadcast_in_dim3A_187 = vector.broadcast %jit3A_185 : f32 to vector<16xf32>
      %select_n3A_188 = arith.select %lt3A_183, %broadcast_in_dim3A_186, %broadcast_in_dim3A_187 : vector<16xi1>, vector<16xf32>
      %scan3A_189 = arith.constant 0 : i32
      %scan3A_190 = arith.constant 0 : i32
      %scan3A_191 = arith.constant 64 : i32
      %scan3A_192 = arith.addi %scan3A_190, %scan3A_191 : i32
      %scan3A_193 = arith.constant 8 : i32
      scf.for %scan3A_195 = %scan3A_190 to %scan3A_192 step %scan3A_193  : i32 {
        %mul3A_196 = arith.constant 1024 : i32
        %mul3A_197 = arith.muli %scan3A_180, %mul3A_196 : i32
        %mul3A_198 = arith.constant 16 : i32
        %mul3A_199 = arith.muli %scan3A_195, %mul3A_198 : i32
        %add3A_200 = arith.addi %mul3A_197, %mul3A_199 : i32
        %get3A_201 = arith.index_cast %add3A_200 : i32 to index
        %get3A_202 = tpu.vector_load %arg6[%get3A_201] {strides = array<i32>} : memref<32768xf32, #tpu.memory_space<vmem>>, vector<16xf32>,
        %get3A_203 = vector.shape_cast %get3A_202 : vector<16xf32> to vector<16xf32>
        %get3A_204 = arith.index_cast %add3A_200 : i32 to index
        %get3A_205 = tpu.vector_load %arg7[%get3A_204] {strides = array<i32>} : memref<32768xf32, #tpu.memory_space<vmem>>, vector<16xf32>,
        %get3A_206 = vector.shape_cast %get3A_205 : vector<16xf32> to vector<16xf32>
        %mul3A_207 = arith.mulf %get3A_206, %select_n3A_188 : vector<16xf32>
        %add3A_208 = arith.addf %get3A_203, %mul3A_207 : vector<16xf32>
        %swap3A = arith.index_cast %add3A_200 : i32 to index
        %swap3A_209 = tpu.vector_load %arg6[%swap3A] {strides = array<i32>} : memref<32768xf32, #tpu.memory_space<vmem>>, vector<16xf32>,
        %swap3A_210 = vector.shape_cast %swap3A_209 : vector<16xf32> to vector<16xf32>
        %swap3A_211 = vector.shape_cast %add3A_208 : vector<16xf32> to vector<16xf32>
        tpu.vector_store %arg6[%swap3A], %swap3A_211 {strides = array<i32>} : memref<32768xf32, #tpu.memory_space<vmem>>, vector<16xf32>,
        %scan3A_212 = arith.constant 1 : i32
        %scan3A_213 = arith.addi %scan3A_195, %scan3A_212 : i32
        %mul3A_214 = arith.constant 1024 : i32
        %mul3A_215 = arith.muli %scan3A_180, %mul3A_214 : i32
        %mul3A_216 = arith.constant 16 : i32
        %mul3A_217 = arith.muli %scan3A_213, %mul3A_216 : i32
        %add3A_218 = arith.addi %mul3A_215, %mul3A_217 : i32
        %get3A_219 = arith.index_cast %add3A_218 : i32 to index
        %get3A_220 = tpu.vector_load %arg6[%get3A_219] {strides = array<i32>} : memref<32768xf32, #tpu.memory_space<vmem>>, vector<16xf32>,
        %get3A_221 = vector.shape_cast %get3A_220 : vector<16xf32> to vector<16xf32>
        %get3A_222 = arith.index_cast %add3A_218 : i32 to index
        %get3A_223 = tpu.vector_load %arg7[%get3A_222] {strides = array<i32>} : memref<32768xf32, #tpu.memory_space<vmem>>, vector<16xf32>,
        %get3A_224 = vector.shape_cast %get3A_223 : vector<16xf32> to vector<16xf32>
        %mul3A_225 = arith.mulf %get3A_224, %select_n3A_188 : vector<16xf32>
        %add3A_226 = arith.addf %get3A_221, %mul3A_225 : vector<16xf32>
        %swap3A_227 = arith.index_cast %add3A_218 : i32 to index
        %swap3A_228 = tpu.vector_load %arg6[%swap3A_227] {strides = array<i32>} : memref<32768xf32, #tpu.memory_space<vmem>>, vector<16xf32>,
        %swap3A_229 = vector.shape_cast %swap3A_228 : vector<16xf32> to vector<16xf32>
        %swap3A_230 = vector.shape_cast %add3A_226 : vector<16xf32> to vector<16xf32>
        tpu.vector_store %arg6[%swap3A_227], %swap3A_230 {strides = array<i32>} : memref<32768xf32, #tpu.memory_space<vmem>>, vector<16xf32>,
        %scan3A_231 = arith.constant 2 : i32
        %scan3A_232 = arith.addi %scan3A_195, %scan3A_231 : i32
        %mul3A_233 = arith.constant 1024 : i32
        %mul3A_234 = arith.muli %scan3A_180, %mul3A_233 : i32
        %mul3A_235 = arith.constant 16 : i32
        %mul3A_236 = arith.muli %scan3A_232, %mul3A_235 : i32
        %add3A_237 = arith.addi %mul3A_234, %mul3A_236 : i32
        %get3A_238 = arith.index_cast %add3A_237 : i32 to index
        %get3A_239 = tpu.vector_load %arg6[%get3A_238] {strides = array<i32>} : memref<32768xf32, #tpu.memory_space<vmem>>, vector<16xf32>,
        %get3A_240 = vector.shape_cast %get3A_239 : vector<16xf32> to vector<16xf32>
        %get3A_241 = arith.index_cast %add3A_237 : i32 to index
        %get3A_242 = tpu.vector_load %arg7[%get3A_241] {strides = array<i32>} : memref<32768xf32, #tpu.memory_space<vmem>>, vector<16xf32>,
        %get3A_243 = vector.shape_cast %get3A_242 : vector<16xf32> to vector<16xf32>
        %mul3A_244 = arith.mulf %get3A_243, %select_n3A_188 : vector<16xf32>
        %add3A_245 = arith.addf %get3A_240, %mul3A_244 : vector<16xf32>
        %swap3A_246 = arith.index_cast %add3A_237 : i32 to index
        %swap3A_247 = tpu.vector_load %arg6[%swap3A_246] {strides = array<i32>} : memref<32768xf32, #tpu.memory_space<vmem>>, vector<16xf32>,
        %swap3A_248 = vector.shape_cast %swap3A_247 : vector<16xf32> to vector<16xf32>
        %swap3A_249 = vector.shape_cast %add3A_245 : vector<16xf32> to vector<16xf32>
        tpu.vector_store %arg6[%swap3A_246], %swap3A_249 {strides = array<i32>} : memref<32768xf32, #tpu.memory_space<vmem>>, vector<16xf32>,
        %scan3A_250 = arith.constant 3 : i32
        %scan3A_251 = arith.addi %scan3A_195, %scan3A_250 : i32
        %mul3A_252 = arith.constant 1024 : i32
        %mul3A_253 = arith.muli %scan3A_180, %mul3A_252 : i32
        %mul3A_254 = arith.constant 16 : i32
        %mul3A_255 = arith.muli %scan3A_251, %mul3A_254 : i32
        %add3A_256 = arith.addi %mul3A_253, %mul3A_255 : i32
        %get3A_257 = arith.index_cast %add3A_256 : i32 to index
        %get3A_258 = tpu.vector_load %arg6[%get3A_257] {strides = array<i32>} : memref<32768xf32, #tpu.memory_space<vmem>>, vector<16xf32>,
        %get3A_259 = vector.shape_cast %get3A_258 : vector<16xf32> to vector<16xf32>
        %get3A_260 = arith.index_cast %add3A_256 : i32 to index
        %get3A_261 = tpu.vector_load %arg7[%get3A_260] {strides = array<i32>} : memref<32768xf32, #tpu.memory_space<vmem>>, vector<16xf32>,
        %get3A_262 = vector.shape_cast %get3A_261 : vector<16xf32> to vector<16xf32>
        %mul3A_263 = arith.mulf %get3A_262, %select_n3A_188 : vector<16xf32>
        %add3A_264 = arith.addf %get3A_259, %mul3A_263 : vector<16xf32>
        %swap3A_265 = arith.index_cast %add3A_256 : i32 to index
        %swap3A_266 = tpu.vector_load %arg6[%swap3A_265] {strides = array<i32>} : memref<32768xf32, #tpu.memory_space<vmem>>, vector<16xf32>,
        %swap3A_267 = vector.shape_cast %swap3A_266 : vector<16xf32> to vector<16xf32>
        %swap3A_268 = vector.shape_cast %add3A_264 : vector<16xf32> to vector<16xf32>
        tpu.vector_store %arg6[%swap3A_265], %swap3A_268 {strides = array<i32>} : memref<32768xf32, #tpu.memory_space<vmem>>, vector<16xf32>,
        %scan3A_269 = arith.constant 4 : i32
        %scan3A_270 = arith.addi %scan3A_195, %scan3A_269 : i32
        %mul3A_271 = arith.constant 1024 : i32
        %mul3A_272 = arith.muli %scan3A_180, %mul3A_271 : i32
        %mul3A_273 = arith.constant 16 : i32
        %mul3A_274 = arith.muli %scan3A_270, %mul3A_273 : i32
        %add3A_275 = arith.addi %mul3A_272, %mul3A_274 : i32
        %get3A_276 = arith.index_cast %add3A_275 : i32 to index
        %get3A_277 = tpu.vector_load %arg6[%get3A_276] {strides = array<i32>} : memref<32768xf32, #tpu.memory_space<vmem>>, vector<16xf32>,
        %get3A_278 = vector.shape_cast %get3A_277 : vector<16xf32> to vector<16xf32>
        %get3A_279 = arith.index_cast %add3A_275 : i32 to index
        %get3A_280 = tpu.vector_load %arg7[%get3A_279] {strides = array<i32>} : memref<32768xf32, #tpu.memory_space<vmem>>, vector<16xf32>,
        %get3A_281 = vector.shape_cast %get3A_280 : vector<16xf32> to vector<16xf32>
        %mul3A_282 = arith.mulf %get3A_281, %select_n3A_188 : vector<16xf32>
        %add3A_283 = arith.addf %get3A_278, %mul3A_282 : vector<16xf32>
        %swap3A_284 = arith.index_cast %add3A_275 : i32 to index
        %swap3A_285 = tpu.vector_load %arg6[%swap3A_284] {strides = array<i32>} : memref<32768xf32, #tpu.memory_space<vmem>>, vector<16xf32>,
        %swap3A_286 = vector.shape_cast %swap3A_285 : vector<16xf32> to vector<16xf32>
        %swap3A_287 = vector.shape_cast %add3A_283 : vector<16xf32> to vector<16xf32>
        tpu.vector_store %arg6[%swap3A_284], %swap3A_287 {strides = array<i32>} : memref<32768xf32, #tpu.memory_space<vmem>>, vector<16xf32>,
        %scan3A_288 = arith.constant 5 : i32
        %scan3A_289 = arith.addi %scan3A_195, %scan3A_288 : i32
        %mul3A_290 = arith.constant 1024 : i32
        %mul3A_291 = arith.muli %scan3A_180, %mul3A_290 : i32
        %mul3A_292 = arith.constant 16 : i32
        %mul3A_293 = arith.muli %scan3A_289, %mul3A_292 : i32
        %add3A_294 = arith.addi %mul3A_291, %mul3A_293 : i32
        %get3A_295 = arith.index_cast %add3A_294 : i32 to index
        %get3A_296 = tpu.vector_load %arg6[%get3A_295] {strides = array<i32>} : memref<32768xf32, #tpu.memory_space<vmem>>, vector<16xf32>,
        %get3A_297 = vector.shape_cast %get3A_296 : vector<16xf32> to vector<16xf32>
        %get3A_298 = arith.index_cast %add3A_294 : i32 to index
        %get3A_299 = tpu.vector_load %arg7[%get3A_298] {strides = array<i32>} : memref<32768xf32, #tpu.memory_space<vmem>>, vector<16xf32>,
        %get3A_300 = vector.shape_cast %get3A_299 : vector<16xf32> to vector<16xf32>
        %mul3A_301 = arith.mulf %get3A_300, %select_n3A_188 : vector<16xf32>
        %add3A_302 = arith.addf %get3A_297, %mul3A_301 : vector<16xf32>
        %swap3A_303 = arith.index_cast %add3A_294 : i32 to index
        %swap3A_304 = tpu.vector_load %arg6[%swap3A_303] {strides = array<i32>} : memref<32768xf32, #tpu.memory_space<vmem>>, vector<16xf32>,
        %swap3A_305 = vector.shape_cast %swap3A_304 : vector<16xf32> to vector<16xf32>
        %swap3A_306 = vector.shape_cast %add3A_302 : vector<16xf32> to vector<16xf32>
        tpu.vector_store %arg6[%swap3A_303], %swap3A_306 {strides = array<i32>} : memref<32768xf32, #tpu.memory_space<vmem>>, vector<16xf32>,
        %scan3A_307 = arith.constant 6 : i32
        %scan3A_308 = arith.addi %scan3A_195, %scan3A_307 : i32
        %mul3A_309 = arith.constant 1024 : i32
        %mul3A_310 = arith.muli %scan3A_180, %mul3A_309 : i32
        %mul3A_311 = arith.constant 16 : i32
        %mul3A_312 = arith.muli %scan3A_308, %mul3A_311 : i32
        %add3A_313 = arith.addi %mul3A_310, %mul3A_312 : i32
        %get3A_314 = arith.index_cast %add3A_313 : i32 to index
        %get3A_315 = tpu.vector_load %arg6[%get3A_314] {strides = array<i32>} : memref<32768xf32, #tpu.memory_space<vmem>>, vector<16xf32>,
        %get3A_316 = vector.shape_cast %get3A_315 : vector<16xf32> to vector<16xf32>
        %get3A_317 = arith.index_cast %add3A_313 : i32 to index
        %get3A_318 = tpu.vector_load %arg7[%get3A_317] {strides = array<i32>} : memref<32768xf32, #tpu.memory_space<vmem>>, vector<16xf32>,
        %get3A_319 = vector.shape_cast %get3A_318 : vector<16xf32> to vector<16xf32>
        %mul3A_320 = arith.mulf %get3A_319, %select_n3A_188 : vector<16xf32>
        %add3A_321 = arith.addf %get3A_316, %mul3A_320 : vector<16xf32>
        %swap3A_322 = arith.index_cast %add3A_313 : i32 to index
        %swap3A_323 = tpu.vector_load %arg6[%swap3A_322] {strides = array<i32>} : memref<32768xf32, #tpu.memory_space<vmem>>, vector<16xf32>,
        %swap3A_324 = vector.shape_cast %swap3A_323 : vector<16xf32> to vector<16xf32>
        %swap3A_325 = vector.shape_cast %add3A_321 : vector<16xf32> to vector<16xf32>
        tpu.vector_store %arg6[%swap3A_322], %swap3A_325 {strides = array<i32>} : memref<32768xf32, #tpu.memory_space<vmem>>, vector<16xf32>,
        %scan3A_326 = arith.constant 7 : i32
        %scan3A_327 = arith.addi %scan3A_195, %scan3A_326 : i32
        %mul3A_328 = arith.constant 1024 : i32
        %mul3A_329 = arith.muli %scan3A_180, %mul3A_328 : i32
        %mul3A_330 = arith.constant 16 : i32
        %mul3A_331 = arith.muli %scan3A_327, %mul3A_330 : i32
        %add3A_332 = arith.addi %mul3A_329, %mul3A_331 : i32
        %get3A_333 = arith.index_cast %add3A_332 : i32 to index
        %get3A_334 = tpu.vector_load %arg6[%get3A_333] {strides = array<i32>} : memref<32768xf32, #tpu.memory_space<vmem>>, vector<16xf32>,
        %get3A_335 = vector.shape_cast %get3A_334 : vector<16xf32> to vector<16xf32>
        %get3A_336 = arith.index_cast %add3A_332 : i32 to index
        %get3A_337 = tpu.vector_load %arg7[%get3A_336] {strides = array<i32>} : memref<32768xf32, #tpu.memory_space<vmem>>, vector<16xf32>,
        %get3A_338 = vector.shape_cast %get3A_337 : vector<16xf32> to vector<16xf32>
        %mul3A_339 = arith.mulf %get3A_338, %select_n3A_188 : vector<16xf32>
        %add3A_340 = arith.addf %get3A_335, %mul3A_339 : vector<16xf32>
        %swap3A_341 = arith.index_cast %add3A_332 : i32 to index
        %swap3A_342 = tpu.vector_load %arg6[%swap3A_341] {strides = array<i32>} : memref<32768xf32, #tpu.memory_space<vmem>>, vector<16xf32>,
        %swap3A_343 = vector.shape_cast %swap3A_342 : vector<16xf32> to vector<16xf32>
        %swap3A_344 = vector.shape_cast %add3A_340 : vector<16xf32> to vector<16xf32>
        tpu.vector_store %arg6[%swap3A_341], %swap3A_344 {strides = array<i32>} : memref<32768xf32, #tpu.memory_space<vmem>>, vector<16xf32>,
      }
      %scan3A_194 = arith.constant 64 : i32
    }
    %scan3A_159 = arith.constant 32 : i32
    %mul3A_160 = arith.constant 1024 : i32
    %mul3A_161 = arith.muli %add3A_147, %mul3A_160 : i32
    "tpu.region"() ({
      %run_scoped3A = tpu.sem_alloc : memref<!tpu.dma_semaphore, #tpu.memory_space<semaphore_mem>>
      %dma_start3A = tpu.memref_slice %arg5[%mul3A_161] : memref<8388608xf32, #tpu.memory_space<hbm>> -> memref<32768xf32, #tpu.memory_space<hbm>>
      %dma_start3A_180 = tpu.memref_slice %arg5[%mul3A_161] : memref<8388608xf32, #tpu.memory_space<hbm>> -> memref<32768xf32, #tpu.memory_space<hbm>>
      tpu.enqueue_dma source(%arg6 : memref<32768xf32, #tpu.memory_space<vmem>>) target(%dma_start3A_180 : memref<32768xf32, #tpu.memory_space<hbm>>) target_semaphore(%run_scoped3A : memref<!tpu.dma_semaphore, #tpu.memory_space<semaphore_mem>>)
      %dma_wait3A = tpu.memref_slice %arg5[%mul3A_161] : memref<8388608xf32, #tpu.memory_space<hbm>> -> memref<32768xf32, #tpu.memory_space<hbm>>
      %dma_wait3A_181 = tpu.memref_slice %arg5[%mul3A_161] : memref<8388608xf32, #tpu.memory_space<hbm>> -> memref<32768xf32, #tpu.memory_space<hbm>>
      tpu.wait_dma2 semaphore(%run_scoped3A : memref<!tpu.dma_semaphore, #tpu.memory_space<semaphore_mem>>) src(%arg6 : memref<32768xf32, #tpu.memory_space<vmem>>) dst(%dma_wait3A_181 : memref<32768xf32, #tpu.memory_space<hbm>>)
      tpu.yield
    }) : () -> ()
    %mul3A_162 = arith.constant 256 : i32
    %mul3A_163 = arith.muli %add3A, %mul3A_162 : i32
    %add3A_164 = arith.constant 224 : i32
    %add3A_165 = arith.addi %mul3A_163, %add3A_164 : i32
    %add3A_166 = arith.constant 224 : i32
    %add3A_167 = arith.addi %mul3A_32, %add3A_166 : i32
    %mul3A_168 = arith.constant 1024 : i32
    %mul3A_169 = arith.muli %add3A_165, %mul3A_168 : i32
    "tpu.region"() ({
      %run_scoped3A = tpu.sem_alloc : memref<!tpu.dma_semaphore, #tpu.memory_space<semaphore_mem>>
      %dma_start3A = tpu.memref_slice %arg2[%mul3A_169] : memref<8388608xf32, #tpu.memory_space<hbm>> -> memref<32768xf32, #tpu.memory_space<hbm>>
      %dma_start3A_180 = tpu.memref_slice %arg2[%mul3A_169] : memref<8388608xf32, #tpu.memory_space<hbm>> -> memref<32768xf32, #tpu.memory_space<hbm>>
      tpu.enqueue_dma source(%dma_start3A_180 : memref<32768xf32, #tpu.memory_space<hbm>>) target(%arg6 : memref<32768xf32, #tpu.memory_space<vmem>>) target_semaphore(%run_scoped3A : memref<!tpu.dma_semaphore, #tpu.memory_space<semaphore_mem>>)
      %dma_wait3A = tpu.memref_slice %arg2[%mul3A_169] : memref<8388608xf32, #tpu.memory_space<hbm>> -> memref<32768xf32, #tpu.memory_space<hbm>>
      %dma_wait3A_181 = tpu.memref_slice %arg2[%mul3A_169] : memref<8388608xf32, #tpu.memory_space<hbm>> -> memref<32768xf32, #tpu.memory_space<hbm>>
      tpu.wait_dma2 semaphore(%run_scoped3A : memref<!tpu.dma_semaphore, #tpu.memory_space<semaphore_mem>>) src(%dma_wait3A_181 : memref<32768xf32, #tpu.memory_space<hbm>>) dst(%arg6 : memref<32768xf32, #tpu.memory_space<vmem>>)
      tpu.yield
    }) : () -> ()
    %mul3A_170 = arith.constant 1024 : i32
    %mul3A_171 = arith.muli %add3A_167, %mul3A_170 : i32
    "tpu.region"() ({
      %run_scoped3A = tpu.sem_alloc : memref<!tpu.dma_semaphore, #tpu.memory_space<semaphore_mem>>
      %dma_start3A = tpu.memref_slice %arg3[%mul3A_171] : memref<2097152xf32, #tpu.memory_space<hbm>> -> memref<32768xf32, #tpu.memory_space<hbm>>
      %dma_start3A_180 = tpu.memref_slice %arg3[%mul3A_171] : memref<2097152xf32, #tpu.memory_space<hbm>> -> memref<32768xf32, #tpu.memory_space<hbm>>
      tpu.enqueue_dma source(%dma_start3A_180 : memref<32768xf32, #tpu.memory_space<hbm>>) target(%arg7 : memref<32768xf32, #tpu.memory_space<vmem>>) target_semaphore(%run_scoped3A : memref<!tpu.dma_semaphore, #tpu.memory_space<semaphore_mem>>)
      %dma_wait3A = tpu.memref_slice %arg3[%mul3A_171] : memref<2097152xf32, #tpu.memory_space<hbm>> -> memref<32768xf32, #tpu.memory_space<hbm>>
      %dma_wait3A_181 = tpu.memref_slice %arg3[%mul3A_171] : memref<2097152xf32, #tpu.memory_space<hbm>> -> memref<32768xf32, #tpu.memory_space<hbm>>
      tpu.wait_dma2 semaphore(%run_scoped3A : memref<!tpu.dma_semaphore, #tpu.memory_space<semaphore_mem>>) src(%dma_wait3A_181 : memref<32768xf32, #tpu.memory_space<hbm>>) dst(%arg7 : memref<32768xf32, #tpu.memory_space<vmem>>)
      tpu.yield
    }) : () -> ()
    %scan3A_172 = arith.constant 0 : i32
    %scan3A_173 = arith.constant 0 : i32
    %scan3A_174 = arith.constant 32 : i32
    %scan3A_175 = arith.addi %scan3A_173, %scan3A_174 : i32
    %scan3A_176 = arith.constant 1 : i32
    scf.for %scan3A_180 = %scan3A_173 to %scan3A_175 step %scan3A_176  : i32 {
      %add3A_181 = arith.addi %add3A_167, %scan3A_180 : i32
      %broadcast_in_dim3A_182 = vector.broadcast %add3A_181 : i32 to vector<16xi32>
      %lt3A_183 = arith.cmpi slt, %broadcast_in_dim3A_182, %gather3A_36 : vector<16xi32>
      %jit3A_184 = arith.constant 1.000000e+00 : f32
      %jit3A_185 = arith.constant 0.000000e+00 : f32
      %broadcast_in_dim3A_186 = vector.broadcast %jit3A_184 : f32 to vector<16xf32>
      %broadcast_in_dim3A_187 = vector.broadcast %jit3A_185 : f32 to vector<16xf32>
      %select_n3A_188 = arith.select %lt3A_183, %broadcast_in_dim3A_186, %broadcast_in_dim3A_187 : vector<16xi1>, vector<16xf32>
      %scan3A_189 = arith.constant 0 : i32
      %scan3A_190 = arith.constant 0 : i32
      %scan3A_191 = arith.constant 64 : i32
      %scan3A_192 = arith.addi %scan3A_190, %scan3A_191 : i32
      %scan3A_193 = arith.constant 8 : i32
      scf.for %scan3A_195 = %scan3A_190 to %scan3A_192 step %scan3A_193  : i32 {
        %mul3A_196 = arith.constant 1024 : i32
        %mul3A_197 = arith.muli %scan3A_180, %mul3A_196 : i32
        %mul3A_198 = arith.constant 16 : i32
        %mul3A_199 = arith.muli %scan3A_195, %mul3A_198 : i32
        %add3A_200 = arith.addi %mul3A_197, %mul3A_199 : i32
        %get3A_201 = arith.index_cast %add3A_200 : i32 to index
        %get3A_202 = tpu.vector_load %arg6[%get3A_201] {strides = array<i32>} : memref<32768xf32, #tpu.memory_space<vmem>>, vector<16xf32>,
        %get3A_203 = vector.shape_cast %get3A_202 : vector<16xf32> to vector<16xf32>
        %get3A_204 = arith.index_cast %add3A_200 : i32 to index
        %get3A_205 = tpu.vector_load %arg7[%get3A_204] {strides = array<i32>} : memref<32768xf32, #tpu.memory_space<vmem>>, vector<16xf32>,
        %get3A_206 = vector.shape_cast %get3A_205 : vector<16xf32> to vector<16xf32>
        %mul3A_207 = arith.mulf %get3A_206, %select_n3A_188 : vector<16xf32>
        %add3A_208 = arith.addf %get3A_203, %mul3A_207 : vector<16xf32>
        %swap3A = arith.index_cast %add3A_200 : i32 to index
        %swap3A_209 = tpu.vector_load %arg6[%swap3A] {strides = array<i32>} : memref<32768xf32, #tpu.memory_space<vmem>>, vector<16xf32>,
        %swap3A_210 = vector.shape_cast %swap3A_209 : vector<16xf32> to vector<16xf32>
        %swap3A_211 = vector.shape_cast %add3A_208 : vector<16xf32> to vector<16xf32>
        tpu.vector_store %arg6[%swap3A], %swap3A_211 {strides = array<i32>} : memref<32768xf32, #tpu.memory_space<vmem>>, vector<16xf32>,
        %scan3A_212 = arith.constant 1 : i32
        %scan3A_213 = arith.addi %scan3A_195, %scan3A_212 : i32
        %mul3A_214 = arith.constant 1024 : i32
        %mul3A_215 = arith.muli %scan3A_180, %mul3A_214 : i32
        %mul3A_216 = arith.constant 16 : i32
        %mul3A_217 = arith.muli %scan3A_213, %mul3A_216 : i32
        %add3A_218 = arith.addi %mul3A_215, %mul3A_217 : i32
        %get3A_219 = arith.index_cast %add3A_218 : i32 to index
        %get3A_220 = tpu.vector_load %arg6[%get3A_219] {strides = array<i32>} : memref<32768xf32, #tpu.memory_space<vmem>>, vector<16xf32>,
        %get3A_221 = vector.shape_cast %get3A_220 : vector<16xf32> to vector<16xf32>
        %get3A_222 = arith.index_cast %add3A_218 : i32 to index
        %get3A_223 = tpu.vector_load %arg7[%get3A_222] {strides = array<i32>} : memref<32768xf32, #tpu.memory_space<vmem>>, vector<16xf32>,
        %get3A_224 = vector.shape_cast %get3A_223 : vector<16xf32> to vector<16xf32>
        %mul3A_225 = arith.mulf %get3A_224, %select_n3A_188 : vector<16xf32>
        %add3A_226 = arith.addf %get3A_221, %mul3A_225 : vector<16xf32>
        %swap3A_227 = arith.index_cast %add3A_218 : i32 to index
        %swap3A_228 = tpu.vector_load %arg6[%swap3A_227] {strides = array<i32>} : memref<32768xf32, #tpu.memory_space<vmem>>, vector<16xf32>,
        %swap3A_229 = vector.shape_cast %swap3A_228 : vector<16xf32> to vector<16xf32>
        %swap3A_230 = vector.shape_cast %add3A_226 : vector<16xf32> to vector<16xf32>
        tpu.vector_store %arg6[%swap3A_227], %swap3A_230 {strides = array<i32>} : memref<32768xf32, #tpu.memory_space<vmem>>, vector<16xf32>,
        %scan3A_231 = arith.constant 2 : i32
        %scan3A_232 = arith.addi %scan3A_195, %scan3A_231 : i32
        %mul3A_233 = arith.constant 1024 : i32
        %mul3A_234 = arith.muli %scan3A_180, %mul3A_233 : i32
        %mul3A_235 = arith.constant 16 : i32
        %mul3A_236 = arith.muli %scan3A_232, %mul3A_235 : i32
        %add3A_237 = arith.addi %mul3A_234, %mul3A_236 : i32
        %get3A_238 = arith.index_cast %add3A_237 : i32 to index
        %get3A_239 = tpu.vector_load %arg6[%get3A_238] {strides = array<i32>} : memref<32768xf32, #tpu.memory_space<vmem>>, vector<16xf32>,
        %get3A_240 = vector.shape_cast %get3A_239 : vector<16xf32> to vector<16xf32>
        %get3A_241 = arith.index_cast %add3A_237 : i32 to index
        %get3A_242 = tpu.vector_load %arg7[%get3A_241] {strides = array<i32>} : memref<32768xf32, #tpu.memory_space<vmem>>, vector<16xf32>,
        %get3A_243 = vector.shape_cast %get3A_242 : vector<16xf32> to vector<16xf32>
        %mul3A_244 = arith.mulf %get3A_243, %select_n3A_188 : vector<16xf32>
        %add3A_245 = arith.addf %get3A_240, %mul3A_244 : vector<16xf32>
        %swap3A_246 = arith.index_cast %add3A_237 : i32 to index
        %swap3A_247 = tpu.vector_load %arg6[%swap3A_246] {strides = array<i32>} : memref<32768xf32, #tpu.memory_space<vmem>>, vector<16xf32>,
        %swap3A_248 = vector.shape_cast %swap3A_247 : vector<16xf32> to vector<16xf32>
        %swap3A_249 = vector.shape_cast %add3A_245 : vector<16xf32> to vector<16xf32>
        tpu.vector_store %arg6[%swap3A_246], %swap3A_249 {strides = array<i32>} : memref<32768xf32, #tpu.memory_space<vmem>>, vector<16xf32>,
        %scan3A_250 = arith.constant 3 : i32
        %scan3A_251 = arith.addi %scan3A_195, %scan3A_250 : i32
        %mul3A_252 = arith.constant 1024 : i32
        %mul3A_253 = arith.muli %scan3A_180, %mul3A_252 : i32
        %mul3A_254 = arith.constant 16 : i32
        %mul3A_255 = arith.muli %scan3A_251, %mul3A_254 : i32
        %add3A_256 = arith.addi %mul3A_253, %mul3A_255 : i32
        %get3A_257 = arith.index_cast %add3A_256 : i32 to index
        %get3A_258 = tpu.vector_load %arg6[%get3A_257] {strides = array<i32>} : memref<32768xf32, #tpu.memory_space<vmem>>, vector<16xf32>,
        %get3A_259 = vector.shape_cast %get3A_258 : vector<16xf32> to vector<16xf32>
        %get3A_260 = arith.index_cast %add3A_256 : i32 to index
        %get3A_261 = tpu.vector_load %arg7[%get3A_260] {strides = array<i32>} : memref<32768xf32, #tpu.memory_space<vmem>>, vector<16xf32>,
        %get3A_262 = vector.shape_cast %get3A_261 : vector<16xf32> to vector<16xf32>
        %mul3A_263 = arith.mulf %get3A_262, %select_n3A_188 : vector<16xf32>
        %add3A_264 = arith.addf %get3A_259, %mul3A_263 : vector<16xf32>
        %swap3A_265 = arith.index_cast %add3A_256 : i32 to index
        %swap3A_266 = tpu.vector_load %arg6[%swap3A_265] {strides = array<i32>} : memref<32768xf32, #tpu.memory_space<vmem>>, vector<16xf32>,
        %swap3A_267 = vector.shape_cast %swap3A_266 : vector<16xf32> to vector<16xf32>
        %swap3A_268 = vector.shape_cast %add3A_264 : vector<16xf32> to vector<16xf32>
        tpu.vector_store %arg6[%swap3A_265], %swap3A_268 {strides = array<i32>} : memref<32768xf32, #tpu.memory_space<vmem>>, vector<16xf32>,
        %scan3A_269 = arith.constant 4 : i32
        %scan3A_270 = arith.addi %scan3A_195, %scan3A_269 : i32
        %mul3A_271 = arith.constant 1024 : i32
        %mul3A_272 = arith.muli %scan3A_180, %mul3A_271 : i32
        %mul3A_273 = arith.constant 16 : i32
        %mul3A_274 = arith.muli %scan3A_270, %mul3A_273 : i32
        %add3A_275 = arith.addi %mul3A_272, %mul3A_274 : i32
        %get3A_276 = arith.index_cast %add3A_275 : i32 to index
        %get3A_277 = tpu.vector_load %arg6[%get3A_276] {strides = array<i32>} : memref<32768xf32, #tpu.memory_space<vmem>>, vector<16xf32>,
        %get3A_278 = vector.shape_cast %get3A_277 : vector<16xf32> to vector<16xf32>
        %get3A_279 = arith.index_cast %add3A_275 : i32 to index
        %get3A_280 = tpu.vector_load %arg7[%get3A_279] {strides = array<i32>} : memref<32768xf32, #tpu.memory_space<vmem>>, vector<16xf32>,
        %get3A_281 = vector.shape_cast %get3A_280 : vector<16xf32> to vector<16xf32>
        %mul3A_282 = arith.mulf %get3A_281, %select_n3A_188 : vector<16xf32>
        %add3A_283 = arith.addf %get3A_278, %mul3A_282 : vector<16xf32>
        %swap3A_284 = arith.index_cast %add3A_275 : i32 to index
        %swap3A_285 = tpu.vector_load %arg6[%swap3A_284] {strides = array<i32>} : memref<32768xf32, #tpu.memory_space<vmem>>, vector<16xf32>,
        %swap3A_286 = vector.shape_cast %swap3A_285 : vector<16xf32> to vector<16xf32>
        %swap3A_287 = vector.shape_cast %add3A_283 : vector<16xf32> to vector<16xf32>
        tpu.vector_store %arg6[%swap3A_284], %swap3A_287 {strides = array<i32>} : memref<32768xf32, #tpu.memory_space<vmem>>, vector<16xf32>,
        %scan3A_288 = arith.constant 5 : i32
        %scan3A_289 = arith.addi %scan3A_195, %scan3A_288 : i32
        %mul3A_290 = arith.constant 1024 : i32
        %mul3A_291 = arith.muli %scan3A_180, %mul3A_290 : i32
        %mul3A_292 = arith.constant 16 : i32
        %mul3A_293 = arith.muli %scan3A_289, %mul3A_292 : i32
        %add3A_294 = arith.addi %mul3A_291, %mul3A_293 : i32
        %get3A_295 = arith.index_cast %add3A_294 : i32 to index
        %get3A_296 = tpu.vector_load %arg6[%get3A_295] {strides = array<i32>} : memref<32768xf32, #tpu.memory_space<vmem>>, vector<16xf32>,
        %get3A_297 = vector.shape_cast %get3A_296 : vector<16xf32> to vector<16xf32>
        %get3A_298 = arith.index_cast %add3A_294 : i32 to index
        %get3A_299 = tpu.vector_load %arg7[%get3A_298] {strides = array<i32>} : memref<32768xf32, #tpu.memory_space<vmem>>, vector<16xf32>,
        %get3A_300 = vector.shape_cast %get3A_299 : vector<16xf32> to vector<16xf32>
        %mul3A_301 = arith.mulf %get3A_300, %select_n3A_188 : vector<16xf32>
        %add3A_302 = arith.addf %get3A_297, %mul3A_301 : vector<16xf32>
        %swap3A_303 = arith.index_cast %add3A_294 : i32 to index
        %swap3A_304 = tpu.vector_load %arg6[%swap3A_303] {strides = array<i32>} : memref<32768xf32, #tpu.memory_space<vmem>>, vector<16xf32>,
        %swap3A_305 = vector.shape_cast %swap3A_304 : vector<16xf32> to vector<16xf32>
        %swap3A_306 = vector.shape_cast %add3A_302 : vector<16xf32> to vector<16xf32>
        tpu.vector_store %arg6[%swap3A_303], %swap3A_306 {strides = array<i32>} : memref<32768xf32, #tpu.memory_space<vmem>>, vector<16xf32>,
        %scan3A_307 = arith.constant 6 : i32
        %scan3A_308 = arith.addi %scan3A_195, %scan3A_307 : i32
        %mul3A_309 = arith.constant 1024 : i32
        %mul3A_310 = arith.muli %scan3A_180, %mul3A_309 : i32
        %mul3A_311 = arith.constant 16 : i32
        %mul3A_312 = arith.muli %scan3A_308, %mul3A_311 : i32
        %add3A_313 = arith.addi %mul3A_310, %mul3A_312 : i32
        %get3A_314 = arith.index_cast %add3A_313 : i32 to index
        %get3A_315 = tpu.vector_load %arg6[%get3A_314] {strides = array<i32>} : memref<32768xf32, #tpu.memory_space<vmem>>, vector<16xf32>,
        %get3A_316 = vector.shape_cast %get3A_315 : vector<16xf32> to vector<16xf32>
        %get3A_317 = arith.index_cast %add3A_313 : i32 to index
        %get3A_318 = tpu.vector_load %arg7[%get3A_317] {strides = array<i32>} : memref<32768xf32, #tpu.memory_space<vmem>>, vector<16xf32>,
        %get3A_319 = vector.shape_cast %get3A_318 : vector<16xf32> to vector<16xf32>
        %mul3A_320 = arith.mulf %get3A_319, %select_n3A_188 : vector<16xf32>
        %add3A_321 = arith.addf %get3A_316, %mul3A_320 : vector<16xf32>
        %swap3A_322 = arith.index_cast %add3A_313 : i32 to index
        %swap3A_323 = tpu.vector_load %arg6[%swap3A_322] {strides = array<i32>} : memref<32768xf32, #tpu.memory_space<vmem>>, vector<16xf32>,
        %swap3A_324 = vector.shape_cast %swap3A_323 : vector<16xf32> to vector<16xf32>
        %swap3A_325 = vector.shape_cast %add3A_321 : vector<16xf32> to vector<16xf32>
        tpu.vector_store %arg6[%swap3A_322], %swap3A_325 {strides = array<i32>} : memref<32768xf32, #tpu.memory_space<vmem>>, vector<16xf32>,
        %scan3A_326 = arith.constant 7 : i32
        %scan3A_327 = arith.addi %scan3A_195, %scan3A_326 : i32
        %mul3A_328 = arith.constant 1024 : i32
        %mul3A_329 = arith.muli %scan3A_180, %mul3A_328 : i32
        %mul3A_330 = arith.constant 16 : i32
        %mul3A_331 = arith.muli %scan3A_327, %mul3A_330 : i32
        %add3A_332 = arith.addi %mul3A_329, %mul3A_331 : i32
        %get3A_333 = arith.index_cast %add3A_332 : i32 to index
        %get3A_334 = tpu.vector_load %arg6[%get3A_333] {strides = array<i32>} : memref<32768xf32, #tpu.memory_space<vmem>>, vector<16xf32>,
        %get3A_335 = vector.shape_cast %get3A_334 : vector<16xf32> to vector<16xf32>
        %get3A_336 = arith.index_cast %add3A_332 : i32 to index
        %get3A_337 = tpu.vector_load %arg7[%get3A_336] {strides = array<i32>} : memref<32768xf32, #tpu.memory_space<vmem>>, vector<16xf32>,
        %get3A_338 = vector.shape_cast %get3A_337 : vector<16xf32> to vector<16xf32>
        %mul3A_339 = arith.mulf %get3A_338, %select_n3A_188 : vector<16xf32>
        %add3A_340 = arith.addf %get3A_335, %mul3A_339 : vector<16xf32>
        %swap3A_341 = arith.index_cast %add3A_332 : i32 to index
        %swap3A_342 = tpu.vector_load %arg6[%swap3A_341] {strides = array<i32>} : memref<32768xf32, #tpu.memory_space<vmem>>, vector<16xf32>,
        %swap3A_343 = vector.shape_cast %swap3A_342 : vector<16xf32> to vector<16xf32>
        %swap3A_344 = vector.shape_cast %add3A_340 : vector<16xf32> to vector<16xf32>
        tpu.vector_store %arg6[%swap3A_341], %swap3A_344 {strides = array<i32>} : memref<32768xf32, #tpu.memory_space<vmem>>, vector<16xf32>,
      }
      %scan3A_194 = arith.constant 64 : i32
    }
    %scan3A_177 = arith.constant 32 : i32
    %mul3A_178 = arith.constant 1024 : i32
    %mul3A_179 = arith.muli %add3A_165, %mul3A_178 : i32
    "tpu.region"() ({
      %run_scoped3A = tpu.sem_alloc : memref<!tpu.dma_semaphore, #tpu.memory_space<semaphore_mem>>
      %dma_start3A = tpu.memref_slice %arg5[%mul3A_179] : memref<8388608xf32, #tpu.memory_space<hbm>> -> memref<32768xf32, #tpu.memory_space<hbm>>
      %dma_start3A_180 = tpu.memref_slice %arg5[%mul3A_179] : memref<8388608xf32, #tpu.memory_space<hbm>> -> memref<32768xf32, #tpu.memory_space<hbm>>
      tpu.enqueue_dma source(%arg6 : memref<32768xf32, #tpu.memory_space<vmem>>) target(%dma_start3A_180 : memref<32768xf32, #tpu.memory_space<hbm>>) target_semaphore(%run_scoped3A : memref<!tpu.dma_semaphore, #tpu.memory_space<semaphore_mem>>)
      %dma_wait3A = tpu.memref_slice %arg5[%mul3A_179] : memref<8388608xf32, #tpu.memory_space<hbm>> -> memref<32768xf32, #tpu.memory_space<hbm>>
      %dma_wait3A_181 = tpu.memref_slice %arg5[%mul3A_179] : memref<8388608xf32, #tpu.memory_space<hbm>> -> memref<32768xf32, #tpu.memory_space<hbm>>
      tpu.wait_dma2 semaphore(%run_scoped3A : memref<!tpu.dma_semaphore, #tpu.memory_space<semaphore_mem>>) src(%arg6 : memref<32768xf32, #tpu.memory_space<vmem>>) dst(%dma_wait3A_181 : memref<32768xf32, #tpu.memory_space<hbm>>)
      tpu.yield
    }) : () -> ()
    return
  }
}

</mosaic_0001>

<sc_bundles>
// kernel: kernel.3.cloned.1.call-start
scs
__scs_entry_jumppad:
0x0: {  	(pc) =	sbr.rel $0x88, $3  }
0x1: {  	(tag) =	ssettag $0x0;
	lr =	simm.s32 $0x1  }
0x2: {  	[smem:$0x3F9F] =	sst lr;
	_ =	strace $0xD0000000  }
0x3: {  	_ = 	snop  }
0x4: {  	_ = 	snop  }
0x5: {  	_ = 	snop  }
0x6: {  	_ = 	snop  }
0x7: {  	_ = 	snop  }
__scs_overlays_trampoline_lowered:
0x8: {  	[smem:$0x3FAE] =	sst s0  }
0x9: {  	[smem:$0x3FAF] =	sst s1  }
0xa: {  	[smem:$0x3FB0] =	sst s2  }
0xb: {  	[smem:$0x3FB1] =	sst s3  }
0xc: {  	[smem:$0x3FB2] =	sst s4  }
0xd: {  	[smem:$0x3FB3] =	sst s5  }
0xe: {  	[smem:$0x3FB4] =	sst s6  }
0xf: {  	[smem:$0x3FB5] =	sst s7  }
0x10: {  	[smem:$0x3FB6] =	sst s8  }
0x11: {  	[smem:$0x3FB7] =	sst s9;
	s0 =	simm.s32 @!p0 $0x0  }
0x12: {  	s1 =	sld [smem:$0x3F9D];
	s0 =	simm.s32 @p0 $0x1  }
0x13: {  	[smem:$0x3FB8] =	sst s0;
	s0 =	simm.s32 @!p1 $0x0  }
0x14: {  	s2 =	sld [smem:$0x3F9C];
	s0 =	simm.s32 @p1 $0x1  }
0x15: {  	[smem:$0x3FB9] =	sst s0;
	s0 =	simm.s32 @!p2 $0x0  }
0x16: {  	s3 =	sld [smem:$0x3FDB];
	s0 =	simm.s32 @p2 $0x1  }
0x17: {  	s4 =	simm.s32 $0x1BF5;
	[smem:$0x3FBB] =	sst s0  }
0x18: {  	s0 =	sld [smem:$0x3F9E];
	_ =	swait.ge [sflag:s4], $0x0  }
0x19: {  	s7 =	sld [smem:$0x3F9F]  }
0x1a: {  	s8 =	sadd.s32 $0xFFFFE003, lr  }
0x1b: {  	s9 =	sadd.s32 $0xFFFFFEF7, lr;
	s5 =	simm.s32 $0xFFFFFFFF;
	p2 =	slt.u32 s8, $0xFFFFF086  }
0x1c: {  	p1 =	slt.u32 s9, $0xF7A;
	s5 =	simm.s32 @!p2 $0x0  }
0x1d: {  	s5 =	simm.s32 @p1 $0x1;
	p0 =	seq.s32 s7, s2  }
0x1e: {  	s7 =	smul.u32 @!p0 $0xF7A, s2;
	p2 =	seq.s32 @!p0 s5, $0x0  }
0x1f: {  	s9 =	smul.u32 $0xF7A, s1;
	s8 =	simm.s32 @!p0 $0x1BF5;
	p2 =	por !p2, p0  }
0x20: {  	[sflag:s8] =	ssyncset.s32 @!p0 $0xFFFFF086;
	s6 =	sadd.s32 @!p0 s3, s7;
	s7 =	simm.s32 @!p0 $0x108  }
0x21: {  	s3 =	sadd.s32 s3, s9;
	s6 =	sadd.s32 @!p0 $0x88, s6;
	s7 =	simm.s32 @p2 $0x1082  }
0x22: {  	[simem:s7], [sflag:s8] =	dma.local @!p0 [hbm:s6], $0xF7A  }
0x23: {  	s9 =	sor.u32 $0xD0000000, s2;
	s6 =	simm.s32 $0x108;
	_ =	swait.ge @!p0 [sflag:s8], $0x0  }
0x24: {  	s3 =	sadd.s32 $0x88, s3;
	s6 =	simm.s32 @!p1 $0x1082;
	[sflag:s4] =	ssyncset.s32 $0xFFFFF086  }
0x25: {  	[simem:s6], [sflag:s4] =	dma.local [hbm:s3], $0xF7A  }
0x26: {  	[smem:$0x3F9F] =	sst s1;
	(tag) =	ssettag s2;
	_ =	strace s9  }
0x27: {  	s1 =	sld [smem:$0x3FAF]  }
0x28: {  	s2 =	sld [smem:$0x3FB0]  }
0x29: {  	s4 =	sld [smem:$0x3FB2]  }
0x2a: {  	p0 =	seq.s32 s5, $0x0;
	s5 =	sld [smem:$0x3FB3]  }
0x2b: {  	s6 =	sld [smem:$0x3FB4]  }
0x2c: {  	s7 =	sld [smem:$0x3FB5]  }
0x2d: {  	s3 =	simm.s32 $0x108;
	s8 =	sld [smem:$0x3FB6]  }
0x2e: {  	s3 =	simm.s32 @!p0 $0x1082;
	s9 =	sld [smem:$0x3FB7]  }
0x2f: {  	lr =	sadd.s32 s0, s3;
	s0 =	sld [smem:$0x3FAE]  }
0x30: {  	s3 =	sld [smem:$0x3FB1]  }
0x31: {  	[smem:$0x3FBA] =	sst s10  }
0x32: {  	s10 =	sld [smem:$0x3FB8];
	_ =	sdelay $0x3  }
0x33: {  	p0 =	seq.s32 s10, $0x1;
	s10 =	sld [smem:$0x3FBA];
	_ =	sdelay $0x3  }
0x34: {  	[smem:$0x3FBA] =	sst s10  }
0x35: {  	s10 =	sld [smem:$0x3FB9];
	_ =	sdelay $0x3  }
0x36: {  	p1 =	seq.s32 s10, $0x1;
	s10 =	sld [smem:$0x3FBA];
	_ =	sdelay $0x3  }
0x37: {  	[smem:$0x3FBA] =	sst s10  }
0x38: {  	s10 =	sld [smem:$0x3FBB]  }
0x39: {  	_ = 	snop;
	(pc) =	sbr.ind lr, $3  }
0x3a: {  	_ = 	snop  }
0x3b: {  	_ = 	snop  }
0x3c: {  	p2 =	seq.s32 s10, $0x1;
	s10 =	sld [smem:$0x3FBA]  }
0x3d: {  	_ =	shalt  }
0x3e: {  	_ =	shalt  }
0x3f: {  	_ =	shalt  }
0x40: {  	_ =	shalt  }
0x41: {  	_ =	shalt  }
0x42: {  	_ =	shalt  }
0x43: {  	_ =	shalt  }
0x44: {  	_ =	shalt  }
0x45: {  	_ =	shalt  }
0x46: {  	_ =	shalt  }
0x47: {  	_ =	shalt  }
0x48: {  	_ =	shalt  }
0x49: {  	_ =	shalt  }
0x4a: {  	_ =	shalt  }
0x4b: {  	_ =	shalt  }
0x4c: {  	_ =	shalt  }
0x4d: {  	_ =	shalt  }
0x4e: {  	_ =	shalt  }
0x4f: {  	_ =	shalt  }
0x50: {  	_ =	shalt  }
0x51: {  	_ =	shalt  }
0x52: {  	_ =	shalt  }
0x53: {  	_ =	shalt  }
0x54: {  	_ =	shalt  }
0x55: {  	_ =	shalt  }
0x56: {  	_ =	shalt  }
0x57: {  	_ =	shalt  }
0x58: {  	_ =	shalt  }
0x59: {  	_ =	shalt  }
0x5a: {  	_ =	shalt  }
0x5b: {  	_ =	shalt  }
0x5c: {  	_ =	shalt  }
0x5d: {  	_ =	shalt  }
0x5e: {  	_ =	shalt  }
0x5f: {  	_ =	shalt  }
0x60: {  	_ =	shalt  }
0x61: {  	_ =	shalt  }
0x62: {  	_ =	shalt  }
0x63: {  	_ =	shalt  }
0x64: {  	_ =	shalt  }
0x65: {  	_ =	shalt  }
0x66: {  	_ =	shalt  }
0x67: {  	_ =	shalt  }
0x68: {  	_ =	shalt  }
0x69: {  	_ =	shalt  }
0x6a: {  	_ =	shalt  }
0x6b: {  	_ =	shalt  }
0x6c: {  	_ =	shalt  }
0x6d: {  	_ =	shalt  }
0x6e: {  	_ =	shalt  }
0x6f: {  	_ =	shalt  }
0x70: {  	_ =	shalt  }
0x71: {  	_ =	shalt  }
0x72: {  	_ =	shalt  }
0x73: {  	_ =	shalt  }
0x74: {  	_ =	shalt  }
0x75: {  	_ =	shalt  }
0x76: {  	_ =	shalt  }
0x77: {  	_ =	shalt  }
0x78: {  	_ =	shalt  }
0x79: {  	_ =	shalt  }
0x7a: {  	_ =	shalt  }
0x7b: {  	_ =	shalt  }
0x7c: {  	_ =	shalt  }
0x7d: {  	_ =	shalt  }
0x7e: {  	_ =	shalt  }
0x7f: {  	_ =	shalt  }
0x80: {  	_ =	shalt  }
0x81: {  	_ =	shalt  }
0x82: {  	_ =	shalt  }
0x83: {  	_ =	shalt  }
0x84: {  	_ =	shalt  }
0x85: {  	_ =	shalt  }
0x86: {  	_ =	shalt  }
0x87: {  	_ =	shalt  }
.Lfunc_end0:
.L_simem_size_0:
called_computation.1_lowered:
.L_overlay_start_0:
0x88: {  	s2 =	sld [smem:$0x3FD9]  }
0x89: {  	s3 =	sld [smem:$0x3FFE];
	_ =	sdelay $0x1  }
0x8a: {  	s1 =	srdreg.scid  }
0x8b: {  	s0 =	sand.u32 $0x1, s1  }
0x8c: {  	s17 =	sshll.u32 s0, $0xA;
	s2 =	sadd.s32 s3, s2  }
0x8d: {  	s2 =	sadd.s32 s2, s17  }
0x8e: {  	[smem:$0x3FC6] =	sst s2  }
0x8f: {  	_ = 	snop  }
0x90: {  	s2 =	sld [smem:$0x3FD0];
	(tm) =	ssettm $0x1  }
0x91: {  	s18 =	sld [smem:$0x3FFB];
	_ =	sdelay $0x3  }
0x92: {  	_ =	strace s18  }
0x93: {  	s3 =	sld [smem:$0x3FFC];
	_ =	sdelay $0x3  }
0x94: {  	_ =	strace s3  }
0x95: {  	s3 =	sld [smem:$0x3FFD];
	_ =	sdelay $0x3  }
0x96: {  	_ =	strace s3  }
0x97: {  	_ =	strace $0x8FFFFFFF  }
0x98: {  	s19 =	sld [smem:$0x3FDB];
	_ =	sdelay $0x1  }
0x99: {  	s4 =	simm.s32 $_scs_section_size  }
0x9a: {  	s5 =	simm.s32 $_size__tile_overlayer_lowered;
	s6 =	simm.s32 $_tile_overlayer_lowered  }
0x9b: {  	s22 =	simm.s32 $0x1BFF;
	s21 =	sshll.u32 s6, $0x1;
	s3 =	sadd.s32 s4, s19  }
0x9c: {  	s7 =	simm.s32 $0x0;
	s20 =	sshll.u32 s5, $0x1;
	s5 =	sadd.s32 s21, s3  }
0x9d: {  	[timem:s7], [sflag:s22] =	dma.local [hbm:s5], s20  }
0x9e: {  	_ =	swait.ge [sflag:s22], s20  }
0x9f: {  	s4 =	ssub.s32 $0x0, s20;
	[sflag:s22] =	ssyncset.done $0x0  }
0xa0: {  	[sflag:s22] =	ssyncadd.s32 s4;
	_ =	sdelay $0x1  }
0xa1: {  	s23 =	simm.s32 $0x1B8B  }
0xa2: {  	_ =	swait.ge [sflag:s23], $0x1  }
0xa3: {  	[sflag:s23] =	ssyncset.done $0x0  }
0xa4: {  	s25 =	simm.s32 $0x1B8E;
	s24 =	sld [smem:$0x3FFE];
	[sflag:s23] =	ssyncadd.s32 $0xFFFFFFFF  }
0xa5: {  	s26 =	simm.s32 $execute0_lowered;
	[smem:$0x3FD2] =	sst s25  }
0xa6: {  	s5 =	sshll.u32 s26, $0x1;
	_ =	strace $0x80000049;
	[dreg:$0x1] =	wrdreg $0xFFFFFFFF  }
0xa7: {  	s28 =	simm.s32 $_size_execute0_lowered;
	s3 =	sadd.s32 s3, s5;
	[dreg:$0x0] =	wrdreg $0x0  }
0xa8: {  	s5 =	sshll.u32 s28, $0x1;
	[dreg:$0x2] =	wrdreg s3  }
0xa9: {  	[dreg:$0x3] =	wrdreg s5  }
0xaa: {  	[dreg:$0x4] =	wrdreg $0xC0  }
0xab: {  	_ =	task [dreg:s7], $0x5FFFF  }
0xac: {  	[dreg:$0x1] =	wrdreg $0xFFFFFFFF  }
0xad: {  	[dreg:$0x0] =	wrdreg $0x60  }
0xae: {  	[dreg:$0x2] =	wrdreg s2  }
0xaf: {  	[dreg:$0x3] =	wrdreg s24  }
0xb0: {  	[dreg:$0x4] =	wrdreg $0x9  }
0xb1: {  	_ =	task.clear_ibuf [dreg:s7], $0x5FFFF;
	_ =	strace $0x90000049  }
0xb2: {  	s29 =	simm.s32 $0x9;
	_ =	strace $0x8000004B  }
0xb3: {  	_ =	swait.ge [sflag:s29], $0x1  }
0xb4: {  	[sflag:s29] =	ssyncadd.s32 $0xFFFFFFFF  }
0xb5: {  	_ =	strace $0x9000004B  }
0xb6: {  	_ =	sfence  }
0xb7: {  	s30 =	sld [smem:$0x0];
	_ =	sdelay $0x2  }
0xb8: {  	s31 =	sshll.u32 s1, $0xD;
	s1 =	sshrl.u32 s1, $0x2  }
0xb9: {  	s3 =	sand.u32 $0x4000, s31;
	s1 =	sadd.s32 s1, s30  }
0xba: {  	s0 =	sor.u32 s3, s0;
	s1 =	sshll.u32 s1, $0x11  }
0xbb: {  	s0 =	sor.u32 s1, s0  }
0xbc: {  	s0 =	sadd.s32 $0x8F2B, s0  }
0xbd: {  	[sflag:s0] =	ssyncadd.remote.s32 $0x1  }
0xbe: {  	_ =	sfence.sel $0xFFFF  }
0xbf: {  	[dreg:$0x0] =	wrdreg $0xFFFFFFFF;
	(pc) =	sbr.abs _section_cstart, $3  }
0xc0: {  	[dreg:$0x1] =	wrdreg $0xFFFFFFFF  }
0xc1: {  	_ =	task.clear_ibuf [dreg:s7], $0x2FFFF;
	_ =	strace $0x9FFFFFFF  }
0xc2: {  	(tm) =	ssettm $0x7FFFFFFF  }
0xc3: {  	_ =	shalt  }
tec
execute0_lowered:
.L_overlay_start_1:
0x0: {  	(tag) =	ssettag $0x1  }
0x1: {  	s4 =	rddreg [dreg:$0x0]  }
0x2: {  	s6 =	rddreg [dreg:$0x1]  }
0x3: {  	s0 =	srdreg.scid;
	s17 =	stileid.u32;
	s1 =	simm.s32 $0x0  }
0x4: {  	s0 =	sand.u32 $0x1, s0;
	s2 =	sshll.u32 s17, $0x1;
	[smem:$0x7FF] =	sst s1  }
0x5: {  	s5 =	sadd.s32 $0xE00, s6;
	s3 =	sor.u32 s0, s2;
	s0 =	ssub.s32 $0x2, s0  }
0x6: {  	s11 =	sadd.s32 $0x40E00, s6;
	s7 =	sand.u32 $0x7, s3;
	s8 =	sshrl.u32 s0, $0x1  }
0x7: {  	s6 =	sadd.s32 $0xC00, s6;
	s2 =	sshll.u32 s7, $0x8;
	s12 =	ssub.s32 s0, s8  }
0x8: {  	s0 =	sshll.u32 s3, $0xF;
	s7 =	sshll.u32 s7, $0xF;
	s3 =	sor.u32 $0x20, s2  }
0x9: {  	s10 =	sor.u32 $0x1000, s0;
	s7 =	sadd.s32 s5, s7;
	s8 =	sor.u32 $0x40, s2  }
0xa: {  	s24 =	sor.u32 $0x2000, s0;
	s25 =	sor.u32 $0x3000, s0;
	s29 =	sadd.s32 s4, s0  }
0xb: {  	s31 =	sadd.s32 s11, s0;
	s9 =	sshll.u32 s3, $0x7;
	[dreg:$0x3] =	wrdreg s7  }
0xc: {  	s13 =	sadd.s32 s4, s10;
	s15 =	sadd.s32 s11, s10;
	s16 =	sshll.u32 s8, $0x7  }
0xd: {  	s10 =	sor.u32 $0x80, s2;
	s26 =	sadd.s32 s4, s24;
	[dreg:$0x4] =	wrdreg s13  }
0xe: {  	s14 =	sadd.s32 s5, s9;
	[dreg:$0x6] =	wrdreg s15;
	s9 =	sor.u32 $0x60, s2  }
0xf: {  	s7 =	sadd.s32 s5, s16;
	s19 =	sshll.u32 s10, $0x7;
	[dreg:$0xd] =	wrdreg s26  }
0x10: {  	s15 =	sor.u32 $0xC0, s2;
	s16 =	sor.u32 $0xE0, s2;
	[dreg:$0x5] =	wrdreg s14  }
0x11: {  	s13 =	sshll.u32 s9, $0x7;
	[dreg:$0x7] =	wrdreg s7;
	s7 =	sadd.s32 s5, s19  }
0x12: {  	s14 =	sor.u32 $0xA0, s2;
	s21 =	sshll.u32 s15, $0x7;
	s23 =	sshll.u32 s16, $0x7  }
0x13: {  	s19 =	sor.u32 $0x5000, s0;
	s18 =	sadd.s32 s5, s13;
	[dreg:$0x9] =	wrdreg s7  }
0x14: {  	s20 =	sshll.u32 s14, $0x7;
	s22 =	sadd.s32 s5, s21;
	s13 =	sadd.s32 s4, s25  }
0x15: {  	s26 =	sadd.s32 s4, s19;
	s28 =	sadd.s32 s11, s19;
	[dreg:$0x8] =	wrdreg s18  }
0x16: {  	s21 =	sor.u32 $0x7000, s0;
	s7 =	sadd.s32 s5, s20;
	[dreg:$0xb] =	wrdreg s22  }
0x17: {  	s5 =	sadd.s32 s5, s23;
	[dreg:$0xf] =	wrdreg s13;
	s23 =	sadd.s32 s11, s25  }
0x18: {  	s18 =	sor.u32 $0x4000, s0;
	s20 =	sor.u32 $0x6000, s0;
	[dreg:$0xa] =	wrdreg s7  }
0x19: {  	s22 =	sshrl.u32 s17, $0x2;
	s13 =	simm.s32 $0x0;
	[dreg:$0xc] =	wrdreg s5  }
0x1a: {  	s5 =	sadd.s32 s11, s24;
	s24 =	sadd.s32 s4, s18;
	s25 =	sadd.s32 s11, s18  }
0x1b: {  	s30 =	sadd.s32 s4, s20;
	s0 =	sadd.s32 s11, s20;
	s4 =	sadd.s32 s4, s21  }
0x1c: {  	v0 =	vmov s22;
	s7 =	smax.u32 s12, $0x1;
	s12 =	simm.s32 $0x8000;
	[dreg:$0xe] =	wrdreg s5  }
0x1d: {  	v1 =	vimm.f32 $0.0e+00;
	s5 =	sadd.s32 s11, s21;
	v0 =	vbroadcast v0, $0x0;
	s11 =	simm.s32 $0x1;
	_ =	strace $0x8000004A  }
.LBB2_1:
0x1e: {  	s17 =	simm.s32 $0x10000  }
0x1f: {  	[tilespmem:s17], [sflag:$0x1] =	stream.linear.gather [hbm4b:s6+s1], $0x80, $0x38;
	[tilespmem:$0x10080] =	vst v63  }
0x20: {  	_ =	swait.ge [sflag:s11], $0x80  }
0x21: {  	[sflag:s11] =	ssyncset.done $0x0  }
0x22: {  	[sflag:s11] =	ssyncadd.s32 $0xFFFFFF80  }
0x23: {  	v2 =	vld [tilespmem:$0x10000];
	[tilespmem:s1], [sflag:$0x1] =	stream.linear.gather [hbm4b:s29+s1], $0x8000, $0x38  }
0x24: {  	_ =	swait.ge [sflag:s11], $0x8000  }
0x25: {  	[sflag:s11] =	ssyncset.done $0x0  }
0x26: {  	s22 =	rddreg [dreg:$0x3];
	[sflag:s11] =	ssyncadd.s32 $0xFFFF8000  }
0x27: {  	[tilespmem:s12], [sflag:$0x1] =	stream.linear.gather [hbm4b:s22+s1], $0x8000, $0x38;
	[tilespmem:$0x10080] =	vst v63  }
0x28: {  	_ =	swait.ge [sflag:s11], $0x8000  }
0x29: {  	s19 =	simm.s32 $0x0;
	[sflag:s11] =	ssyncset.done $0x0  }
0x2a: {  	s17 =	simm.s32 $0x8040;
	s22 =	simm.s32 $0x40;
	v2 =	vperm.xlane v2, v0;
	[sflag:s11] =	ssyncadd.s32 $0xFFFF8000  }
.LBB2_2:
0x2b: {  	v4 =	vld [tilespmem:s17+$0xFFFFFFC0]  }
0x2c: {  	s18 =	sor.u32 s2, s19  }
0x2d: {  	v5 =	vld [tilespmem:s22+$0xFFFFFFC0];
	v3 =	vmov s18  }
0x2e: {  	vm0 =	vlt.s32 v3, v2  }
0x2f: {  	v3 =	vsel vm0, $0x3F800000, v1  }
0x30: {  	v4 =	vmul.f32 v4, v3;
	_ =	sdelay $0x1  }
0x31: {  	v4 =	vadd.f32 v4, v5;
	_ =	sdelay $0x1  }
0x32: {  	[tilespmem:s22+$0xFFFFFFC0] =	vst v4  }
0x33: {  	v4 =	vld [tilespmem:s17+$0xFFFFFFD0];
	_ =	sdelay $0x1  }
0x34: {  	v5 =	vld [tilespmem:s22+$0xFFFFFFD0];
	_ =	sdelay $0x2  }
0x35: {  	v4 =	vmul.f32 v4, v3;
	_ =	sdelay $0x1  }
0x36: {  	v4 =	vadd.f32 v4, v5;
	_ =	sdelay $0x1  }
0x37: {  	[tilespmem:s22+$0xFFFFFFD0] =	vst v4  }
0x38: {  	v4 =	vld [tilespmem:s17+$0xFFFFFFE0];
	_ =	sdelay $0x1  }
0x39: {  	v5 =	vld [tilespmem:s22+$0xFFFFFFE0];
	_ =	sdelay $0x2  }
0x3a: {  	v4 =	vmul.f32 v4, v3;
	_ =	sdelay $0x1  }
0x3b: {  	v4 =	vadd.f32 v4, v5;
	_ =	sdelay $0x1  }
0x3c: {  	[tilespmem:s22+$0xFFFFFFE0] =	vst v4  }
0x3d: {  	v4 =	vld [tilespmem:s17+$0xFFFFFFF0];
	_ =	sdelay $0x1  }
0x3e: {  	v5 =	vld [tilespmem:s22+$0xFFFFFFF0];
	_ =	sdelay $0x2  }
0x3f: {  	v4 =	vmul.f32 v4, v3;
	_ =	sdelay $0x1  }
0x40: {  	v4 =	vadd.f32 v4, v5;
	_ =	sdelay $0x1  }
0x41: {  	[tilespmem:s22+$0xFFFFFFF0] =	vst v4  }
0x42: {  	v4 =	vld [tilespmem:s17+$0x0];
	_ =	sdelay $0x1  }
0x43: {  	v5 =	vld [tilespmem:s22+$0x0];
	_ =	sdelay $0x2  }
0x44: {  	v4 =	vmul.f32 v4, v3;
	_ =	sdelay $0x1  }
0x45: {  	v4 =	vadd.f32 v4, v5;
	_ =	sdelay $0x1  }
0x46: {  	[tilespmem:s22+$0x0] =	vst v4  }
0x47: {  	v4 =	vld [tilespmem:s17+$0x10];
	_ =	sdelay $0x1  }
0x48: {  	v5 =	vld [tilespmem:s22+$0x10];
	_ =	sdelay $0x2  }
0x49: {  	v4 =	vmul.f32 v4, v3;
	_ =	sdelay $0x1  }
0x4a: {  	v4 =	vadd.f32 v4, v5;
	_ =	sdelay $0x1  }
0x4b: {  	[tilespmem:s22+$0x10] =	vst v4  }
0x4c: {  	v4 =	vld [tilespmem:s17+$0x20];
	_ =	sdelay $0x1  }
0x4d: {  	v5 =	vld [tilespmem:s22+$0x20];
	_ =	sdelay $0x2  }
0x4e: {  	v4 =	vmul.f32 v4, v3;
	_ =	sdelay $0x1  }
0x4f: {  	v4 =	vadd.f32 v4, v5;
	_ =	sdelay $0x1  }
0x50: {  	[tilespmem:s22+$0x20] =	vst v4  }
0x51: {  	v4 =	vld [tilespmem:s17+$0x30];
	_ =	sdelay $0x1  }
0x52: {  	v5 =	vld [tilespmem:s22+$0x30];
	_ =	sdelay $0x2  }
0x53: {  	v4 =	vmul.f32 v4, v3;
	_ =	sdelay $0x1  }
0x54: {  	v4 =	vadd.f32 v4, v5;
	_ =	sdelay $0x1  }
0x55: {  	s20 =	simm.s32 $0x0;
	s21 =	sadd.s32 $0x80, s17;
	s18 =	smov.u32 s22;
	[tilespmem:s22+$0x30] =	vst v4  }
.LBB2_3:
0x56: {  	v4 =	vld [tilespmem:s21+$0xFFFFFFC0];
	s20 =	sadd.s32 $0x8, s20  }
0x57: {  	s18 =	sadd.s32 $0x80, s18;
	p0 =	slt.u32 s20, $0x38  }
0x58: {  	v5 =	vld [tilespmem:s18+$0xFFFFFFC0];
	_ =	sdelay $0x2  }
0x59: {  	v4 =	vmul.f32 v4, v3;
	_ =	sdelay $0x1  }
0x5a: {  	v4 =	vadd.f32 v4, v5;
	_ =	sdelay $0x1  }
0x5b: {  	[tilespmem:s18+$0xFFFFFFC0] =	vst v4  }
0x5c: {  	v4 =	vld [tilespmem:s21+$0xFFFFFFD0];
	_ =	sdelay $0x1  }
0x5d: {  	v5 =	vld [tilespmem:s18+$0xFFFFFFD0];
	_ =	sdelay $0x2  }
0x5e: {  	v4 =	vmul.f32 v4, v3;
	_ =	sdelay $0x1  }
0x5f: {  	v4 =	vadd.f32 v4, v5;
	_ =	sdelay $0x1  }
0x60: {  	[tilespmem:s18+$0xFFFFFFD0] =	vst v4  }
0x61: {  	v4 =	vld [tilespmem:s21+$0xFFFFFFE0];
	_ =	sdelay $0x1  }
0x62: {  	v5 =	vld [tilespmem:s18+$0xFFFFFFE0];
	_ =	sdelay $0x2  }
0x63: {  	v4 =	vmul.f32 v4, v3;
	_ =	sdelay $0x1  }
0x64: {  	v4 =	vadd.f32 v4, v5;
	_ =	sdelay $0x1  }
0x65: {  	[tilespmem:s18+$0xFFFFFFE0] =	vst v4  }
0x66: {  	v4 =	vld [tilespmem:s21+$0xFFFFFFF0];
	_ =	sdelay $0x1  }
0x67: {  	v5 =	vld [tilespmem:s18+$0xFFFFFFF0];
	_ =	sdelay $0x2  }
0x68: {  	v4 =	vmul.f32 v4, v3;
	_ =	sdelay $0x1  }
0x69: {  	v4 =	vadd.f32 v4, v5;
	_ =	sdelay $0x1  }
0x6a: {  	[tilespmem:s18+$0xFFFFFFF0] =	vst v4  }
0x6b: {  	v4 =	vld [tilespmem:s21+$0x0];
	_ =	sdelay $0x1  }
0x6c: {  	v5 =	vld [tilespmem:s18+$0x0];
	_ =	sdelay $0x2  }
0x6d: {  	v4 =	vmul.f32 v4, v3;
	_ =	sdelay $0x1  }
0x6e: {  	v4 =	vadd.f32 v4, v5;
	_ =	sdelay $0x1  }
0x6f: {  	[tilespmem:s18+$0x0] =	vst v4  }
0x70: {  	v4 =	vld [tilespmem:s21+$0x10];
	_ =	sdelay $0x1  }
0x71: {  	v5 =	vld [tilespmem:s18+$0x10];
	_ =	sdelay $0x2  }
0x72: {  	v4 =	vmul.f32 v4, v3;
	_ =	sdelay $0x1  }
0x73: {  	v4 =	vadd.f32 v4, v5;
	_ =	sdelay $0x1  }
0x74: {  	[tilespmem:s18+$0x10] =	vst v4  }
0x75: {  	v4 =	vld [tilespmem:s21+$0x20];
	_ =	sdelay $0x1  }
0x76: {  	v5 =	vld [tilespmem:s18+$0x20];
	_ =	sdelay $0x2  }
0x77: {  	v4 =	vmul.f32 v4, v3;
	_ =	sdelay $0x1  }
0x78: {  	v4 =	vadd.f32 v4, v5;
	_ =	sdelay $0x1  }
0x79: {  	[tilespmem:s18+$0x20] =	vst v4  }
0x7a: {  	v4 =	vld [tilespmem:s21+$0x30];
	_ =	sdelay $0x1  }
0x7b: {  	v5 =	vld [tilespmem:s18+$0x30];
	_ =	sdelay $0x2  }
.Ltmp0:
0x7c: {  	v4 =	vmul.f32 v4, v3;
	(pc) =	sbr.rel @p0 .LBB2_3-.Ltmp0, $3  }
0x7d: {  	_ = 	snop  }
0x7e: {  	v4 =	vadd.f32 v4, v5;
	_ =	sdelay $0x1  }
0x7f: {  	s21 =	sadd.s32 $0x80, s21;
	[tilespmem:s18+$0x30] =	vst v4  }
0x80: {  	s19 =	sadd.s32 $0x1, s19  }
0x81: {  	p0 =	sne.s32 s19, $0x20  }
.Ltmp1:
0x82: {  	_ = 	snop;
	(pc) =	sbr.rel @p0 .LBB2_2-.Ltmp1, $2  }
0x83: {  	_ =	sdelay $0x2  }
0x84: {  	s17 =	sadd.s32 $0x400, s17;
	s22 =	sadd.s32 $0x400, s22  }
0x85: {  	s17 =	simm.s32 $0x0  }
0x86: {  	[hbm4b:s31+s17] =	stream.linear.scatter [tilespmem:s17], [sflag:$0x1], $0x8000, $0x38;
	[tilespmem:$0x10080] =	vst v63  }
0x87: {  	_ =	swait.ge [sflag:s11], $0x8000  }
0x88: {  	[sflag:s11] =	ssyncset.done $0x0  }
0x89: {  	s18 =	rddreg [dreg:$0x4];
	[sflag:s11] =	ssyncadd.s32 $0xFFFF8000  }
0x8a: {  	[tilespmem:s17], [sflag:$0x1] =	stream.linear.gather [hbm4b:s18+s17], $0x8000, $0x38;
	[tilespmem:$0x10080] =	vst v63  }
0x8b: {  	_ =	swait.ge [sflag:s11], $0x8000  }
0x8c: {  	[sflag:s11] =	ssyncset.done $0x0  }
0x8d: {  	s22 =	rddreg [dreg:$0x5];
	[sflag:s11] =	ssyncadd.s32 $0xFFFF8000  }
0x8e: {  	[tilespmem:s12], [sflag:$0x1] =	stream.linear.gather [hbm4b:s22+s17], $0x8000, $0x38;
	[tilespmem:$0x10080] =	vst v63  }
0x8f: {  	_ =	swait.ge [sflag:s11], $0x8000  }
0x90: {  	[sflag:s11] =	ssyncset.done $0x0  }
0x91: {  	s19 =	simm.s32 $0x40;
	s18 =	simm.s32 $0x8040;
	[sflag:s11] =	ssyncadd.s32 $0xFFFF8000  }
.LBB2_6:
0x92: {  	v4 =	vld [tilespmem:s18+$0xFFFFFFC0]  }
0x93: {  	s20 =	sor.u32 s3, s17  }
0x94: {  	v5 =	vld [tilespmem:s19+$0xFFFFFFC0];
	v3 =	vmov s20  }
0x95: {  	vm0 =	vlt.s32 v3, v2  }
0x96: {  	v3 =	vsel vm0, $0x3F800000, v1  }
0x97: {  	v4 =	vmul.f32 v4, v3;
	_ =	sdelay $0x1  }
0x98: {  	v4 =	vadd.f32 v4, v5;
	_ =	sdelay $0x1  }
0x99: {  	[tilespmem:s19+$0xFFFFFFC0] =	vst v4  }
0x9a: {  	v4 =	vld [tilespmem:s18+$0xFFFFFFD0];
	_ =	sdelay $0x1  }
0x9b: {  	v5 =	vld [tilespmem:s19+$0xFFFFFFD0];
	_ =	sdelay $0x2  }
0x9c: {  	v4 =	vmul.f32 v4, v3;
	_ =	sdelay $0x1  }
0x9d: {  	v4 =	vadd.f32 v4, v5;
	_ =	sdelay $0x1  }
0x9e: {  	[tilespmem:s19+$0xFFFFFFD0] =	vst v4  }
0x9f: {  	v4 =	vld [tilespmem:s18+$0xFFFFFFE0];
	_ =	sdelay $0x1  }
0xa0: {  	v5 =	vld [tilespmem:s19+$0xFFFFFFE0];
	_ =	sdelay $0x2  }
0xa1: {  	v4 =	vmul.f32 v4, v3;
	_ =	sdelay $0x1  }
0xa2: {  	v4 =	vadd.f32 v4, v5;
	_ =	sdelay $0x1  }
0xa3: {  	[tilespmem:s19+$0xFFFFFFE0] =	vst v4  }
0xa4: {  	v4 =	vld [tilespmem:s18+$0xFFFFFFF0];
	_ =	sdelay $0x1  }
0xa5: {  	v5 =	vld [tilespmem:s19+$0xFFFFFFF0];
	_ =	sdelay $0x2  }
0xa6: {  	v4 =	vmul.f32 v4, v3;
	_ =	sdelay $0x1  }
0xa7: {  	v4 =	vadd.f32 v4, v5;
	_ =	sdelay $0x1  }
0xa8: {  	[tilespmem:s19+$0xFFFFFFF0] =	vst v4  }
0xa9: {  	v4 =	vld [tilespmem:s18+$0x0];
	_ =	sdelay $0x1  }
0xaa: {  	v5 =	vld [tilespmem:s19+$0x0];
	_ =	sdelay $0x2  }
0xab: {  	v4 =	vmul.f32 v4, v3;
	_ =	sdelay $0x1  }
0xac: {  	v4 =	vadd.f32 v4, v5;
	_ =	sdelay $0x1  }
0xad: {  	[tilespmem:s19+$0x0] =	vst v4  }
0xae: {  	v4 =	vld [tilespmem:s18+$0x10];
	_ =	sdelay $0x1  }
0xaf: {  	v5 =	vld [tilespmem:s19+$0x10];
	_ =	sdelay $0x2  }
0xb0: {  	v4 =	vmul.f32 v4, v3;
	_ =	sdelay $0x1  }
0xb1: {  	v4 =	vadd.f32 v4, v5;
	_ =	sdelay $0x1  }
0xb2: {  	[tilespmem:s19+$0x10] =	vst v4  }
0xb3: {  	v4 =	vld [tilespmem:s18+$0x20];
	_ =	sdelay $0x1  }
0xb4: {  	v5 =	vld [tilespmem:s19+$0x20];
	_ =	sdelay $0x2  }
0xb5: {  	v4 =	vmul.f32 v4, v3;
	_ =	sdelay $0x1  }
0xb6: {  	v4 =	vadd.f32 v4, v5;
	_ =	sdelay $0x1  }
0xb7: {  	[tilespmem:s19+$0x20] =	vst v4  }
0xb8: {  	v4 =	vld [tilespmem:s18+$0x30];
	_ =	sdelay $0x1  }
0xb9: {  	v5 =	vld [tilespmem:s19+$0x30];
	_ =	sdelay $0x2  }
0xba: {  	v4 =	vmul.f32 v4, v3;
	_ =	sdelay $0x1  }
0xbb: {  	v4 =	vadd.f32 v4, v5;
	_ =	sdelay $0x1  }
0xbc: {  	s21 =	sadd.s32 $0x80, s18;
	s22 =	smov.u32 s19;
	s20 =	simm.s32 $0x0;
	[tilespmem:s19+$0x30] =	vst v4  }
.LBB2_7:
0xbd: {  	v4 =	vld [tilespmem:s21+$0xFFFFFFC0];
	s20 =	sadd.s32 $0x8, s20  }
0xbe: {  	s22 =	sadd.s32 $0x80, s22;
	p0 =	slt.u32 s20, $0x38  }
0xbf: {  	v5 =	vld [tilespmem:s22+$0xFFFFFFC0];
	_ =	sdelay $0x2  }
0xc0: {  	v4 =	vmul.f32 v4, v3;
	_ =	sdelay $0x1  }
0xc1: {  	v4 =	vadd.f32 v4, v5;
	_ =	sdelay $0x1  }
0xc2: {  	[tilespmem:s22+$0xFFFFFFC0] =	vst v4  }
0xc3: {  	v4 =	vld [tilespmem:s21+$0xFFFFFFD0];
	_ =	sdelay $0x1  }
0xc4: {  	v5 =	vld [tilespmem:s22+$0xFFFFFFD0];
	_ =	sdelay $0x2  }
0xc5: {  	v4 =	vmul.f32 v4, v3;
	_ =	sdelay $0x1  }
0xc6: {  	v4 =	vadd.f32 v4, v5;
	_ =	sdelay $0x1  }
0xc7: {  	[tilespmem:s22+$0xFFFFFFD0] =	vst v4  }
0xc8: {  	v4 =	vld [tilespmem:s21+$0xFFFFFFE0];
	_ =	sdelay $0x1  }
0xc9: {  	v5 =	vld [tilespmem:s22+$0xFFFFFFE0];
	_ =	sdelay $0x2  }
0xca: {  	v4 =	vmul.f32 v4, v3;
	_ =	sdelay $0x1  }
0xcb: {  	v4 =	vadd.f32 v4, v5;
	_ =	sdelay $0x1  }
0xcc: {  	[tilespmem:s22+$0xFFFFFFE0] =	vst v4  }
0xcd: {  	v4 =	vld [tilespmem:s21+$0xFFFFFFF0];
	_ =	sdelay $0x1  }
0xce: {  	v5 =	vld [tilespmem:s22+$0xFFFFFFF0];
	_ =	sdelay $0x2  }
0xcf: {  	v4 =	vmul.f32 v4, v3;
	_ =	sdelay $0x1  }
0xd0: {  	v4 =	vadd.f32 v4, v5;
	_ =	sdelay $0x1  }
0xd1: {  	[tilespmem:s22+$0xFFFFFFF0] =	vst v4  }
0xd2: {  	v4 =	vld [tilespmem:s21+$0x0];
	_ =	sdelay $0x1  }
0xd3: {  	v5 =	vld [tilespmem:s22+$0x0];
	_ =	sdelay $0x2  }
0xd4: {  	v4 =	vmul.f32 v4, v3;
	_ =	sdelay $0x1  }
0xd5: {  	v4 =	vadd.f32 v4, v5;
	_ =	sdelay $0x1  }
0xd6: {  	[tilespmem:s22+$0x0] =	vst v4  }
0xd7: {  	v4 =	vld [tilespmem:s21+$0x10];
	_ =	sdelay $0x1  }
0xd8: {  	v5 =	vld [tilespmem:s22+$0x10];
	_ =	sdelay $0x2  }
0xd9: {  	v4 =	vmul.f32 v4, v3;
	_ =	sdelay $0x1  }
0xda: {  	v4 =	vadd.f32 v4, v5;
	_ =	sdelay $0x1  }
0xdb: {  	[tilespmem:s22+$0x10] =	vst v4  }
0xdc: {  	v4 =	vld [tilespmem:s21+$0x20];
	_ =	sdelay $0x1  }
0xdd: {  	v5 =	vld [tilespmem:s22+$0x20];
	_ =	sdelay $0x2  }
0xde: {  	v4 =	vmul.f32 v4, v3;
	_ =	sdelay $0x1  }
0xdf: {  	v4 =	vadd.f32 v4, v5;
	_ =	sdelay $0x1  }
0xe0: {  	[tilespmem:s22+$0x20] =	vst v4  }
0xe1: {  	v4 =	vld [tilespmem:s21+$0x30];
	_ =	sdelay $0x1  }
0xe2: {  	v5 =	vld [tilespmem:s22+$0x30];
	_ =	sdelay $0x2  }
.Ltmp2:
0xe3: {  	v4 =	vmul.f32 v4, v3;
	(pc) =	sbr.rel @p0 .LBB2_7-.Ltmp2, $3  }
0xe4: {  	_ = 	snop  }
0xe5: {  	v4 =	vadd.f32 v4, v5;
	_ =	sdelay $0x1  }
0xe6: {  	s21 =	sadd.s32 $0x80, s21;
	[tilespmem:s22+$0x30] =	vst v4  }
0xe7: {  	s17 =	sadd.s32 $0x1, s17  }
0xe8: {  	p0 =	sne.s32 s17, $0x20  }
.Ltmp3:
0xe9: {  	_ = 	snop;
	(pc) =	sbr.rel @p0 .LBB2_6-.Ltmp3, $2  }
0xea: {  	_ =	sdelay $0x2  }
0xeb: {  	s18 =	sadd.s32 $0x400, s18;
	s19 =	sadd.s32 $0x400, s19  }
0xec: {  	s17 =	simm.s32 $0x0;
	s18 =	rddreg [dreg:$0x6]  }
0xed: {  	[hbm4b:s18+s17] =	stream.linear.scatter [tilespmem:s17], [sflag:$0x1], $0x8000, $0x38;
	[tilespmem:$0x10080] =	vst v63  }
0xee: {  	_ =	swait.ge [sflag:s11], $0x8000  }
0xef: {  	[sflag:s11] =	ssyncset.done $0x0  }
0xf0: {  	s21 =	rddreg [dreg:$0xd];
	[sflag:s11] =	ssyncadd.s32 $0xFFFF8000  }
0xf1: {  	[tilespmem:s17], [sflag:$0x1] =	stream.linear.gather [hbm4b:s21+s17], $0x8000, $0x38;
	[tilespmem:$0x10080] =	vst v63  }
0xf2: {  	_ =	swait.ge [sflag:s11], $0x8000  }
0xf3: {  	[sflag:s11] =	ssyncset.done $0x0  }
0xf4: {  	s22 =	rddreg [dreg:$0x7];
	[sflag:s11] =	ssyncadd.s32 $0xFFFF8000  }
0xf5: {  	[tilespmem:s12], [sflag:$0x1] =	stream.linear.gather [hbm4b:s22+s17], $0x8000, $0x38;
	[tilespmem:$0x10080] =	vst v63  }
0xf6: {  	_ =	swait.ge [sflag:s11], $0x8000  }
0xf7: {  	[sflag:s11] =	ssyncset.done $0x0  }
0xf8: {  	s19 =	simm.s32 $0x40;
	s18 =	simm.s32 $0x8040;
	[sflag:s11] =	ssyncadd.s32 $0xFFFF8000  }
.LBB2_10:
0xf9: {  	v4 =	vld [tilespmem:s18+$0xFFFFFFC0]  }
0xfa: {  	s20 =	sor.u32 s8, s17  }
0xfb: {  	v5 =	vld [tilespmem:s19+$0xFFFFFFC0];
	v3 =	vmov s20  }
0xfc: {  	vm0 =	vlt.s32 v3, v2  }
0xfd: {  	v3 =	vsel vm0, $0x3F800000, v1  }
0xfe: {  	v4 =	vmul.f32 v4, v3;
	_ =	sdelay $0x1  }
0xff: {  	v4 =	vadd.f32 v4, v5;
	_ =	sdelay $0x1  }
0x100: {  	[tilespmem:s19+$0xFFFFFFC0] =	vst v4  }
0x101: {  	v4 =	vld [tilespmem:s18+$0xFFFFFFD0];
	_ =	sdelay $0x1  }
0x102: {  	v5 =	vld [tilespmem:s19+$0xFFFFFFD0];
	_ =	sdelay $0x2  }
0x103: {  	v4 =	vmul.f32 v4, v3;
	_ =	sdelay $0x1  }
0x104: {  	v4 =	vadd.f32 v4, v5;
	_ =	sdelay $0x1  }
0x105: {  	[tilespmem:s19+$0xFFFFFFD0] =	vst v4  }
0x106: {  	v4 =	vld [tilespmem:s18+$0xFFFFFFE0];
	_ =	sdelay $0x1  }
0x107: {  	v5 =	vld [tilespmem:s19+$0xFFFFFFE0];
	_ =	sdelay $0x2  }
0x108: {  	v4 =	vmul.f32 v4, v3;
	_ =	sdelay $0x1  }
0x109: {  	v4 =	vadd.f32 v4, v5;
	_ =	sdelay $0x1  }
0x10a: {  	[tilespmem:s19+$0xFFFFFFE0] =	vst v4  }
0x10b: {  	v4 =	vld [tilespmem:s18+$0xFFFFFFF0];
	_ =	sdelay $0x1  }
0x10c: {  	v5 =	vld [tilespmem:s19+$0xFFFFFFF0];
	_ =	sdelay $0x2  }
0x10d: {  	v4 =	vmul.f32 v4, v3;
	_ =	sdelay $0x1  }
0x10e: {  	v4 =	vadd.f32 v4, v5;
	_ =	sdelay $0x1  }
0x10f: {  	[tilespmem:s19+$0xFFFFFFF0] =	vst v4  }
0x110: {  	v4 =	vld [tilespmem:s18+$0x0];
	_ =	sdelay $0x1  }
0x111: {  	v5 =	vld [tilespmem:s19+$0x0];
	_ =	sdelay $0x2  }
0x112: {  	v4 =	vmul.f32 v4, v3;
	_ =	sdelay $0x1  }
0x113: {  	v4 =	vadd.f32 v4, v5;
	_ =	sdelay $0x1  }
0x114: {  	[tilespmem:s19+$0x0] =	vst v4  }
0x115: {  	v4 =	vld [tilespmem:s18+$0x10];
	_ =	sdelay $0x1  }
0x116: {  	v5 =	vld [tilespmem:s19+$0x10];
	_ =	sdelay $0x2  }
0x117: {  	v4 =	vmul.f32 v4, v3;
	_ =	sdelay $0x1  }
0x118: {  	v4 =	vadd.f32 v4, v5;
	_ =	sdelay $0x1  }
0x119: {  	[tilespmem:s19+$0x10] =	vst v4  }
0x11a: {  	v4 =	vld [tilespmem:s18+$0x20];
	_ =	sdelay $0x1  }
0x11b: {  	v5 =	vld [tilespmem:s19+$0x20];
	_ =	sdelay $0x2  }
0x11c: {  	v4 =	vmul.f32 v4, v3;
	_ =	sdelay $0x1  }
0x11d: {  	v4 =	vadd.f32 v4, v5;
	_ =	sdelay $0x1  }
0x11e: {  	[tilespmem:s19+$0x20] =	vst v4  }
0x11f: {  	v4 =	vld [tilespmem:s18+$0x30];
	_ =	sdelay $0x1  }
0x120: {  	v5 =	vld [tilespmem:s19+$0x30];
	_ =	sdelay $0x2  }
0x121: {  	v4 =	vmul.f32 v4, v3;
	_ =	sdelay $0x1  }
0x122: {  	v4 =	vadd.f32 v4, v5;
	_ =	sdelay $0x1  }
0x123: {  	s21 =	sadd.s32 $0x80, s18;
	s22 =	smov.u32 s19;
	s20 =	simm.s32 $0x0;
	[tilespmem:s19+$0x30] =	vst v4  }
.LBB2_11:
0x124: {  	v4 =	vld [tilespmem:s21+$0xFFFFFFC0];
	s20 =	sadd.s32 $0x8, s20  }
0x125: {  	s22 =	sadd.s32 $0x80, s22;
	p0 =	slt.u32 s20, $0x38  }
0x126: {  	v5 =	vld [tilespmem:s22+$0xFFFFFFC0];
	_ =	sdelay $0x2  }
0x127: {  	v4 =	vmul.f32 v4, v3;
	_ =	sdelay $0x1  }
0x128: {  	v4 =	vadd.f32 v4, v5;
	_ =	sdelay $0x1  }
0x129: {  	[tilespmem:s22+$0xFFFFFFC0] =	vst v4  }
0x12a: {  	v4 =	vld [tilespmem:s21+$0xFFFFFFD0];
	_ =	sdelay $0x1  }
0x12b: {  	v5 =	vld [tilespmem:s22+$0xFFFFFFD0];
	_ =	sdelay $0x2  }
0x12c: {  	v4 =	vmul.f32 v4, v3;
	_ =	sdelay $0x1  }
0x12d: {  	v4 =	vadd.f32 v4, v5;
	_ =	sdelay $0x1  }
0x12e: {  	[tilespmem:s22+$0xFFFFFFD0] =	vst v4  }
0x12f: {  	v4 =	vld [tilespmem:s21+$0xFFFFFFE0];
	_ =	sdelay $0x1  }
0x130: {  	v5 =	vld [tilespmem:s22+$0xFFFFFFE0];
	_ =	sdelay $0x2  }
0x131: {  	v4 =	vmul.f32 v4, v3;
	_ =	sdelay $0x1  }
0x132: {  	v4 =	vadd.f32 v4, v5;
	_ =	sdelay $0x1  }
0x133: {  	[tilespmem:s22+$0xFFFFFFE0] =	vst v4  }
0x134: {  	v4 =	vld [tilespmem:s21+$0xFFFFFFF0];
	_ =	sdelay $0x1  }
0x135: {  	v5 =	vld [tilespmem:s22+$0xFFFFFFF0];
	_ =	sdelay $0x2  }
0x136: {  	v4 =	vmul.f32 v4, v3;
	_ =	sdelay $0x1  }
0x137: {  	v4 =	vadd.f32 v4, v5;
	_ =	sdelay $0x1  }
0x138: {  	[tilespmem:s22+$0xFFFFFFF0] =	vst v4  }
0x139: {  	v4 =	vld [tilespmem:s21+$0x0];
	_ =	sdelay $0x1  }
0x13a: {  	v5 =	vld [tilespmem:s22+$0x0];
	_ =	sdelay $0x2  }
0x13b: {  	v4 =	vmul.f32 v4, v3;
	_ =	sdelay $0x1  }
0x13c: {  	v4 =	vadd.f32 v4, v5;
	_ =	sdelay $0x1  }
0x13d: {  	[tilespmem:s22+$0x0] =	vst v4  }
0x13e: {  	v4 =	vld [tilespmem:s21+$0x10];
	_ =	sdelay $0x1  }
0x13f: {  	v5 =	vld [tilespmem:s22+$0x10];
	_ =	sdelay $0x2  }
0x140: {  	v4 =	vmul.f32 v4, v3;
	_ =	sdelay $0x1  }
0x141: {  	v4 =	vadd.f32 v4, v5;
	_ =	sdelay $0x1  }
0x142: {  	[tilespmem:s22+$0x10] =	vst v4  }
0x143: {  	v4 =	vld [tilespmem:s21+$0x20];
	_ =	sdelay $0x1  }
0x144: {  	v5 =	vld [tilespmem:s22+$0x20];
	_ =	sdelay $0x2  }
0x145: {  	v4 =	vmul.f32 v4, v3;
	_ =	sdelay $0x1  }
0x146: {  	v4 =	vadd.f32 v4, v5;
	_ =	sdelay $0x1  }
0x147: {  	[tilespmem:s22+$0x20] =	vst v4  }
0x148: {  	v4 =	vld [tilespmem:s21+$0x30];
	_ =	sdelay $0x1  }
0x149: {  	v5 =	vld [tilespmem:s22+$0x30];
	_ =	sdelay $0x2  }
.Ltmp4:
0x14a: {  	v4 =	vmul.f32 v4, v3;
	(pc) =	sbr.rel @p0 .LBB2_11-.Ltmp4, $3  }
0x14b: {  	_ = 	snop  }
0x14c: {  	v4 =	vadd.f32 v4, v5;
	_ =	sdelay $0x1  }
0x14d: {  	s21 =	sadd.s32 $0x80, s21;
	[tilespmem:s22+$0x30] =	vst v4  }
0x14e: {  	s17 =	sadd.s32 $0x1, s17  }
0x14f: {  	p0 =	sne.s32 s17, $0x20  }
.Ltmp5:
0x150: {  	_ = 	snop;
	(pc) =	sbr.rel @p0 .LBB2_10-.Ltmp5, $2  }
0x151: {  	_ =	sdelay $0x2  }
0x152: {  	s18 =	sadd.s32 $0x400, s18;
	s19 =	sadd.s32 $0x400, s19  }
0x153: {  	s17 =	simm.s32 $0x0;
	s18 =	rddreg [dreg:$0xe]  }
0x154: {  	[hbm4b:s18+s17] =	stream.linear.scatter [tilespmem:s17], [sflag:$0x1], $0x8000, $0x38;
	[tilespmem:$0x10080] =	vst v63  }
0x155: {  	_ =	swait.ge [sflag:s11], $0x8000  }
0x156: {  	[sflag:s11] =	ssyncset.done $0x0  }
0x157: {  	s21 =	rddreg [dreg:$0xf];
	[sflag:s11] =	ssyncadd.s32 $0xFFFF8000  }
0x158: {  	[tilespmem:s17], [sflag:$0x1] =	stream.linear.gather [hbm4b:s21+s17], $0x8000, $0x38;
	[tilespmem:$0x10080] =	vst v63  }
0x159: {  	_ =	swait.ge [sflag:s11], $0x8000  }
0x15a: {  	[sflag:s11] =	ssyncset.done $0x0  }
0x15b: {  	s22 =	rddreg [dreg:$0x8];
	[sflag:s11] =	ssyncadd.s32 $0xFFFF8000  }
0x15c: {  	[tilespmem:s12], [sflag:$0x1] =	stream.linear.gather [hbm4b:s22+s17], $0x8000, $0x38;
	[tilespmem:$0x10080] =	vst v63  }
0x15d: {  	_ =	swait.ge [sflag:s11], $0x8000  }
0x15e: {  	[sflag:s11] =	ssyncset.done $0x0  }
0x15f: {  	s19 =	simm.s32 $0x40;
	s18 =	simm.s32 $0x8040;
	[sflag:s11] =	ssyncadd.s32 $0xFFFF8000  }
.LBB2_14:
0x160: {  	v4 =	vld [tilespmem:s18+$0xFFFFFFC0]  }
0x161: {  	s20 =	sor.u32 s9, s17  }
0x162: {  	v5 =	vld [tilespmem:s19+$0xFFFFFFC0];
	v3 =	vmov s20  }
0x163: {  	vm0 =	vlt.s32 v3, v2  }
0x164: {  	v3 =	vsel vm0, $0x3F800000, v1  }
0x165: {  	v4 =	vmul.f32 v4, v3;
	_ =	sdelay $0x1  }
0x166: {  	v4 =	vadd.f32 v4, v5;
	_ =	sdelay $0x1  }
0x167: {  	[tilespmem:s19+$0xFFFFFFC0] =	vst v4  }
0x168: {  	v4 =	vld [tilespmem:s18+$0xFFFFFFD0];
	_ =	sdelay $0x1  }
0x169: {  	v5 =	vld [tilespmem:s19+$0xFFFFFFD0];
	_ =	sdelay $0x2  }
0x16a: {  	v4 =	vmul.f32 v4, v3;
	_ =	sdelay $0x1  }
0x16b: {  	v4 =	vadd.f32 v4, v5;
	_ =	sdelay $0x1  }
0x16c: {  	[tilespmem:s19+$0xFFFFFFD0] =	vst v4  }
0x16d: {  	v4 =	vld [tilespmem:s18+$0xFFFFFFE0];
	_ =	sdelay $0x1  }
0x16e: {  	v5 =	vld [tilespmem:s19+$0xFFFFFFE0];
	_ =	sdelay $0x2  }
0x16f: {  	v4 =	vmul.f32 v4, v3;
	_ =	sdelay $0x1  }
0x170: {  	v4 =	vadd.f32 v4, v5;
	_ =	sdelay $0x1  }
0x171: {  	[tilespmem:s19+$0xFFFFFFE0] =	vst v4  }
0x172: {  	v4 =	vld [tilespmem:s18+$0xFFFFFFF0];
	_ =	sdelay $0x1  }
0x173: {  	v5 =	vld [tilespmem:s19+$0xFFFFFFF0];
	_ =	sdelay $0x2  }
0x174: {  	v4 =	vmul.f32 v4, v3;
	_ =	sdelay $0x1  }
0x175: {  	v4 =	vadd.f32 v4, v5;
	_ =	sdelay $0x1  }
0x176: {  	[tilespmem:s19+$0xFFFFFFF0] =	vst v4  }
0x177: {  	v4 =	vld [tilespmem:s18+$0x0];
	_ =	sdelay $0x1  }
0x178: {  	v5 =	vld [tilespmem:s19+$0x0];
	_ =	sdelay $0x2  }
0x179: {  	v4 =	vmul.f32 v4, v3;
	_ =	sdelay $0x1  }
0x17a: {  	v4 =	vadd.f32 v4, v5;
	_ =	sdelay $0x1  }
0x17b: {  	[tilespmem:s19+$0x0] =	vst v4  }
0x17c: {  	v4 =	vld [tilespmem:s18+$0x10];
	_ =	sdelay $0x1  }
0x17d: {  	v5 =	vld [tilespmem:s19+$0x10];
	_ =	sdelay $0x2  }
0x17e: {  	v4 =	vmul.f32 v4, v3;
	_ =	sdelay $0x1  }
0x17f: {  	v4 =	vadd.f32 v4, v5;
	_ =	sdelay $0x1  }
0x180: {  	[tilespmem:s19+$0x10] =	vst v4  }
0x181: {  	v4 =	vld [tilespmem:s18+$0x20];
	_ =	sdelay $0x1  }
0x182: {  	v5 =	vld [tilespmem:s19+$0x20];
	_ =	sdelay $0x2  }
0x183: {  	v4 =	vmul.f32 v4, v3;
	_ =	sdelay $0x1  }
0x184: {  	v4 =	vadd.f32 v4, v5;
	_ =	sdelay $0x1  }
0x185: {  	[tilespmem:s19+$0x20] =	vst v4  }
0x186: {  	v4 =	vld [tilespmem:s18+$0x30];
	_ =	sdelay $0x1  }
0x187: {  	v5 =	vld [tilespmem:s19+$0x30];
	_ =	sdelay $0x2  }
0x188: {  	v4 =	vmul.f32 v4, v3;
	_ =	sdelay $0x1  }
0x189: {  	v4 =	vadd.f32 v4, v5;
	_ =	sdelay $0x1  }
0x18a: {  	s21 =	sadd.s32 $0x80, s18;
	s22 =	smov.u32 s19;
	s20 =	simm.s32 $0x0;
	[tilespmem:s19+$0x30] =	vst v4  }
.LBB2_15:
0x18b: {  	v4 =	vld [tilespmem:s21+$0xFFFFFFC0];
	s20 =	sadd.s32 $0x8, s20  }
0x18c: {  	s22 =	sadd.s32 $0x80, s22;
	p0 =	slt.u32 s20, $0x38  }
0x18d: {  	v5 =	vld [tilespmem:s22+$0xFFFFFFC0];
	_ =	sdelay $0x2  }
0x18e: {  	v4 =	vmul.f32 v4, v3;
	_ =	sdelay $0x1  }
0x18f: {  	v4 =	vadd.f32 v4, v5;
	_ =	sdelay $0x1  }
0x190: {  	[tilespmem:s22+$0xFFFFFFC0] =	vst v4  }
0x191: {  	v4 =	vld [tilespmem:s21+$0xFFFFFFD0];
	_ =	sdelay $0x1  }
0x192: {  	v5 =	vld [tilespmem:s22+$0xFFFFFFD0];
	_ =	sdelay $0x2  }
0x193: {  	v4 =	vmul.f32 v4, v3;
	_ =	sdelay $0x1  }
0x194: {  	v4 =	vadd.f32 v4, v5;
	_ =	sdelay $0x1  }
0x195: {  	[tilespmem:s22+$0xFFFFFFD0] =	vst v4  }
0x196: {  	v4 =	vld [tilespmem:s21+$0xFFFFFFE0];
	_ =	sdelay $0x1  }
0x197: {  	v5 =	vld [tilespmem:s22+$0xFFFFFFE0];
	_ =	sdelay $0x2  }
0x198: {  	v4 =	vmul.f32 v4, v3;
	_ =	sdelay $0x1  }
0x199: {  	v4 =	vadd.f32 v4, v5;
	_ =	sdelay $0x1  }
0x19a: {  	[tilespmem:s22+$0xFFFFFFE0] =	vst v4  }
0x19b: {  	v4 =	vld [tilespmem:s21+$0xFFFFFFF0];
	_ =	sdelay $0x1  }
0x19c: {  	v5 =	vld [tilespmem:s22+$0xFFFFFFF0];
	_ =	sdelay $0x2  }
0x19d: {  	v4 =	vmul.f32 v4, v3;
	_ =	sdelay $0x1  }
0x19e: {  	v4 =	vadd.f32 v4, v5;
	_ =	sdelay $0x1  }
0x19f: {  	[tilespmem:s22+$0xFFFFFFF0] =	vst v4  }
0x1a0: {  	v4 =	vld [tilespmem:s21+$0x0];
	_ =	sdelay $0x1  }
0x1a1: {  	v5 =	vld [tilespmem:s22+$0x0];
	_ =	sdelay $0x2  }
0x1a2: {  	v4 =	vmul.f32 v4, v3;
	_ =	sdelay $0x1  }
0x1a3: {  	v4 =	vadd.f32 v4, v5;
	_ =	sdelay $0x1  }
0x1a4: {  	[tilespmem:s22+$0x0] =	vst v4  }
0x1a5: {  	v4 =	vld [tilespmem:s21+$0x10];
	_ =	sdelay $0x1  }
0x1a6: {  	v5 =	vld [tilespmem:s22+$0x10];
	_ =	sdelay $0x2  }
0x1a7: {  	v4 =	vmul.f32 v4, v3;
	_ =	sdelay $0x1  }
0x1a8: {  	v4 =	vadd.f32 v4, v5;
	_ =	sdelay $0x1  }
0x1a9: {  	[tilespmem:s22+$0x10] =	vst v4  }
0x1aa: {  	v4 =	vld [tilespmem:s21+$0x20];
	_ =	sdelay $0x1  }
0x1ab: {  	v5 =	vld [tilespmem:s22+$0x20];
	_ =	sdelay $0x2  }
0x1ac: {  	v4 =	vmul.f32 v4, v3;
	_ =	sdelay $0x1  }
0x1ad: {  	v4 =	vadd.f32 v4, v5;
	_ =	sdelay $0x1  }
0x1ae: {  	[tilespmem:s22+$0x20] =	vst v4  }
0x1af: {  	v4 =	vld [tilespmem:s21+$0x30];
	_ =	sdelay $0x1  }
0x1b0: {  	v5 =	vld [tilespmem:s22+$0x30];
	_ =	sdelay $0x2  }
.Ltmp6:
0x1b1: {  	v4 =	vmul.f32 v4, v3;
	(pc) =	sbr.rel @p0 .LBB2_15-.Ltmp6, $3  }
0x1b2: {  	_ = 	snop  }
0x1b3: {  	v4 =	vadd.f32 v4, v5;
	_ =	sdelay $0x1  }
0x1b4: {  	s21 =	sadd.s32 $0x80, s21;
	[tilespmem:s22+$0x30] =	vst v4  }
0x1b5: {  	s17 =	sadd.s32 $0x1, s17  }
0x1b6: {  	p0 =	sne.s32 s17, $0x20  }
.Ltmp7:
0x1b7: {  	_ = 	snop;
	(pc) =	sbr.rel @p0 .LBB2_14-.Ltmp7, $2  }
0x1b8: {  	_ =	sdelay $0x2  }
0x1b9: {  	s18 =	sadd.s32 $0x400, s18;
	s19 =	sadd.s32 $0x400, s19  }
0x1ba: {  	s17 =	simm.s32 $0x0  }
0x1bb: {  	[hbm4b:s23+s17] =	stream.linear.scatter [tilespmem:s17], [sflag:$0x1], $0x8000, $0x38;
	[tilespmem:$0x10080] =	vst v63  }
0x1bc: {  	_ =	swait.ge [sflag:s11], $0x8000  }
0x1bd: {  	[sflag:s11] =	ssyncset.done $0x0  }
0x1be: {  	[sflag:s11] =	ssyncadd.s32 $0xFFFF8000  }
0x1bf: {  	[tilespmem:s17], [sflag:$0x1] =	stream.linear.gather [hbm4b:s24+s17], $0x8000, $0x38;
	[tilespmem:$0x10080] =	vst v63  }
0x1c0: {  	_ =	swait.ge [sflag:s11], $0x8000  }
0x1c1: {  	[sflag:s11] =	ssyncset.done $0x0  }
0x1c2: {  	s18 =	rddreg [dreg:$0x9];
	[sflag:s11] =	ssyncadd.s32 $0xFFFF8000  }
0x1c3: {  	[tilespmem:s12], [sflag:$0x1] =	stream.linear.gather [hbm4b:s18+s17], $0x8000, $0x38;
	[tilespmem:$0x10080] =	vst v63  }
0x1c4: {  	_ =	swait.ge [sflag:s11], $0x8000  }
0x1c5: {  	[sflag:s11] =	ssyncset.done $0x0  }
0x1c6: {  	s19 =	simm.s32 $0x40;
	s18 =	simm.s32 $0x8040;
	[sflag:s11] =	ssyncadd.s32 $0xFFFF8000  }
.LBB2_18:
0x1c7: {  	v4 =	vld [tilespmem:s18+$0xFFFFFFC0]  }
0x1c8: {  	s20 =	sor.u32 s10, s17  }
0x1c9: {  	v5 =	vld [tilespmem:s19+$0xFFFFFFC0];
	v3 =	vmov s20  }
0x1ca: {  	vm0 =	vlt.s32 v3, v2  }
0x1cb: {  	v3 =	vsel vm0, $0x3F800000, v1  }
0x1cc: {  	v4 =	vmul.f32 v4, v3;
	_ =	sdelay $0x1  }
0x1cd: {  	v4 =	vadd.f32 v4, v5;
	_ =	sdelay $0x1  }
0x1ce: {  	[tilespmem:s19+$0xFFFFFFC0] =	vst v4  }
0x1cf: {  	v4 =	vld [tilespmem:s18+$0xFFFFFFD0];
	_ =	sdelay $0x1  }
0x1d0: {  	v5 =	vld [tilespmem:s19+$0xFFFFFFD0];
	_ =	sdelay $0x2  }
0x1d1: {  	v4 =	vmul.f32 v4, v3;
	_ =	sdelay $0x1  }
0x1d2: {  	v4 =	vadd.f32 v4, v5;
	_ =	sdelay $0x1  }
0x1d3: {  	[tilespmem:s19+$0xFFFFFFD0] =	vst v4  }
0x1d4: {  	v4 =	vld [tilespmem:s18+$0xFFFFFFE0];
	_ =	sdelay $0x1  }
0x1d5: {  	v5 =	vld [tilespmem:s19+$0xFFFFFFE0];
	_ =	sdelay $0x2  }
0x1d6: {  	v4 =	vmul.f32 v4, v3;
	_ =	sdelay $0x1  }
0x1d7: {  	v4 =	vadd.f32 v4, v5;
	_ =	sdelay $0x1  }
0x1d8: {  	[tilespmem:s19+$0xFFFFFFE0] =	vst v4  }
0x1d9: {  	v4 =	vld [tilespmem:s18+$0xFFFFFFF0];
	_ =	sdelay $0x1  }
0x1da: {  	v5 =	vld [tilespmem:s19+$0xFFFFFFF0];
	_ =	sdelay $0x2  }
0x1db: {  	v4 =	vmul.f32 v4, v3;
	_ =	sdelay $0x1  }
0x1dc: {  	v4 =	vadd.f32 v4, v5;
	_ =	sdelay $0x1  }
0x1dd: {  	[tilespmem:s19+$0xFFFFFFF0] =	vst v4  }
0x1de: {  	v4 =	vld [tilespmem:s18+$0x0];
	_ =	sdelay $0x1  }
0x1df: {  	v5 =	vld [tilespmem:s19+$0x0];
	_ =	sdelay $0x2  }
0x1e0: {  	v4 =	vmul.f32 v4, v3;
	_ =	sdelay $0x1  }
0x1e1: {  	v4 =	vadd.f32 v4, v5;
	_ =	sdelay $0x1  }
0x1e2: {  	[tilespmem:s19+$0x0] =	vst v4  }
0x1e3: {  	v4 =	vld [tilespmem:s18+$0x10];
	_ =	sdelay $0x1  }
0x1e4: {  	v5 =	vld [tilespmem:s19+$0x10];
	_ =	sdelay $0x2  }
0x1e5: {  	v4 =	vmul.f32 v4, v3;
	_ =	sdelay $0x1  }
0x1e6: {  	v4 =	vadd.f32 v4, v5;
	_ =	sdelay $0x1  }
0x1e7: {  	[tilespmem:s19+$0x10] =	vst v4  }
0x1e8: {  	v4 =	vld [tilespmem:s18+$0x20];
	_ =	sdelay $0x1  }
0x1e9: {  	v5 =	vld [tilespmem:s19+$0x20];
	_ =	sdelay $0x2  }
0x1ea: {  	v4 =	vmul.f32 v4, v3;
	_ =	sdelay $0x1  }
0x1eb: {  	v4 =	vadd.f32 v4, v5;
	_ =	sdelay $0x1  }
0x1ec: {  	[tilespmem:s19+$0x20] =	vst v4  }
0x1ed: {  	v4 =	vld [tilespmem:s18+$0x30];
	_ =	sdelay $0x1  }
0x1ee: {  	v5 =	vld [tilespmem:s19+$0x30];
	_ =	sdelay $0x2  }
0x1ef: {  	v4 =	vmul.f32 v4, v3;
	_ =	sdelay $0x1  }
0x1f0: {  	v4 =	vadd.f32 v4, v5;
	_ =	sdelay $0x1  }
0x1f1: {  	s21 =	sadd.s32 $0x80, s18;
	s22 =	smov.u32 s19;
	s20 =	simm.s32 $0x0;
	[tilespmem:s19+$0x30] =	vst v4  }
.LBB2_19:
0x1f2: {  	v4 =	vld [tilespmem:s21+$0xFFFFFFC0];
	s20 =	sadd.s32 $0x8, s20  }
0x1f3: {  	s22 =	sadd.s32 $0x80, s22;
	p0 =	slt.u32 s20, $0x38  }
0x1f4: {  	v5 =	vld [tilespmem:s22+$0xFFFFFFC0];
	_ =	sdelay $0x2  }
0x1f5: {  	v4 =	vmul.f32 v4, v3;
	_ =	sdelay $0x1  }
0x1f6: {  	v4 =	vadd.f32 v4, v5;
	_ =	sdelay $0x1  }
0x1f7: {  	[tilespmem:s22+$0xFFFFFFC0] =	vst v4  }
0x1f8: {  	v4 =	vld [tilespmem:s21+$0xFFFFFFD0];
	_ =	sdelay $0x1  }
0x1f9: {  	v5 =	vld [tilespmem:s22+$0xFFFFFFD0];
	_ =	sdelay $0x2  }
0x1fa: {  	v4 =	vmul.f32 v4, v3;
	_ =	sdelay $0x1  }
0x1fb: {  	v4 =	vadd.f32 v4, v5;
	_ =	sdelay $0x1  }
0x1fc: {  	[tilespmem:s22+$0xFFFFFFD0] =	vst v4  }
0x1fd: {  	v4 =	vld [tilespmem:s21+$0xFFFFFFE0];
	_ =	sdelay $0x1  }
0x1fe: {  	v5 =	vld [tilespmem:s22+$0xFFFFFFE0];
	_ =	sdelay $0x2  }
0x1ff: {  	v4 =	vmul.f32 v4, v3;
	_ =	sdelay $0x1  }
0x200: {  	v4 =	vadd.f32 v4, v5;
	_ =	sdelay $0x1  }
0x201: {  	[tilespmem:s22+$0xFFFFFFE0] =	vst v4  }
0x202: {  	v4 =	vld [tilespmem:s21+$0xFFFFFFF0];
	_ =	sdelay $0x1  }
0x203: {  	v5 =	vld [tilespmem:s22+$0xFFFFFFF0];
	_ =	sdelay $0x2  }
0x204: {  	v4 =	vmul.f32 v4, v3;
	_ =	sdelay $0x1  }
0x205: {  	v4 =	vadd.f32 v4, v5;
	_ =	sdelay $0x1  }
0x206: {  	[tilespmem:s22+$0xFFFFFFF0] =	vst v4  }
0x207: {  	v4 =	vld [tilespmem:s21+$0x0];
	_ =	sdelay $0x1  }
0x208: {  	v5 =	vld [tilespmem:s22+$0x0];
	_ =	sdelay $0x2  }
0x209: {  	v4 =	vmul.f32 v4, v3;
	_ =	sdelay $0x1  }
0x20a: {  	v4 =	vadd.f32 v4, v5;
	_ =	sdelay $0x1  }
0x20b: {  	[tilespmem:s22+$0x0] =	vst v4  }
0x20c: {  	v4 =	vld [tilespmem:s21+$0x10];
	_ =	sdelay $0x1  }
0x20d: {  	v5 =	vld [tilespmem:s22+$0x10];
	_ =	sdelay $0x2  }
0x20e: {  	v4 =	vmul.f32 v4, v3;
	_ =	sdelay $0x1  }
0x20f: {  	v4 =	vadd.f32 v4, v5;
	_ =	sdelay $0x1  }
0x210: {  	[tilespmem:s22+$0x10] =	vst v4  }
0x211: {  	v4 =	vld [tilespmem:s21+$0x20];
	_ =	sdelay $0x1  }
0x212: {  	v5 =	vld [tilespmem:s22+$0x20];
	_ =	sdelay $0x2  }
0x213: {  	v4 =	vmul.f32 v4, v3;
	_ =	sdelay $0x1  }
0x214: {  	v4 =	vadd.f32 v4, v5;
	_ =	sdelay $0x1  }
0x215: {  	[tilespmem:s22+$0x20] =	vst v4  }
0x216: {  	v4 =	vld [tilespmem:s21+$0x30];
	_ =	sdelay $0x1  }
0x217: {  	v5 =	vld [tilespmem:s22+$0x30];
	_ =	sdelay $0x2  }
.Ltmp8:
0x218: {  	v4 =	vmul.f32 v4, v3;
	(pc) =	sbr.rel @p0 .LBB2_19-.Ltmp8, $3  }
0x219: {  	_ = 	snop  }
0x21a: {  	v4 =	vadd.f32 v4, v5;
	_ =	sdelay $0x1  }
0x21b: {  	s21 =	sadd.s32 $0x80, s21;
	[tilespmem:s22+$0x30] =	vst v4  }
0x21c: {  	s17 =	sadd.s32 $0x1, s17  }
0x21d: {  	p0 =	sne.s32 s17, $0x20  }
.Ltmp9:
0x21e: {  	_ = 	snop;
	(pc) =	sbr.rel @p0 .LBB2_18-.Ltmp9, $2  }
0x21f: {  	_ =	sdelay $0x2  }
0x220: {  	s18 =	sadd.s32 $0x400, s18;
	s19 =	sadd.s32 $0x400, s19  }
0x221: {  	s17 =	simm.s32 $0x0  }
0x222: {  	[hbm4b:s25+s17] =	stream.linear.scatter [tilespmem:s17], [sflag:$0x1], $0x8000, $0x38;
	[tilespmem:$0x10080] =	vst v63  }
0x223: {  	_ =	swait.ge [sflag:s11], $0x8000  }
0x224: {  	[sflag:s11] =	ssyncset.done $0x0  }
0x225: {  	[sflag:s11] =	ssyncadd.s32 $0xFFFF8000  }
0x226: {  	[tilespmem:s17], [sflag:$0x1] =	stream.linear.gather [hbm4b:s26+s17], $0x8000, $0x38;
	[tilespmem:$0x10080] =	vst v63  }
0x227: {  	_ =	swait.ge [sflag:s11], $0x8000  }
0x228: {  	[sflag:s11] =	ssyncset.done $0x0  }
0x229: {  	s18 =	rddreg [dreg:$0xa];
	[sflag:s11] =	ssyncadd.s32 $0xFFFF8000  }
0x22a: {  	[tilespmem:s12], [sflag:$0x1] =	stream.linear.gather [hbm4b:s18+s17], $0x8000, $0x38;
	[tilespmem:$0x10080] =	vst v63  }
0x22b: {  	_ =	swait.ge [sflag:s11], $0x8000  }
0x22c: {  	[sflag:s11] =	ssyncset.done $0x0  }
0x22d: {  	s19 =	simm.s32 $0x40;
	s18 =	simm.s32 $0x8040;
	[sflag:s11] =	ssyncadd.s32 $0xFFFF8000  }
.LBB2_22:
0x22e: {  	v4 =	vld [tilespmem:s18+$0xFFFFFFC0]  }
0x22f: {  	s20 =	sor.u32 s14, s17  }
0x230: {  	v5 =	vld [tilespmem:s19+$0xFFFFFFC0];
	v3 =	vmov s20  }
0x231: {  	vm0 =	vlt.s32 v3, v2  }
0x232: {  	v3 =	vsel vm0, $0x3F800000, v1  }
0x233: {  	v4 =	vmul.f32 v4, v3;
	_ =	sdelay $0x1  }
0x234: {  	v4 =	vadd.f32 v4, v5;
	_ =	sdelay $0x1  }
0x235: {  	[tilespmem:s19+$0xFFFFFFC0] =	vst v4  }
0x236: {  	v4 =	vld [tilespmem:s18+$0xFFFFFFD0];
	_ =	sdelay $0x1  }
0x237: {  	v5 =	vld [tilespmem:s19+$0xFFFFFFD0];
	_ =	sdelay $0x2  }
0x238: {  	v4 =	vmul.f32 v4, v3;
	_ =	sdelay $0x1  }
0x239: {  	v4 =	vadd.f32 v4, v5;
	_ =	sdelay $0x1  }
0x23a: {  	[tilespmem:s19+$0xFFFFFFD0] =	vst v4  }
0x23b: {  	v4 =	vld [tilespmem:s18+$0xFFFFFFE0];
	_ =	sdelay $0x1  }
0x23c: {  	v5 =	vld [tilespmem:s19+$0xFFFFFFE0];
	_ =	sdelay $0x2  }
0x23d: {  	v4 =	vmul.f32 v4, v3;
	_ =	sdelay $0x1  }
0x23e: {  	v4 =	vadd.f32 v4, v5;
	_ =	sdelay $0x1  }
0x23f: {  	[tilespmem:s19+$0xFFFFFFE0] =	vst v4  }
0x240: {  	v4 =	vld [tilespmem:s18+$0xFFFFFFF0];
	_ =	sdelay $0x1  }
0x241: {  	v5 =	vld [tilespmem:s19+$0xFFFFFFF0];
	_ =	sdelay $0x2  }
0x242: {  	v4 =	vmul.f32 v4, v3;
	_ =	sdelay $0x1  }
0x243: {  	v4 =	vadd.f32 v4, v5;
	_ =	sdelay $0x1  }
0x244: {  	[tilespmem:s19+$0xFFFFFFF0] =	vst v4  }
0x245: {  	v4 =	vld [tilespmem:s18+$0x0];
	_ =	sdelay $0x1  }
0x246: {  	v5 =	vld [tilespmem:s19+$0x0];
	_ =	sdelay $0x2  }
0x247: {  	v4 =	vmul.f32 v4, v3;
	_ =	sdelay $0x1  }
0x248: {  	v4 =	vadd.f32 v4, v5;
	_ =	sdelay $0x1  }
0x249: {  	[tilespmem:s19+$0x0] =	vst v4  }
0x24a: {  	v4 =	vld [tilespmem:s18+$0x10];
	_ =	sdelay $0x1  }
0x24b: {  	v5 =	vld [tilespmem:s19+$0x10];
	_ =	sdelay $0x2  }
0x24c: {  	v4 =	vmul.f32 v4, v3;
	_ =	sdelay $0x1  }
0x24d: {  	v4 =	vadd.f32 v4, v5;
	_ =	sdelay $0x1  }
0x24e: {  	[tilespmem:s19+$0x10] =	vst v4  }
0x24f: {  	v4 =	vld [tilespmem:s18+$0x20];
	_ =	sdelay $0x1  }
0x250: {  	v5 =	vld [tilespmem:s19+$0x20];
	_ =	sdelay $0x2  }
0x251: {  	v4 =	vmul.f32 v4, v3;
	_ =	sdelay $0x1  }
0x252: {  	v4 =	vadd.f32 v4, v5;
	_ =	sdelay $0x1  }
0x253: {  	[tilespmem:s19+$0x20] =	vst v4  }
0x254: {  	v4 =	vld [tilespmem:s18+$0x30];
	_ =	sdelay $0x1  }
0x255: {  	v5 =	vld [tilespmem:s19+$0x30];
	_ =	sdelay $0x2  }
0x256: {  	v4 =	vmul.f32 v4, v3;
	_ =	sdelay $0x1  }
0x257: {  	v4 =	vadd.f32 v4, v5;
	_ =	sdelay $0x1  }
0x258: {  	s21 =	sadd.s32 $0x80, s18;
	s22 =	smov.u32 s19;
	s20 =	simm.s32 $0x0;
	[tilespmem:s19+$0x30] =	vst v4  }
.LBB2_23:
0x259: {  	v4 =	vld [tilespmem:s21+$0xFFFFFFC0];
	s20 =	sadd.s32 $0x8, s20  }
0x25a: {  	s22 =	sadd.s32 $0x80, s22;
	p0 =	slt.u32 s20, $0x38  }
0x25b: {  	v5 =	vld [tilespmem:s22+$0xFFFFFFC0];
	_ =	sdelay $0x2  }
0x25c: {  	v4 =	vmul.f32 v4, v3;
	_ =	sdelay $0x1  }
0x25d: {  	v4 =	vadd.f32 v4, v5;
	_ =	sdelay $0x1  }
0x25e: {  	[tilespmem:s22+$0xFFFFFFC0] =	vst v4  }
0x25f: {  	v4 =	vld [tilespmem:s21+$0xFFFFFFD0];
	_ =	sdelay $0x1  }
0x260: {  	v5 =	vld [tilespmem:s22+$0xFFFFFFD0];
	_ =	sdelay $0x2  }
0x261: {  	v4 =	vmul.f32 v4, v3;
	_ =	sdelay $0x1  }
0x262: {  	v4 =	vadd.f32 v4, v5;
	_ =	sdelay $0x1  }
0x263: {  	[tilespmem:s22+$0xFFFFFFD0] =	vst v4  }
0x264: {  	v4 =	vld [tilespmem:s21+$0xFFFFFFE0];
	_ =	sdelay $0x1  }
0x265: {  	v5 =	vld [tilespmem:s22+$0xFFFFFFE0];
	_ =	sdelay $0x2  }
0x266: {  	v4 =	vmul.f32 v4, v3;
	_ =	sdelay $0x1  }
0x267: {  	v4 =	vadd.f32 v4, v5;
	_ =	sdelay $0x1  }
0x268: {  	[tilespmem:s22+$0xFFFFFFE0] =	vst v4  }
0x269: {  	v4 =	vld [tilespmem:s21+$0xFFFFFFF0];
	_ =	sdelay $0x1  }
0x26a: {  	v5 =	vld [tilespmem:s22+$0xFFFFFFF0];
	_ =	sdelay $0x2  }
0x26b: {  	v4 =	vmul.f32 v4, v3;
	_ =	sdelay $0x1  }
0x26c: {  	v4 =	vadd.f32 v4, v5;
	_ =	sdelay $0x1  }
0x26d: {  	[tilespmem:s22+$0xFFFFFFF0] =	vst v4  }
0x26e: {  	v4 =	vld [tilespmem:s21+$0x0];
	_ =	sdelay $0x1  }
0x26f: {  	v5 =	vld [tilespmem:s22+$0x0];
	_ =	sdelay $0x2  }
0x270: {  	v4 =	vmul.f32 v4, v3;
	_ =	sdelay $0x1  }
0x271: {  	v4 =	vadd.f32 v4, v5;
	_ =	sdelay $0x1  }
0x272: {  	[tilespmem:s22+$0x0] =	vst v4  }
0x273: {  	v4 =	vld [tilespmem:s21+$0x10];
	_ =	sdelay $0x1  }
0x274: {  	v5 =	vld [tilespmem:s22+$0x10];
	_ =	sdelay $0x2  }
0x275: {  	v4 =	vmul.f32 v4, v3;
	_ =	sdelay $0x1  }
0x276: {  	v4 =	vadd.f32 v4, v5;
	_ =	sdelay $0x1  }
0x277: {  	[tilespmem:s22+$0x10] =	vst v4  }
0x278: {  	v4 =	vld [tilespmem:s21+$0x20];
	_ =	sdelay $0x1  }
0x279: {  	v5 =	vld [tilespmem:s22+$0x20];
	_ =	sdelay $0x2  }
0x27a: {  	v4 =	vmul.f32 v4, v3;
	_ =	sdelay $0x1  }
0x27b: {  	v4 =	vadd.f32 v4, v5;
	_ =	sdelay $0x1  }
0x27c: {  	[tilespmem:s22+$0x20] =	vst v4  }
0x27d: {  	v4 =	vld [tilespmem:s21+$0x30];
	_ =	sdelay $0x1  }
0x27e: {  	v5 =	vld [tilespmem:s22+$0x30];
	_ =	sdelay $0x2  }
.Ltmp10:
0x27f: {  	v4 =	vmul.f32 v4, v3;
	(pc) =	sbr.rel @p0 .LBB2_23-.Ltmp10, $3  }
0x280: {  	_ = 	snop  }
0x281: {  	v4 =	vadd.f32 v4, v5;
	_ =	sdelay $0x1  }
0x282: {  	s21 =	sadd.s32 $0x80, s21;
	[tilespmem:s22+$0x30] =	vst v4  }
0x283: {  	s17 =	sadd.s32 $0x1, s17  }
0x284: {  	p0 =	sne.s32 s17, $0x20  }
.Ltmp11:
0x285: {  	_ = 	snop;
	(pc) =	sbr.rel @p0 .LBB2_22-.Ltmp11, $2  }
0x286: {  	_ =	sdelay $0x2  }
0x287: {  	s18 =	sadd.s32 $0x400, s18;
	s19 =	sadd.s32 $0x400, s19  }
0x288: {  	s17 =	simm.s32 $0x0  }
0x289: {  	[hbm4b:s28+s17] =	stream.linear.scatter [tilespmem:s17], [sflag:$0x1], $0x8000, $0x38;
	[tilespmem:$0x10080] =	vst v63  }
0x28a: {  	_ =	swait.ge [sflag:s11], $0x8000  }
0x28b: {  	[sflag:s11] =	ssyncset.done $0x0  }
0x28c: {  	[sflag:s11] =	ssyncadd.s32 $0xFFFF8000  }
0x28d: {  	[tilespmem:s17], [sflag:$0x1] =	stream.linear.gather [hbm4b:s30+s17], $0x8000, $0x38;
	[tilespmem:$0x10080] =	vst v63  }
0x28e: {  	_ =	swait.ge [sflag:s11], $0x8000  }
0x28f: {  	[sflag:s11] =	ssyncset.done $0x0  }
0x290: {  	s18 =	rddreg [dreg:$0xb];
	[sflag:s11] =	ssyncadd.s32 $0xFFFF8000  }
0x291: {  	[tilespmem:s12], [sflag:$0x1] =	stream.linear.gather [hbm4b:s18+s17], $0x8000, $0x38;
	[tilespmem:$0x10080] =	vst v63  }
0x292: {  	_ =	swait.ge [sflag:s11], $0x8000  }
0x293: {  	[sflag:s11] =	ssyncset.done $0x0  }
0x294: {  	s19 =	simm.s32 $0x40;
	s18 =	simm.s32 $0x8040;
	[sflag:s11] =	ssyncadd.s32 $0xFFFF8000  }
.LBB2_26:
0x295: {  	v4 =	vld [tilespmem:s18+$0xFFFFFFC0]  }
0x296: {  	s20 =	sor.u32 s15, s17  }
0x297: {  	v5 =	vld [tilespmem:s19+$0xFFFFFFC0];
	v3 =	vmov s20  }
0x298: {  	vm0 =	vlt.s32 v3, v2  }
0x299: {  	v3 =	vsel vm0, $0x3F800000, v1  }
0x29a: {  	v4 =	vmul.f32 v4, v3;
	_ =	sdelay $0x1  }
0x29b: {  	v4 =	vadd.f32 v4, v5;
	_ =	sdelay $0x1  }
0x29c: {  	[tilespmem:s19+$0xFFFFFFC0] =	vst v4  }
0x29d: {  	v4 =	vld [tilespmem:s18+$0xFFFFFFD0];
	_ =	sdelay $0x1  }
0x29e: {  	v5 =	vld [tilespmem:s19+$0xFFFFFFD0];
	_ =	sdelay $0x2  }
0x29f: {  	v4 =	vmul.f32 v4, v3;
	_ =	sdelay $0x1  }
0x2a0: {  	v4 =	vadd.f32 v4, v5;
	_ =	sdelay $0x1  }
0x2a1: {  	[tilespmem:s19+$0xFFFFFFD0] =	vst v4  }
0x2a2: {  	v4 =	vld [tilespmem:s18+$0xFFFFFFE0];
	_ =	sdelay $0x1  }
0x2a3: {  	v5 =	vld [tilespmem:s19+$0xFFFFFFE0];
	_ =	sdelay $0x2  }
0x2a4: {  	v4 =	vmul.f32 v4, v3;
	_ =	sdelay $0x1  }
0x2a5: {  	v4 =	vadd.f32 v4, v5;
	_ =	sdelay $0x1  }
0x2a6: {  	[tilespmem:s19+$0xFFFFFFE0] =	vst v4  }
0x2a7: {  	v4 =	vld [tilespmem:s18+$0xFFFFFFF0];
	_ =	sdelay $0x1  }
0x2a8: {  	v5 =	vld [tilespmem:s19+$0xFFFFFFF0];
	_ =	sdelay $0x2  }
0x2a9: {  	v4 =	vmul.f32 v4, v3;
	_ =	sdelay $0x1  }
0x2aa: {  	v4 =	vadd.f32 v4, v5;
	_ =	sdelay $0x1  }
0x2ab: {  	[tilespmem:s19+$0xFFFFFFF0] =	vst v4  }
0x2ac: {  	v4 =	vld [tilespmem:s18+$0x0];
	_ =	sdelay $0x1  }
0x2ad: {  	v5 =	vld [tilespmem:s19+$0x0];
	_ =	sdelay $0x2  }
0x2ae: {  	v4 =	vmul.f32 v4, v3;
	_ =	sdelay $0x1  }
0x2af: {  	v4 =	vadd.f32 v4, v5;
	_ =	sdelay $0x1  }
0x2b0: {  	[tilespmem:s19+$0x0] =	vst v4  }
0x2b1: {  	v4 =	vld [tilespmem:s18+$0x10];
	_ =	sdelay $0x1  }
0x2b2: {  	v5 =	vld [tilespmem:s19+$0x10];
	_ =	sdelay $0x2  }
0x2b3: {  	v4 =	vmul.f32 v4, v3;
	_ =	sdelay $0x1  }
0x2b4: {  	v4 =	vadd.f32 v4, v5;
	_ =	sdelay $0x1  }
0x2b5: {  	[tilespmem:s19+$0x10] =	vst v4  }
0x2b6: {  	v4 =	vld [tilespmem:s18+$0x20];
	_ =	sdelay $0x1  }
0x2b7: {  	v5 =	vld [tilespmem:s19+$0x20];
	_ =	sdelay $0x2  }
0x2b8: {  	v4 =	vmul.f32 v4, v3;
	_ =	sdelay $0x1  }
0x2b9: {  	v4 =	vadd.f32 v4, v5;
	_ =	sdelay $0x1  }
0x2ba: {  	[tilespmem:s19+$0x20] =	vst v4  }
0x2bb: {  	v4 =	vld [tilespmem:s18+$0x30];
	_ =	sdelay $0x1  }
0x2bc: {  	v5 =	vld [tilespmem:s19+$0x30];
	_ =	sdelay $0x2  }
0x2bd: {  	v4 =	vmul.f32 v4, v3;
	_ =	sdelay $0x1  }
0x2be: {  	v4 =	vadd.f32 v4, v5;
	_ =	sdelay $0x1  }
0x2bf: {  	s21 =	sadd.s32 $0x80, s18;
	s22 =	smov.u32 s19;
	s20 =	simm.s32 $0x0;
	[tilespmem:s19+$0x30] =	vst v4  }
.LBB2_27:
0x2c0: {  	v4 =	vld [tilespmem:s21+$0xFFFFFFC0];
	s20 =	sadd.s32 $0x8, s20  }
0x2c1: {  	s22 =	sadd.s32 $0x80, s22;
	p0 =	slt.u32 s20, $0x38  }
0x2c2: {  	v5 =	vld [tilespmem:s22+$0xFFFFFFC0];
	_ =	sdelay $0x2  }
0x2c3: {  	v4 =	vmul.f32 v4, v3;
	_ =	sdelay $0x1  }
0x2c4: {  	v4 =	vadd.f32 v4, v5;
	_ =	sdelay $0x1  }
0x2c5: {  	[tilespmem:s22+$0xFFFFFFC0] =	vst v4  }
0x2c6: {  	v4 =	vld [tilespmem:s21+$0xFFFFFFD0];
	_ =	sdelay $0x1  }
0x2c7: {  	v5 =	vld [tilespmem:s22+$0xFFFFFFD0];
	_ =	sdelay $0x2  }
0x2c8: {  	v4 =	vmul.f32 v4, v3;
	_ =	sdelay $0x1  }
0x2c9: {  	v4 =	vadd.f32 v4, v5;
	_ =	sdelay $0x1  }
0x2ca: {  	[tilespmem:s22+$0xFFFFFFD0] =	vst v4  }
0x2cb: {  	v4 =	vld [tilespmem:s21+$0xFFFFFFE0];
	_ =	sdelay $0x1  }
0x2cc: {  	v5 =	vld [tilespmem:s22+$0xFFFFFFE0];
	_ =	sdelay $0x2  }
0x2cd: {  	v4 =	vmul.f32 v4, v3;
	_ =	sdelay $0x1  }
0x2ce: {  	v4 =	vadd.f32 v4, v5;
	_ =	sdelay $0x1  }
0x2cf: {  	[tilespmem:s22+$0xFFFFFFE0] =	vst v4  }
0x2d0: {  	v4 =	vld [tilespmem:s21+$0xFFFFFFF0];
	_ =	sdelay $0x1  }
0x2d1: {  	v5 =	vld [tilespmem:s22+$0xFFFFFFF0];
	_ =	sdelay $0x2  }
0x2d2: {  	v4 =	vmul.f32 v4, v3;
	_ =	sdelay $0x1  }
0x2d3: {  	v4 =	vadd.f32 v4, v5;
	_ =	sdelay $0x1  }
0x2d4: {  	[tilespmem:s22+$0xFFFFFFF0] =	vst v4  }
0x2d5: {  	v4 =	vld [tilespmem:s21+$0x0];
	_ =	sdelay $0x1  }
0x2d6: {  	v5 =	vld [tilespmem:s22+$0x0];
	_ =	sdelay $0x2  }
0x2d7: {  	v4 =	vmul.f32 v4, v3;
	_ =	sdelay $0x1  }
0x2d8: {  	v4 =	vadd.f32 v4, v5;
	_ =	sdelay $0x1  }
0x2d9: {  	[tilespmem:s22+$0x0] =	vst v4  }
0x2da: {  	v4 =	vld [tilespmem:s21+$0x10];
	_ =	sdelay $0x1  }
0x2db: {  	v5 =	vld [tilespmem:s22+$0x10];
	_ =	sdelay $0x2  }
0x2dc: {  	v4 =	vmul.f32 v4, v3;
	_ =	sdelay $0x1  }
0x2dd: {  	v4 =	vadd.f32 v4, v5;
	_ =	sdelay $0x1  }
0x2de: {  	[tilespmem:s22+$0x10] =	vst v4  }
0x2df: {  	v4 =	vld [tilespmem:s21+$0x20];
	_ =	sdelay $0x1  }
0x2e0: {  	v5 =	vld [tilespmem:s22+$0x20];
	_ =	sdelay $0x2  }
0x2e1: {  	v4 =	vmul.f32 v4, v3;
	_ =	sdelay $0x1  }
0x2e2: {  	v4 =	vadd.f32 v4, v5;
	_ =	sdelay $0x1  }
0x2e3: {  	[tilespmem:s22+$0x20] =	vst v4  }
0x2e4: {  	v4 =	vld [tilespmem:s21+$0x30];
	_ =	sdelay $0x1  }
0x2e5: {  	v5 =	vld [tilespmem:s22+$0x30];
	_ =	sdelay $0x2  }
.Ltmp12:
0x2e6: {  	v4 =	vmul.f32 v4, v3;
	(pc) =	sbr.rel @p0 .LBB2_27-.Ltmp12, $3  }
0x2e7: {  	_ = 	snop  }
0x2e8: {  	v4 =	vadd.f32 v4, v5;
	_ =	sdelay $0x1  }
0x2e9: {  	s21 =	sadd.s32 $0x80, s21;
	[tilespmem:s22+$0x30] =	vst v4  }
0x2ea: {  	s17 =	sadd.s32 $0x1, s17  }
0x2eb: {  	p0 =	sne.s32 s17, $0x20  }
.Ltmp13:
0x2ec: {  	_ = 	snop;
	(pc) =	sbr.rel @p0 .LBB2_26-.Ltmp13, $2  }
0x2ed: {  	_ =	sdelay $0x2  }
0x2ee: {  	s18 =	sadd.s32 $0x400, s18;
	s19 =	sadd.s32 $0x400, s19  }
0x2ef: {  	s17 =	simm.s32 $0x0  }
0x2f0: {  	[hbm4b:s0+s17] =	stream.linear.scatter [tilespmem:s17], [sflag:$0x1], $0x8000, $0x38;
	[tilespmem:$0x10080] =	vst v63  }
0x2f1: {  	_ =	swait.ge [sflag:s11], $0x8000  }
0x2f2: {  	[sflag:s11] =	ssyncset.done $0x0  }
0x2f3: {  	[sflag:s11] =	ssyncadd.s32 $0xFFFF8000  }
0x2f4: {  	[tilespmem:s17], [sflag:$0x1] =	stream.linear.gather [hbm4b:s4+s17], $0x8000, $0x38;
	[tilespmem:$0x10080] =	vst v63  }
0x2f5: {  	_ =	swait.ge [sflag:s11], $0x8000  }
0x2f6: {  	[sflag:s11] =	ssyncset.done $0x0  }
0x2f7: {  	s18 =	rddreg [dreg:$0xc];
	[sflag:s11] =	ssyncadd.s32 $0xFFFF8000  }
0x2f8: {  	[tilespmem:s12], [sflag:$0x1] =	stream.linear.gather [hbm4b:s18+s17], $0x8000, $0x38;
	[tilespmem:$0x10080] =	vst v63  }
0x2f9: {  	_ =	swait.ge [sflag:s11], $0x8000  }
0x2fa: {  	[sflag:s11] =	ssyncset.done $0x0  }
0x2fb: {  	s19 =	simm.s32 $0x40;
	s18 =	simm.s32 $0x8040;
	[sflag:s11] =	ssyncadd.s32 $0xFFFF8000  }
.LBB2_30:
0x2fc: {  	v4 =	vld [tilespmem:s18+$0xFFFFFFC0]  }
0x2fd: {  	s20 =	sor.u32 s16, s17  }
0x2fe: {  	v5 =	vld [tilespmem:s19+$0xFFFFFFC0];
	v3 =	vmov s20  }
0x2ff: {  	vm0 =	vlt.s32 v3, v2  }
0x300: {  	v3 =	vsel vm0, $0x3F800000, v1  }
0x301: {  	v4 =	vmul.f32 v4, v3;
	_ =	sdelay $0x1  }
0x302: {  	v4 =	vadd.f32 v4, v5;
	_ =	sdelay $0x1  }
0x303: {  	[tilespmem:s19+$0xFFFFFFC0] =	vst v4  }
0x304: {  	v4 =	vld [tilespmem:s18+$0xFFFFFFD0];
	_ =	sdelay $0x1  }
0x305: {  	v5 =	vld [tilespmem:s19+$0xFFFFFFD0];
	_ =	sdelay $0x2  }
0x306: {  	v4 =	vmul.f32 v4, v3;
	_ =	sdelay $0x1  }
0x307: {  	v4 =	vadd.f32 v4, v5;
	_ =	sdelay $0x1  }
0x308: {  	[tilespmem:s19+$0xFFFFFFD0] =	vst v4  }
0x309: {  	v4 =	vld [tilespmem:s18+$0xFFFFFFE0];
	_ =	sdelay $0x1  }
0x30a: {  	v5 =	vld [tilespmem:s19+$0xFFFFFFE0];
	_ =	sdelay $0x2  }
0x30b: {  	v4 =	vmul.f32 v4, v3;
	_ =	sdelay $0x1  }
0x30c: {  	v4 =	vadd.f32 v4, v5;
	_ =	sdelay $0x1  }
0x30d: {  	[tilespmem:s19+$0xFFFFFFE0] =	vst v4  }
0x30e: {  	v4 =	vld [tilespmem:s18+$0xFFFFFFF0];
	_ =	sdelay $0x1  }
0x30f: {  	v5 =	vld [tilespmem:s19+$0xFFFFFFF0];
	_ =	sdelay $0x2  }
0x310: {  	v4 =	vmul.f32 v4, v3;
	_ =	sdelay $0x1  }
0x311: {  	v4 =	vadd.f32 v4, v5;
	_ =	sdelay $0x1  }
0x312: {  	[tilespmem:s19+$0xFFFFFFF0] =	vst v4  }
0x313: {  	v4 =	vld [tilespmem:s18+$0x0];
	_ =	sdelay $0x1  }
0x314: {  	v5 =	vld [tilespmem:s19+$0x0];
	_ =	sdelay $0x2  }
0x315: {  	v4 =	vmul.f32 v4, v3;
	_ =	sdelay $0x1  }
0x316: {  	v4 =	vadd.f32 v4, v5;
	_ =	sdelay $0x1  }
0x317: {  	[tilespmem:s19+$0x0] =	vst v4  }
0x318: {  	v4 =	vld [tilespmem:s18+$0x10];
	_ =	sdelay $0x1  }
0x319: {  	v5 =	vld [tilespmem:s19+$0x10];
	_ =	sdelay $0x2  }
0x31a: {  	v4 =	vmul.f32 v4, v3;
	_ =	sdelay $0x1  }
0x31b: {  	v4 =	vadd.f32 v4, v5;
	_ =	sdelay $0x1  }
0x31c: {  	[tilespmem:s19+$0x10] =	vst v4  }
0x31d: {  	v4 =	vld [tilespmem:s18+$0x20];
	_ =	sdelay $0x1  }
0x31e: {  	v5 =	vld [tilespmem:s19+$0x20];
	_ =	sdelay $0x2  }
0x31f: {  	v4 =	vmul.f32 v4, v3;
	_ =	sdelay $0x1  }
0x320: {  	v4 =	vadd.f32 v4, v5;
	_ =	sdelay $0x1  }
0x321: {  	[tilespmem:s19+$0x20] =	vst v4  }
0x322: {  	v4 =	vld [tilespmem:s18+$0x30];
	_ =	sdelay $0x1  }
0x323: {  	v5 =	vld [tilespmem:s19+$0x30];
	_ =	sdelay $0x2  }
0x324: {  	v4 =	vmul.f32 v4, v3;
	_ =	sdelay $0x1  }
0x325: {  	v4 =	vadd.f32 v4, v5;
	_ =	sdelay $0x1  }
0x326: {  	s21 =	sadd.s32 $0x80, s18;
	s22 =	smov.u32 s19;
	s20 =	simm.s32 $0x0;
	[tilespmem:s19+$0x30] =	vst v4  }
.LBB2_31:
0x327: {  	v4 =	vld [tilespmem:s21+$0xFFFFFFC0];
	s20 =	sadd.s32 $0x8, s20  }
0x328: {  	s22 =	sadd.s32 $0x80, s22;
	p0 =	slt.u32 s20, $0x38  }
0x329: {  	v5 =	vld [tilespmem:s22+$0xFFFFFFC0];
	_ =	sdelay $0x2  }
0x32a: {  	v4 =	vmul.f32 v4, v3;
	_ =	sdelay $0x1  }
0x32b: {  	v4 =	vadd.f32 v4, v5;
	_ =	sdelay $0x1  }
0x32c: {  	[tilespmem:s22+$0xFFFFFFC0] =	vst v4  }
0x32d: {  	v4 =	vld [tilespmem:s21+$0xFFFFFFD0];
	_ =	sdelay $0x1  }
0x32e: {  	v5 =	vld [tilespmem:s22+$0xFFFFFFD0];
	_ =	sdelay $0x2  }
0x32f: {  	v4 =	vmul.f32 v4, v3;
	_ =	sdelay $0x1  }
0x330: {  	v4 =	vadd.f32 v4, v5;
	_ =	sdelay $0x1  }
0x331: {  	[tilespmem:s22+$0xFFFFFFD0] =	vst v4  }
0x332: {  	v4 =	vld [tilespmem:s21+$0xFFFFFFE0];
	_ =	sdelay $0x1  }
0x333: {  	v5 =	vld [tilespmem:s22+$0xFFFFFFE0];
	_ =	sdelay $0x2  }
0x334: {  	v4 =	vmul.f32 v4, v3;
	_ =	sdelay $0x1  }
0x335: {  	v4 =	vadd.f32 v4, v5;
	_ =	sdelay $0x1  }
0x336: {  	[tilespmem:s22+$0xFFFFFFE0] =	vst v4  }
0x337: {  	v4 =	vld [tilespmem:s21+$0xFFFFFFF0];
	_ =	sdelay $0x1  }
0x338: {  	v5 =	vld [tilespmem:s22+$0xFFFFFFF0];
	_ =	sdelay $0x2  }
0x339: {  	v4 =	vmul.f32 v4, v3;
	_ =	sdelay $0x1  }
0x33a: {  	v4 =	vadd.f32 v4, v5;
	_ =	sdelay $0x1  }
0x33b: {  	[tilespmem:s22+$0xFFFFFFF0] =	vst v4  }
0x33c: {  	v4 =	vld [tilespmem:s21+$0x0];
	_ =	sdelay $0x1  }
0x33d: {  	v5 =	vld [tilespmem:s22+$0x0];
	_ =	sdelay $0x2  }
0x33e: {  	v4 =	vmul.f32 v4, v3;
	_ =	sdelay $0x1  }
0x33f: {  	v4 =	vadd.f32 v4, v5;
	_ =	sdelay $0x1  }
0x340: {  	[tilespmem:s22+$0x0] =	vst v4  }
0x341: {  	v4 =	vld [tilespmem:s21+$0x10];
	_ =	sdelay $0x1  }
0x342: {  	v5 =	vld [tilespmem:s22+$0x10];
	_ =	sdelay $0x2  }
0x343: {  	v4 =	vmul.f32 v4, v3;
	_ =	sdelay $0x1  }
0x344: {  	v4 =	vadd.f32 v4, v5;
	_ =	sdelay $0x1  }
0x345: {  	[tilespmem:s22+$0x10] =	vst v4  }
0x346: {  	v4 =	vld [tilespmem:s21+$0x20];
	_ =	sdelay $0x1  }
0x347: {  	v5 =	vld [tilespmem:s22+$0x20];
	_ =	sdelay $0x2  }
0x348: {  	v4 =	vmul.f32 v4, v3;
	_ =	sdelay $0x1  }
0x349: {  	v4 =	vadd.f32 v4, v5;
	_ =	sdelay $0x1  }
0x34a: {  	[tilespmem:s22+$0x20] =	vst v4  }
0x34b: {  	v4 =	vld [tilespmem:s21+$0x30];
	_ =	sdelay $0x1  }
0x34c: {  	v5 =	vld [tilespmem:s22+$0x30];
	_ =	sdelay $0x2  }
.Ltmp14:
0x34d: {  	v4 =	vmul.f32 v4, v3;
	(pc) =	sbr.rel @p0 .LBB2_31-.Ltmp14, $3  }
0x34e: {  	_ = 	snop  }
0x34f: {  	v4 =	vadd.f32 v4, v5;
	_ =	sdelay $0x1  }
0x350: {  	s21 =	sadd.s32 $0x80, s21;
	[tilespmem:s22+$0x30] =	vst v4  }
0x351: {  	s17 =	sadd.s32 $0x1, s17  }
0x352: {  	p0 =	sne.s32 s17, $0x20  }
.Ltmp15:
0x353: {  	_ = 	snop;
	(pc) =	sbr.rel @p0 .LBB2_30-.Ltmp15, $2  }
0x354: {  	_ =	sdelay $0x2  }
0x355: {  	s18 =	sadd.s32 $0x400, s18;
	s19 =	sadd.s32 $0x400, s19  }
0x356: {  	s13 =	sadd.s32 $0x1, s13  }
0x357: {  	p0 =	sne.s32 s13, s7  }
.Ltmp16:
0x358: {  	_ = 	snop;
	(pc) =	sbr.rel @p0 .LBB2_1-.Ltmp16, $4  }
0x359: {  	[hbm4b:s5+s1] =	stream.linear.scatter [tilespmem:s1], [sflag:$0x1], $0x8000, $0x38;
	[tilespmem:$0x10080] =	vst v63  }
0x35a: {  	_ =	swait.ge [sflag:s11], $0x8000  }
0x35b: {  	[sflag:s11] =	ssyncset.done $0x0  }
0x35c: {  	[sflag:s11] =	ssyncadd.s32 $0xFFFF8000  }
0x35d: {  	_ =	sfence.sel $0x180000  }
0x35e: {  	[bflag:$0x0] =	sbarrier.arrive $0xFFFF  }
0x35f: {  	_ =	strace $0x9000004A  }
0x360: {  	s0 =	stileid.u32;
	[bflag:$0x2] =	sbarrier.arrive $0xFFFF  }
0x361: {  	p0 =	sne.s32 s0, $0x0;
	s0 =	rddreg [dreg:$0x2]  }
0x362: {  	s0 =	sadd.s32 @!p0 $0x100000, s0  }
0x363: {  	[sflag:s0] =	ssyncadd.tile.s32 @!p0 $0x1;
	_ =	shalt  }
.Lfunc_end2:
_tile_overlayer_lowered:
.L_overlay_start_2:
0x364: {  	(tag) =	ssettag $0x2  }
0x365: {  	s0 =	rddreg [dreg:$0x0];
	s2 =	stileid.u32  }
0x366: {  	s1 =	rddreg [dreg:$0x1];
	p0 =	sne.s32 s2, $0x0  }
0x367: {  	s3 =	rddreg [dreg:$0x2];
	[bflag:$0x3] =	sbarrier.arrive $0xFFFF;
	s2 =	simm.s32 @!p0 $0x1C01  }
0x368: {  	[timem:s3], [sflag:s2] =	dma.local @!p0 [hbm:s0], s1  }
0x369: {  	s0 =	simm.s32 @!p0 $0x1  }
0x36a: {  	_ =	swait.ge @!p0 [sflag:s0], s1  }
0x36b: {  	s1 =	ssub.s32 @!p0 $0x0, s1;
	[sflag:s0] =	ssyncset.done @!p0 $0x0  }
0x36c: {  	[sflag:s0] =	ssyncadd.s32 @!p0 s1  }
0x36d: {  	[bflag:$0x3] =	sbarrier.arrive $0xFFFF  }
0x36e: {  	_ =	shalt  }

// kernel: sparse-core-data-format-call.cloned.1.call-start
scs
called_computation_lowered:
.L_overlay_start_0:
0x0: {  	s2 =	sld [smem:$0x3FD9]  }
0x1: {  	s3 =	sld [smem:$0x3FFE];
	_ =	sdelay $0x1  }
0x2: {  	s1 =	srdreg.scid  }
0x3: {  	s0 =	sand.u32 $0x1, s1  }
0x4: {  	s19 =	sshll.u32 s0, $0xA;
	s2 =	sadd.s32 s3, s2  }
0x5: {  	s2 =	sadd.s32 s2, s19  }
0x6: {  	[smem:$0x3FC6] =	sst s2  }
0x7: {  	_ = 	snop  }
0x8: {  	s2 =	sld [smem:$0x3FC9]  }
0x9: {  	s20 =	sld [smem:$0x3FD0];
	(tm) =	ssettm $0x1  }
0xa: {  	s4 =	sld [smem:$0x3FFB];
	_ =	sdelay $0x3  }
0xb: {  	_ =	strace s4  }
0xc: {  	s4 =	sld [smem:$0x3FFC];
	_ =	sdelay $0x3  }
0xd: {  	_ =	strace s4  }
0xe: {  	s4 =	sld [smem:$0x3FFD];
	_ =	sdelay $0x3  }
0xf: {  	_ =	strace s4  }
0x10: {  	_ =	strace $0x8FFFFFFF  }
0x11: {  	s21 =	sld [smem:$0x3FDB];
	_ =	sdelay $0x1  }
0x12: {  	s5 =	simm.s32 $_scs_section_size  }
0x13: {  	s6 =	simm.s32 $_size__tile_overlayer_lowered;
	s7 =	simm.s32 $_tile_overlayer_lowered  }
0x14: {  	s24 =	simm.s32 $0x1BFF;
	s23 =	sshll.u32 s7, $0x1;
	s4 =	sadd.s32 s5, s21  }
0x15: {  	s8 =	simm.s32 $0x0;
	s22 =	sshll.u32 s6, $0x1;
	s6 =	sadd.s32 s23, s4  }
0x16: {  	[timem:s8], [sflag:s24] =	dma.local [hbm:s6], s22  }
0x17: {  	_ =	swait.ge [sflag:s24], s22  }
0x18: {  	s5 =	ssub.s32 $0x0, s22;
	[sflag:s24] =	ssyncset.done $0x0  }
0x19: {  	[sflag:s24] =	ssyncadd.s32 s5;
	_ =	sdelay $0x1  }
0x1a: {  	s25 =	simm.s32 $0x1B8B  }
0x1b: {  	_ =	swait.ge [sflag:s25], $0x1  }
0x1c: {  	[sflag:s25] =	ssyncset.done $0x0  }
0x1d: {  	s26 =	simm.s32 $0x1B8E;
	[sflag:s25] =	ssyncadd.s32 $0xFFFFFFFF  }
0x1e: {  	s27 =	simm.s32 $execute0_lowered;
	[smem:$0x3FD2] =	sst s26  }
0x1f: {  	s5 =	sshll.u32 s27, $0x1;
	_ =	strace $0x80000046;
	[dreg:$0x1] =	wrdreg $0xFFFFFFFF  }
0x20: {  	s28 =	simm.s32 $_size_execute0_lowered;
	s4 =	sadd.s32 s4, s5;
	[dreg:$0x0] =	wrdreg $0x0  }
0x21: {  	s5 =	sshll.u32 s28, $0x1;
	[dreg:$0x2] =	wrdreg s4  }
0x22: {  	[dreg:$0x3] =	wrdreg s5  }
0x23: {  	[dreg:$0x4] =	wrdreg $0xC0  }
0x24: {  	_ =	task [dreg:s8], $0x5FFFF  }
0x25: {  	[dreg:$0x1] =	wrdreg $0xFFFFFFFF  }
0x26: {  	[dreg:$0x0] =	wrdreg $0x60  }
0x27: {  	[dreg:$0x2] =	wrdreg s2  }
0x28: {  	[dreg:$0x3] =	wrdreg s20  }
0x29: {  	[dreg:$0x4] =	wrdreg $0x9  }
0x2a: {  	_ =	task.clear_ibuf [dreg:s8], $0x5FFFF;
	_ =	strace $0x90000046  }
0x2b: {  	s29 =	simm.s32 $0x9;
	_ =	strace $0x80000048  }
0x2c: {  	_ =	swait.ge [sflag:s29], $0x1  }
0x2d: {  	[sflag:s29] =	ssyncadd.s32 $0xFFFFFFFF  }
0x2e: {  	_ =	strace $0x90000048  }
0x2f: {  	_ =	sfence  }
0x30: {  	s30 =	sld [smem:$0x0];
	_ =	sdelay $0x2  }
0x31: {  	s31 =	sshll.u32 s1, $0xD;
	s1 =	sshrl.u32 s1, $0x2  }
0x32: {  	s3 =	sand.u32 $0x4000, s31;
	s1 =	sadd.s32 s1, s30  }
0x33: {  	s0 =	sor.u32 s3, s0;
	s1 =	sshll.u32 s1, $0x11  }
0x34: {  	s0 =	sor.u32 s1, s0  }
0x35: {  	s0 =	sadd.s32 $0x8F2B, s0  }
0x36: {  	[sflag:s0] =	ssyncadd.remote.s32 $0x1  }
0x37: {  	_ =	sfence.sel $0xFFFF  }
0x38: {  	[dreg:$0x0] =	wrdreg $0xFFFFFFFF;
	(pc) =	sbr.abs _section_cstart, $3  }
0x39: {  	[dreg:$0x1] =	wrdreg $0xFFFFFFFF  }
0x3a: {  	_ =	task.clear_ibuf [dreg:s8], $0x2FFFF;
	_ =	strace $0x9FFFFFFF  }
0x3b: {  	(tm) =	ssettm $0x7FFFFFFF  }
tec
execute0_lowered:
.L_overlay_start_1:
0x0: {  	(tag) =	ssettag $0x1  }
0x1: {  	s0 =	srdreg.scid  }
0x2: {  	s1 =	sshll.u32 s0, $0x4  }
0x3: {  	s2 =	rddreg [dreg:$0x0];
	s0 =	stileid.u32;
	s1 =	sand.u32 $0x10, s1  }
0x4: {  	s4 =	rddreg [dreg:$0x1];
	s1 =	sor.u32 s0, s1  }
0x5: {  	s7 =	simm.s32 $0x1;
	s8 =	simm.s32 $0x2;
	s3 =	sshll.u32 s1, $0x1  }
0x6: {  	s9 =	simm.s32 $0x0;
	s12 =	simm.s32 $0x0;
	s6 =	ssub.s32 $0x400, s3  }
.Ltmp0:
0x7: {  	s11 =	simm.s32 $0x0;
	s5 =	sand.u32 $0x3E, s6;
	(pc) =	sbr.rel .LBB1_1-.Ltmp0, $4  }
0x8: {  	s1 =	rddreg [dreg:$0x2];
	_ =	strace $0x80000047;
	p0 =	sne.s32 s5, $0x0  }
0x9: {  	s6 =	sshrl.u32 s6, $0x6;
	s5 =	simm.s32 $0x1;
	s7 =	simm.s32 @!p0 $0x0  }
0xa: {  	s10 =	smov.u32 s3;
	[sflag:s5] =	ssyncpa.u1 $0x0;
	s6 =	sadd.s32 s7, s6  }
0xb: {  	[sflag:s8] =	ssyncpa.u1 $0x0;
	s8 =	simm.s32 $0x0;
	s7 =	sadd.s32 $0x1, s6  }
.LBB1_9:
0xc: {  	s14 =	sadd.s32 $0x40, s10  }
0xd: {  	p1 =	sgt.s32 s14, $0x3FF  }
0xe: {  	s14 =	smov.u32 @p1 s3;
	p1 =	sne.s32 s11, s7  }
.Ltmp1:
0xf: {  	p0 =	slt.u32 s11, $0x2;
	(pc) =	sbr.rel @!p1 .LBB1_10-.Ltmp1, $4  }
0x10: {  	s13 =	simm.s32 @!p0 $0x2  }
0x11: {  	s15 =	sadd.s32 $0x1, s11;
	_ =	swait.ge @!p0 [sflag:s13], $0x4000  }
0x12: {  	s12 =	smov.u32 s10;
	s9 =	sadd.s32 $0x4000, s9;
	[sflag:s13] =	ssyncset.done @!p0 $0x0  }
0x13: {  	s11 =	smov.u32 s15;
	s10 =	smov.u32 s14;
	[sflag:s13] =	ssyncadd.s32 @!p0 $0xFFFFC000  }
.LBB1_1:
0x14: {  	p0 =	sge.u32 s11, s6  }
0x15: {  	s13 =	sxor.u32 @!p0 $0xFFFFFFFF, s11  }
0x16: {  	s31 =	sadd.s32 $0xFFFFFFFF, s11;
	s14 =	sshll.u32 @!p0 s10, $0xA;
	s13 =	sshll.u32 @!p0 s13, $0xE  }
0x17: {  	s15 =	simm.s32 @!p0 $0x0;
	s14 =	sadd.s32 @!p0 s2, s14;
	s13 =	sand.u32 @!p0 $0x4000, s13  }
0x18: {  	[tilespmem:s13], [sflag:$0x1] =	stream.linear.gather @!p0 [hbm4b:s14+s15], $0x4000, $0x38;
	[tilespmem:$0x10000] =	vst v63  }
0x19: {  	p0 =	sge.u32 s31, s6  }
.Ltmp2:
0x1a: {  	_ = 	snop;
	(pc) =	sbr.rel @p0 .LBB1_9-.Ltmp2, $1  }
0x1b: {  	_ =	sdelay $0x3  }
0x1c: {  	s13 =	sshll.u32 s9, $0x2  }
0x1d: {  	_ =	swait.ge [sflag:s5], $0x4000;
	s14 =	sshll.u32 s11, $0xE;
	s16 =	simm.s32 $0x0  }
0x1e: {  	p1 =	por $0x1, $0x1;
	s13 =	sand.u32 $0x10000, s13;
	[sflag:s5] =	ssyncset.done $0x0  }
0x1f: {  	s14 =	sand.u32 $0x4000, s14;
	s15 =	sshrl.u32 s13, $0x2;
	[sflag:s5] =	ssyncadd.s32 $0xFFFFC000  }
0x20: {  	s13 =	sor.u32 $0x8000, s14;
	s14 =	sadd.s32 $0x8040, s15;
	s15 =	sadd.s32 $0x40, s15  }
.LBB1_3:
0x21: {  	s16 =	sshll.u32 s16, $0x2  }
0x22: {  	p0 =	por p1, p1;
	s17 =	sshra.s32 s16, $0x2  }
0x23: {  	s18 =	simm.s32 $0x0;
	s16 =	sadd.s32 s17, s14;
	s17 =	sadd.s32 s17, s15  }
.LBB1_4:
0x24: {  	v0 =	vmov s17;
	_ =	sdelay $0x3  }
0x25: {  	s20 =	simm.s32 $0x0  }
0x26: {  	v6 =	vld.idx.msk [tilespmem:v0+s20+$0x30 ss:$0x1], $0xffff  }
0x27: {  	v7 =	vld.idx.msk [tilespmem:v0+s20+$0xFFFFFFC0 ss:$0x1], $0xffff  }
0x28: {  	v5 =	vld.idx.msk [tilespmem:v0+s20+$0xFFFFFFD0 ss:$0x1], $0xffff  }
0x29: {  	v4 =	vld.idx.msk [tilespmem:v0+s20+$0xFFFFFFE0 ss:$0x1], $0xffff  }
0x2a: {  	v3 =	vld.idx.msk [tilespmem:v0+s20+$0xFFFFFFF0 ss:$0x1], $0xffff  }
0x2b: {  	v1 =	vld.idx.msk [tilespmem:v0+s20+$0x0 ss:$0x1], $0xffff  }
0x2c: {  	v2 =	vld.idx.msk [tilespmem:v0+s20+$0x10 ss:$0x1], $0xffff;
	[tilespmem:s16+$0x30] =	vst v6  }
0x2d: {  	s19 =	simm.s32 $0x80;
	s21 =	simm.s32 $0x400;
	[tilespmem:s16+$0xFFFFFFC0] =	vst v7;
	v6 =	vld.idx.msk [tilespmem:v0+s20+$0x20 ss:$0x1], $0xffff;
	s20 =	smov.u32 s16  }
.LBB1_5:
0x2e: {  	p1 =	sne.s32 s21, $0xE00;
	v7 =	vld.idx.msk [tilespmem:v0+s19+$0x30 ss:$0x1], $0xffff;
	[tilespmem:s20+$0xFFFFFFD0] =	vst v5  }
0x2f: {  	v8 =	vld.idx.msk [tilespmem:v0+s19+$0xFFFFFFC0 ss:$0x1], $0xffff;
	[tilespmem:s20+$0xFFFFFFE0] =	vst v4  }
0x30: {  	v5 =	vld.idx.msk [tilespmem:v0+s19+$0xFFFFFFD0 ss:$0x1], $0xffff;
	[tilespmem:s20+$0xFFFFFFF0] =	vst v3  }
.Ltmp3:
0x31: {  	v4 =	vld.idx.msk [tilespmem:v0+s19+$0xFFFFFFE0 ss:$0x1], $0xffff;
	[tilespmem:s20+$0x0] =	vst v1;
	(pc) =	sbr.rel @p1 .LBB1_5-.Ltmp3, $4  }
0x32: {  	v3 =	vld.idx.msk [tilespmem:v0+s19+$0xFFFFFFF0 ss:$0x1], $0xffff;
	[tilespmem:s20+$0x10] =	vst v2  }
0x33: {  	v1 =	vld.idx.msk [tilespmem:v0+s19+$0x0 ss:$0x1], $0xffff;
	[tilespmem:s20+$0x20] =	vst v6;
	s20 =	sadd.s32 $0x400, s20  }
0x34: {  	v2 =	vld.idx.msk [tilespmem:v0+s19+$0x10 ss:$0x1], $0xffff;
	[tilespmem:s20+$0x30] =	vst v7  }
0x35: {  	[tilespmem:s20+$0xFFFFFFC0] =	vst v8;
	v6 =	vld.idx.msk [tilespmem:v0+s19+$0x20 ss:$0x1], $0xffff;
	s19 =	sshra.s32 s21, $0x2;
	s21 =	sadd.s32 $0x200, s21  }
0x36: {  	_ =	sdelay $0x2  }
0x37: {  	[tilespmem:s20+$0xFFFFFFD0] =	vst v5  }
0x38: {  	v56 =	vld.idx.msk [tilespmem:v0+s19+$0x30 ss:$0x1], $0xffff;
	[tilespmem:s20+$0xFFFFFFE0] =	vst v4  }
0x39: {  	v57 =	vld.idx.msk [tilespmem:v0+s19+$0xFFFFFFC0 ss:$0x1], $0xffff;
	[tilespmem:s20+$0xFFFFFFF0] =	vst v3  }
0x3a: {  	v58 =	vld.idx.msk [tilespmem:v0+s19+$0xFFFFFFD0 ss:$0x1], $0xffff;
	[tilespmem:s20+$0x0] =	vst v1  }
0x3b: {  	v59 =	vld.idx.msk [tilespmem:v0+s19+$0xFFFFFFE0 ss:$0x1], $0xffff;
	[tilespmem:s20+$0x10] =	vst v2  }
0x3c: {  	v60 =	vld.idx.msk [tilespmem:v0+s19+$0xFFFFFFF0 ss:$0x1], $0xffff;
	s31 =	sadd.s32 $0x400, s20;
	[tilespmem:s20+$0x20] =	vst v6  }
0x3d: {  	v61 =	vld.idx.msk [tilespmem:v0+s19+$0x0 ss:$0x1], $0xffff;
	[tilespmem:s31+$0x30] =	vst v56  }
0x3e: {  	v62 =	vld.idx.msk [tilespmem:v0+s19+$0x10 ss:$0x1], $0xffff;
	s18 =	sadd.s32 $0x1, s18;
	[tilespmem:s31+$0xFFFFFFC0] =	vst v57  }
0x3f: {  	v63 =	vld.idx.msk [tilespmem:v0+s19+$0x20 ss:$0x1], $0xffff;
	p1 =	sne.s32 s18, $0x8;
	[tilespmem:s31+$0xFFFFFFD0] =	vst v58  }
.Ltmp4:
0x40: {  	[tilespmem:s31+$0xFFFFFFE0] =	vst v59;
	(pc) =	sbr.rel @p1 .LBB1_4-.Ltmp4, $4  }
0x41: {  	[tilespmem:s31+$0xFFFFFFF0] =	vst v60  }
0x42: {  	[tilespmem:s31+$0x0] =	vst v61  }
0x43: {  	[tilespmem:s31+$0x10] =	vst v62  }
0x44: {  	s16 =	sadd.s32 $0x80, s16;
	s17 =	sadd.s32 $0x400, s17;
	[tilespmem:s31+$0x20] =	vst v63  }
.Ltmp5:
0x45: {  	(pc) =	sbr.rel @p0 .LBB1_3-.Ltmp5, $2  }
0x46: {  	_ =	sdelay $0x2  }
0x47: {  	s16 =	simm.s32 $0x2000;
	p1 =	por $0x0, $0x0  }
.Ltmp6:
0x48: {  	(pc) =	sbr.rel .LBB1_9-.Ltmp6, $4  }
0x49: {  	_ = 	snop  }
0x4a: {  	s12 =	sshll.u32 s12, $0xA  }
0x4b: {  	s12 =	sadd.s32 s4, s12  }
0x4c: {  	[hbm4b:s12+s8] =	stream.linear.scatter [tilespmem:s13], [sflag:$0x2], $0x4000, $0x38;
	[tilespmem:$0x10000] =	vst v63  }
.LBB1_10:
0x4d: {  	_ =	sfence.sel $0x180000  }
0x4e: {  	s2 =	simm.s32 $0x1;
	[bflag:$0x0] =	sbarrier.arrive $0xFFFF  }
0x4f: {  	s31 =	simm.s32 $0x2;
	[sflag:s2] =	ssyncpa.u1 $0x1  }
0x50: {  	[sflag:s31] =	ssyncpa.u1 $0x1  }
0x51: {  	p0 =	sne.s32 s0, $0x0;
	_ =	strace $0x90000047  }
0x52: {  	s0 =	sadd.s32 @!p0 $0x100000, s1;
	[bflag:$0x2] =	sbarrier.arrive $0xFFFF  }
0x53: {  	[sflag:s0] =	ssyncadd.tile.s32 @!p0 $0x1;
	_ =	shalt  }
.Lfunc_end1:
_tile_overlayer_lowered:
.L_overlay_start_2:
0x54: {  	(tag) =	ssettag $0x2  }
0x55: {  	s0 =	rddreg [dreg:$0x0];
	s2 =	stileid.u32  }
0x56: {  	s1 =	rddreg [dreg:$0x1];
	p0 =	sne.s32 s2, $0x0  }
0x57: {  	s3 =	rddreg [dreg:$0x2];
	[bflag:$0x3] =	sbarrier.arrive $0xFFFF;
	s2 =	simm.s32 @!p0 $0x1C01  }
0x58: {  	[timem:s3], [sflag:s2] =	dma.local @!p0 [hbm:s0], s1  }
0x59: {  	s0 =	simm.s32 @!p0 $0x1  }
0x5a: {  	_ =	swait.ge @!p0 [sflag:s0], s1  }
0x5b: {  	s1 =	ssub.s32 @!p0 $0x0, s1;
	[sflag:s0] =	ssyncset.done @!p0 $0x0  }
0x5c: {  	[sflag:s0] =	ssyncadd.s32 @!p0 s1  }
0x5d: {  	[bflag:$0x3] =	sbarrier.arrive $0xFFFF  }
0x5e: {  	_ =	shalt  }

</sc_bundles>
